<compile_context>
chip_gen: v7x
topology: tpu7x:2x2x1
jax: 0.10.2.dev20260603
libtpu: 0.0.44.dev20260713+nightly
codegen_flags: <defaults>
</compile_context>

<pallas_src>
import functools

import jax
import jax.numpy as jnp
from jax import lax
from jax.experimental import pallas as pl
from jax.experimental.pallas import tpu as pltpu
from jax.experimental.pallas import tpu_sc as plsc

_LANES = 16
_NSLOT = 3


def _sc_body(rows_per_w, chunk_rows, D, B, n_chunks,
             x_hbm, pos_hbm, out_hbm,
             x_v0, x_v1, x_v2, p_v0, p_v1, p_v2,
             sx0, sx1, sx2, sp0, sp1, sp2, so0, so1, so2):
    x_v = (x_v0, x_v1, x_v2)
    p_v = (p_v0, p_v1, p_v2)
    sx = (sx0, sx1, sx2)
    sp = (sp0, sp1, sp2)
    so = (so0, so1, so2)

    wid = lax.axis_index("s") * 2 + lax.axis_index("c")
    row0 = wid * rows_per_w
    row_iters = D // _LANES
    rsh = row_iters.bit_length() - 1
    jmask = row_iters - 1
    vec_iters = chunk_rows * row_iters

    def nxt(c):
        return jnp.where(c + 1 == n_chunks, 0, c + 1)

    def start_in(c, s):
        rows = pl.ds(row0 + c * chunk_rows, chunk_rows)
        pltpu.make_async_copy(x_hbm.at[:, rows, :], x_v[s], sx[s]).start()
        pltpu.make_async_copy(pos_hbm.at[rows, :], p_v[s], sp[s]).start()

    def wait_in(s):
        rows0 = pl.ds(0, chunk_rows)
        pltpu.make_async_copy(x_hbm.at[:, rows0, :], x_v[s], sx[s]).wait()
        pltpu.make_async_copy(pos_hbm.at[rows0, :], p_v[s], sp[s]).wait()

    def start_out(c, s):
        rows = pl.ds(row0 + c * chunk_rows, chunk_rows)
        pltpu.make_async_copy(x_v[s], out_hbm.at[:, rows, :], so[s]).start()

    def wait_out(s):
        rows0 = pl.ds(0, chunk_rows)
        pltpu.make_async_copy(x_v[s], out_hbm.at[:, rows0, :], so[s]).wait()

    def chunk_body(c, s, first):
        sn = (s + 1) % _NSLOT
        if not first:
            wait_out(sn)
        start_in(nxt(c), sn)
        wait_in(s)

        xv = x_v[s]
        pv = p_v[s]

        def add_loop(i, _):
            r = i >> rsh
            sl = pl.ds((i & jmask) * _LANES, _LANES)
            vp = pv[r, sl]
            for b in range(B):
                xv[b, r, sl] = xv[b, r, sl] + vp
            return ()

        lax.fori_loop(0, vec_iters, add_loop, (), unroll=4)
        start_out(c, s)

    start_in(0, 0)
    chunk_body(0, 0, True)
    chunk_body(1, 1, True)

    branches = [functools.partial(chunk_body, s=s, first=False)
                for s in range(_NSLOT)]

    def loop_body(c, _):
        lax.switch(c % _NSLOT, branches, c)
        return ()

    lax.fori_loop(2, n_chunks, loop_body, ())

    last = (n_chunks - 1) % _NSLOT
    wait_in((last + 1) % _NSLOT)
    wait_out((last + _NSLOT - 1) % _NSLOT)
    wait_out(last)


def _sc_add(x, pos, B, S, D):
    info = plsc.get_sparse_core_info()
    nw = info.num_cores * info.num_subcores
    rows_per_w = S // nw
    chunk_rows = 8
    n_chunks = rows_per_w // chunk_rows
    assert rows_per_w % chunk_rows == 0 and n_chunks >= 3
    mesh = plsc.VectorSubcoreMesh(core_axis_name="c", subcore_axis_name="s")
    f = pl.kernel(
        functools.partial(_sc_body, rows_per_w, chunk_rows, D, B, n_chunks),
        mesh=mesh,
        out_type=jax.ShapeDtypeStruct((B, S, D), jnp.float32),
        scratch_types=(
            [pltpu.VMEM((B, chunk_rows, D), jnp.float32)] * _NSLOT
            + [pltpu.VMEM((chunk_rows, D), jnp.float32)] * _NSLOT
            + [pltpu.SemaphoreType.DMA] * (3 * _NSLOT)
        ),
    )
    return f(x, pos)


def kernel(x, pos_table):
    B, S, D = x.shape
    assert S <= pos_table.shape[0] and S % 32 == 0
    return _sc_add(x, pos_table[:S], B, S, D)

# --- scband reference (transcript-rebuilt; emitter-appended) ---
"""Pipeline reference for scband-positional-embedding-9225589752349 (READ-ONLY COPY).

The authoritative reference and input builder live on the scoring server;
editing this copy changes nothing except your own understanding.
"""

import jax, jax.numpy as jnp
import numpy as np

MAX_LEN = 8192
EMBED_DIM = 1024
BATCH = 4
SEQ_LEN = 8192

def setup_inputs(seed: int = 0) -> dict:
    key = jax.random.key(seed)
    k1, k2 = jax.random.split(key)
    x = jax.random.normal(k1, (BATCH, SEQ_LEN, EMBED_DIM), dtype=jnp.float32)
    # learned positional embedding table, sized per init_kwargs
    pos_table = jax.random.uniform(k2, (MAX_LEN, EMBED_DIM), dtype=jnp.float32, minval=-0.05, maxval=0.05)
    return {"x": x, "pos_table": pos_table}

def reference(x, pos_table):
    seq_len = x.shape[1]
    positions = jnp.arange(0, seq_len, 1)
    positions = jnp.minimum(positions, MAX_LEN - 1)
    pos = jnp.take(pos_table, positions, axis=0)  # [seq_len, embed_dim]
    return x + pos[None, :, :]

if __name__ == "__main__":
    import jax
    _d = setup_inputs()
    print(jax.jit(kernel)(*tuple(_d.values())))

</pallas_src>

<mosaic_0001>
#map = affine_map<(d0, d1) -> (0, 0, 0)>
#map1 = affine_map<(d0, d1) -> (0, 0)>
module attributes {stable_mosaic.version = 14 : i64} {
  func.func @_sc_body(%arg0: i32, %arg1: i32, %arg2: memref<4x8192x1024xf32, #tpu.memory_space<hbm>>, %arg3: memref<8192x1024xf32, #tpu.memory_space<hbm>>, %arg4: memref<4x8192x1024xf32, #tpu.memory_space<hbm>>, %arg5: memref<4x8x1024xf32, #tpu.memory_space<vmem>>, %arg6: memref<4x8x1024xf32, #tpu.memory_space<vmem>>, %arg7: memref<4x8x1024xf32, #tpu.memory_space<vmem>>, %arg8: memref<8x1024xf32, #tpu.memory_space<vmem>>, %arg9: memref<8x1024xf32, #tpu.memory_space<vmem>>, %arg10: memref<8x1024xf32, #tpu.memory_space<vmem>>, %arg11: memref<!tpu.dma_semaphore, #tpu.memory_space<semaphore_mem>>, %arg12: memref<!tpu.dma_semaphore, #tpu.memory_space<semaphore_mem>>, %arg13: memref<!tpu.dma_semaphore, #tpu.memory_space<semaphore_mem>>, %arg14: memref<!tpu.dma_semaphore, #tpu.memory_space<semaphore_mem>>, %arg15: memref<!tpu.dma_semaphore, #tpu.memory_space<semaphore_mem>>, %arg16: memref<!tpu.dma_semaphore, #tpu.memory_space<semaphore_mem>>, %arg17: memref<!tpu.dma_semaphore, #tpu.memory_space<semaphore_mem>>, %arg18: memref<!tpu.dma_semaphore, #tpu.memory_space<semaphore_mem>>, %arg19: memref<!tpu.dma_semaphore, #tpu.memory_space<semaphore_mem>>) attributes {dimension_semantics = [#tpu.dimension_semantics<core_parallel>, #tpu.dimension_semantics<subcore_parallel>], iteration_bounds = array<i64: 2, 16>, scalar_prefetch = 0 : i64, scratch_operands = 15 : i64, tpu.core_type = #tpu.core_type<sc_vector_subcore>, window_params = [{transform_indices = #map}, {transform_indices = #map1}, {transform_indices = #map}]} {
    %mul3A = arith.constant 2 : i32
    %mul3A_0 = arith.muli %arg1, %mul3A : i32
    %add3A = arith.addi %mul3A_0, %arg0 : i32
    %mul3A_1 = arith.constant 256 : i32
    %mul3A_2 = arith.muli %add3A, %mul3A_1 : i32
    %add3A_3 = arith.constant 0 : i32
    %add3A_4 = arith.addi %mul3A_2, %add3A_3 : i32
    %dma_start3A = arith.constant 0 : i32
    %dma_start3A_5 = arith.constant 0 : i32
    %dma_start3A_6 = tpu.memref_slice %arg2[%dma_start3A, %add3A_4, %dma_start3A_5] : memref<4x8192x1024xf32, #tpu.memory_space<hbm>> -> memref<4x8x1024xf32, #tpu.memory_space<hbm>>
    %dma_start3A_7 = arith.constant 0 : i32
    %dma_start3A_8 = arith.constant 0 : i32
    %dma_start3A_9 = tpu.memref_slice %arg2[%dma_start3A_7, %add3A_4, %dma_start3A_8] : memref<4x8192x1024xf32, #tpu.memory_space<hbm>> -> memref<4x8x1024xf32, #tpu.memory_space<hbm>>
    tpu.enqueue_dma source(%dma_start3A_9 : memref<4x8x1024xf32, #tpu.memory_space<hbm>>) target(%arg5 : memref<4x8x1024xf32, #tpu.memory_space<vmem>>) target_semaphore(%arg11 : memref<!tpu.dma_semaphore, #tpu.memory_space<semaphore_mem>>)
    %dma_start3A_10 = arith.constant 0 : i32
    %dma_start3A_11 = tpu.memref_slice %arg3[%add3A_4, %dma_start3A_10] : memref<8192x1024xf32, #tpu.memory_space<hbm>> -> memref<8x1024xf32, #tpu.memory_space<hbm>>
    %dma_start3A_12 = arith.constant 0 : i32
    %dma_start3A_13 = tpu.memref_slice %arg3[%add3A_4, %dma_start3A_12] : memref<8192x1024xf32, #tpu.memory_space<hbm>> -> memref<8x1024xf32, #tpu.memory_space<hbm>>
    tpu.enqueue_dma source(%dma_start3A_13 : memref<8x1024xf32, #tpu.memory_space<hbm>>) target(%arg8 : memref<8x1024xf32, #tpu.memory_space<vmem>>) target_semaphore(%arg14 : memref<!tpu.dma_semaphore, #tpu.memory_space<semaphore_mem>>)
    %jit3A = arith.constant false
    %jit3A_14 = arith.constant 0 : i32
    %jit3A_15 = arith.constant 1 : i32
    %select_n3A = arith.select %jit3A, %jit3A_14, %jit3A_15 : i32
    %mul3A_16 = arith.constant 8 : i32
    %mul3A_17 = arith.muli %select_n3A, %mul3A_16 : i32
    %add3A_18 = arith.addi %mul3A_2, %mul3A_17 : i32
    %dma_start3A_19 = arith.constant 0 : i32
    %dma_start3A_20 = arith.constant 0 : i32
    %dma_start3A_21 = tpu.memref_slice %arg2[%dma_start3A_19, %add3A_18, %dma_start3A_20] : memref<4x8192x1024xf32, #tpu.memory_space<hbm>> -> memref<4x8x1024xf32, #tpu.memory_space<hbm>>
    %dma_start3A_22 = arith.constant 0 : i32
    %dma_start3A_23 = arith.constant 0 : i32
    %dma_start3A_24 = tpu.memref_slice %arg2[%dma_start3A_22, %add3A_18, %dma_start3A_23] : memref<4x8192x1024xf32, #tpu.memory_space<hbm>> -> memref<4x8x1024xf32, #tpu.memory_space<hbm>>
    tpu.enqueue_dma source(%dma_start3A_24 : memref<4x8x1024xf32, #tpu.memory_space<hbm>>) target(%arg6 : memref<4x8x1024xf32, #tpu.memory_space<vmem>>) target_semaphore(%arg12 : memref<!tpu.dma_semaphore, #tpu.memory_space<semaphore_mem>>)
    %dma_start3A_25 = arith.constant 0 : i32
    %dma_start3A_26 = tpu.memref_slice %arg3[%add3A_18, %dma_start3A_25] : memref<8192x1024xf32, #tpu.memory_space<hbm>> -> memref<8x1024xf32, #tpu.memory_space<hbm>>
    %dma_start3A_27 = arith.constant 0 : i32
    %dma_start3A_28 = tpu.memref_slice %arg3[%add3A_18, %dma_start3A_27] : memref<8192x1024xf32, #tpu.memory_space<hbm>> -> memref<8x1024xf32, #tpu.memory_space<hbm>>
    tpu.enqueue_dma source(%dma_start3A_28 : memref<8x1024xf32, #tpu.memory_space<hbm>>) target(%arg9 : memref<8x1024xf32, #tpu.memory_space<vmem>>) target_semaphore(%arg15 : memref<!tpu.dma_semaphore, #tpu.memory_space<semaphore_mem>>)
    %dma_wait3A = arith.constant 0 : i32
    %dma_wait3A_29 = arith.constant 0 : i32
    %dma_wait3A_30 = arith.constant 0 : i32
    %dma_wait3A_31 = tpu.memref_slice %arg2[%dma_wait3A, %dma_wait3A_29, %dma_wait3A_30] : memref<4x8192x1024xf32, #tpu.memory_space<hbm>> -> memref<4x8x1024xf32, #tpu.memory_space<hbm>>
    %dma_wait3A_32 = arith.constant 0 : i32
    %dma_wait3A_33 = arith.constant 0 : i32
    %dma_wait3A_34 = arith.constant 0 : i32
    %dma_wait3A_35 = tpu.memref_slice %arg2[%dma_wait3A_32, %dma_wait3A_33, %dma_wait3A_34] : memref<4x8192x1024xf32, #tpu.memory_space<hbm>> -> memref<4x8x1024xf32, #tpu.memory_space<hbm>>
    tpu.wait_dma2 semaphore(%arg11 : memref<!tpu.dma_semaphore, #tpu.memory_space<semaphore_mem>>) src(%dma_wait3A_35 : memref<4x8x1024xf32, #tpu.memory_space<hbm>>) dst(%arg5 : memref<4x8x1024xf32, #tpu.memory_space<vmem>>)
    %dma_wait3A_36 = arith.constant 0 : i32
    %dma_wait3A_37 = arith.constant 0 : i32
    %dma_wait3A_38 = tpu.memref_slice %arg3[%dma_wait3A_36, %dma_wait3A_37] : memref<8192x1024xf32, #tpu.memory_space<hbm>> -> memref<8x1024xf32, #tpu.memory_space<hbm>>
    %dma_wait3A_39 = arith.constant 0 : i32
    %dma_wait3A_40 = arith.constant 0 : i32
    %dma_wait3A_41 = tpu.memref_slice %arg3[%dma_wait3A_39, %dma_wait3A_40] : memref<8192x1024xf32, #tpu.memory_space<hbm>> -> memref<8x1024xf32, #tpu.memory_space<hbm>>
    tpu.wait_dma2 semaphore(%arg14 : memref<!tpu.dma_semaphore, #tpu.memory_space<semaphore_mem>>) src(%dma_wait3A_41 : memref<8x1024xf32, #tpu.memory_space<hbm>>) dst(%arg8 : memref<8x1024xf32, #tpu.memory_space<vmem>>)
    %scan3A = arith.constant 0 : i32
    %scan3A_42 = arith.constant 512 : i32
    %scan3A_43 = arith.addi %scan3A, %scan3A_42 : i32
    %scan3A_44 = arith.constant 4 : i32
    scf.for %scan3A_133 = %scan3A to %scan3A_43 step %scan3A_44  : i32 {
      %shift_right_arithmetic3A = arith.constant 6 : i32
      %shift_right_arithmetic3A_134 = arith.shrsi %scan3A_133, %shift_right_arithmetic3A : i32
      %and3A = arith.constant 63 : i32
      %and3A_135 = arith.andi %scan3A_133, %and3A : i32
      %mul3A_136 = arith.constant 16 : i32
      %mul3A_137 = arith.muli %and3A_135, %mul3A_136 : i32
      %get3A = arith.index_cast %shift_right_arithmetic3A_134 : i32 to index
      %get3A_138 = arith.index_cast %mul3A_137 : i32 to index
      %get3A_139 = tpu.vector_load %arg8[%get3A, %get3A_138] {strides = array<i32>} : memref<8x1024xf32, #tpu.memory_space<vmem>>, vector<1x16xf32>,
      %get3A_140 = vector.shape_cast %get3A_139 : vector<1x16xf32> to vector<16xf32>
      %get3A_141 = arith.constant 0 : i32
      %get3A_142 = arith.index_cast %get3A_141 : i32 to index
      %get3A_143 = arith.index_cast %shift_right_arithmetic3A_134 : i32 to index
      %get3A_144 = arith.index_cast %mul3A_137 : i32 to index
      %get3A_145 = tpu.vector_load %arg5[%get3A_142, %get3A_143, %get3A_144] {strides = array<i32>} : memref<4x8x1024xf32, #tpu.memory_space<vmem>>, vector<1x1x16xf32>,
      %get3A_146 = vector.shape_cast %get3A_145 : vector<1x1x16xf32> to vector<16xf32>
      %add3A_147 = arith.addf %get3A_146, %get3A_140 : vector<16xf32>
      %swap3A = arith.constant 0 : i32
      %swap3A_148 = arith.index_cast %swap3A : i32 to index
      %swap3A_149 = arith.index_cast %shift_right_arithmetic3A_134 : i32 to index
      %swap3A_150 = arith.index_cast %mul3A_137 : i32 to index
      %swap3A_151 = tpu.vector_load %arg5[%swap3A_148, %swap3A_149, %swap3A_150] {strides = array<i32>} : memref<4x8x1024xf32, #tpu.memory_space<vmem>>, vector<1x1x16xf32>,
      %swap3A_152 = vector.shape_cast %swap3A_151 : vector<1x1x16xf32> to vector<16xf32>
      %swap3A_153 = vector.shape_cast %add3A_147 : vector<16xf32> to vector<1x1x16xf32>
      tpu.vector_store %arg5[%swap3A_148, %swap3A_149, %swap3A_150], %swap3A_153 {strides = array<i32>} : memref<4x8x1024xf32, #tpu.memory_space<vmem>>, vector<1x1x16xf32>,
      %get3A_154 = arith.constant 1 : i32
      %get3A_155 = arith.index_cast %get3A_154 : i32 to index
      %get3A_156 = arith.index_cast %shift_right_arithmetic3A_134 : i32 to index
      %get3A_157 = arith.index_cast %mul3A_137 : i32 to index
      %get3A_158 = tpu.vector_load %arg5[%get3A_155, %get3A_156, %get3A_157] {strides = array<i32>} : memref<4x8x1024xf32, #tpu.memory_space<vmem>>, vector<1x1x16xf32>,
      %get3A_159 = vector.shape_cast %get3A_158 : vector<1x1x16xf32> to vector<16xf32>
      %add3A_160 = arith.addf %get3A_159, %get3A_140 : vector<16xf32>
      %swap3A_161 = arith.constant 1 : i32
      %swap3A_162 = arith.index_cast %swap3A_161 : i32 to index
      %swap3A_163 = arith.index_cast %shift_right_arithmetic3A_134 : i32 to index
      %swap3A_164 = arith.index_cast %mul3A_137 : i32 to index
      %swap3A_165 = tpu.vector_load %arg5[%swap3A_162, %swap3A_163, %swap3A_164] {strides = array<i32>} : memref<4x8x1024xf32, #tpu.memory_space<vmem>>, vector<1x1x16xf32>,
      %swap3A_166 = vector.shape_cast %swap3A_165 : vector<1x1x16xf32> to vector<16xf32>
      %swap3A_167 = vector.shape_cast %add3A_160 : vector<16xf32> to vector<1x1x16xf32>
      tpu.vector_store %arg5[%swap3A_162, %swap3A_163, %swap3A_164], %swap3A_167 {strides = array<i32>} : memref<4x8x1024xf32, #tpu.memory_space<vmem>>, vector<1x1x16xf32>,
      %get3A_168 = arith.constant 2 : i32
      %get3A_169 = arith.index_cast %get3A_168 : i32 to index
      %get3A_170 = arith.index_cast %shift_right_arithmetic3A_134 : i32 to index
      %get3A_171 = arith.index_cast %mul3A_137 : i32 to index
      %get3A_172 = tpu.vector_load %arg5[%get3A_169, %get3A_170, %get3A_171] {strides = array<i32>} : memref<4x8x1024xf32, #tpu.memory_space<vmem>>, vector<1x1x16xf32>,
      %get3A_173 = vector.shape_cast %get3A_172 : vector<1x1x16xf32> to vector<16xf32>
      %add3A_174 = arith.addf %get3A_173, %get3A_140 : vector<16xf32>
      %swap3A_175 = arith.constant 2 : i32
      %swap3A_176 = arith.index_cast %swap3A_175 : i32 to index
      %swap3A_177 = arith.index_cast %shift_right_arithmetic3A_134 : i32 to index
      %swap3A_178 = arith.index_cast %mul3A_137 : i32 to index
      %swap3A_179 = tpu.vector_load %arg5[%swap3A_176, %swap3A_177, %swap3A_178] {strides = array<i32>} : memref<4x8x1024xf32, #tpu.memory_space<vmem>>, vector<1x1x16xf32>,
      %swap3A_180 = vector.shape_cast %swap3A_179 : vector<1x1x16xf32> to vector<16xf32>
      %swap3A_181 = vector.shape_cast %add3A_174 : vector<16xf32> to vector<1x1x16xf32>
      tpu.vector_store %arg5[%swap3A_176, %swap3A_177, %swap3A_178], %swap3A_181 {strides = array<i32>} : memref<4x8x1024xf32, #tpu.memory_space<vmem>>, vector<1x1x16xf32>,
      %get3A_182 = arith.constant 3 : i32
      %get3A_183 = arith.index_cast %get3A_182 : i32 to index
      %get3A_184 = arith.index_cast %shift_right_arithmetic3A_134 : i32 to index
      %get3A_185 = arith.index_cast %mul3A_137 : i32 to index
      %get3A_186 = tpu.vector_load %arg5[%get3A_183, %get3A_184, %get3A_185] {strides = array<i32>} : memref<4x8x1024xf32, #tpu.memory_space<vmem>>, vector<1x1x16xf32>,
      %get3A_187 = vector.shape_cast %get3A_186 : vector<1x1x16xf32> to vector<16xf32>
      %add3A_188 = arith.addf %get3A_187, %get3A_140 : vector<16xf32>
      %swap3A_189 = arith.constant 3 : i32
      %swap3A_190 = arith.index_cast %swap3A_189 : i32 to index
      %swap3A_191 = arith.index_cast %shift_right_arithmetic3A_134 : i32 to index
      %swap3A_192 = arith.index_cast %mul3A_137 : i32 to index
      %swap3A_193 = tpu.vector_load %arg5[%swap3A_190, %swap3A_191, %swap3A_192] {strides = array<i32>} : memref<4x8x1024xf32, #tpu.memory_space<vmem>>, vector<1x1x16xf32>,
      %swap3A_194 = vector.shape_cast %swap3A_193 : vector<1x1x16xf32> to vector<16xf32>
      %swap3A_195 = vector.shape_cast %add3A_188 : vector<16xf32> to vector<1x1x16xf32>
      tpu.vector_store %arg5[%swap3A_190, %swap3A_191, %swap3A_192], %swap3A_195 {strides = array<i32>} : memref<4x8x1024xf32, #tpu.memory_space<vmem>>, vector<1x1x16xf32>,
      %scan3A_196 = arith.constant 1 : i32
      %scan3A_197 = arith.addi %scan3A_133, %scan3A_196 : i32
      %shift_right_arithmetic3A_198 = arith.constant 6 : i32
      %shift_right_arithmetic3A_199 = arith.shrsi %scan3A_197, %shift_right_arithmetic3A_198 : i32
      %and3A_200 = arith.constant 63 : i32
      %and3A_201 = arith.andi %scan3A_197, %and3A_200 : i32
      %mul3A_202 = arith.constant 16 : i32
      %mul3A_203 = arith.muli %and3A_201, %mul3A_202 : i32
      %get3A_204 = arith.index_cast %shift_right_arithmetic3A_199 : i32 to index
      %get3A_205 = arith.index_cast %mul3A_203 : i32 to index
      %get3A_206 = tpu.vector_load %arg8[%get3A_204, %get3A_205] {strides = array<i32>} : memref<8x1024xf32, #tpu.memory_space<vmem>>, vector<1x16xf32>,
      %get3A_207 = vector.shape_cast %get3A_206 : vector<1x16xf32> to vector<16xf32>
      %get3A_208 = arith.constant 0 : i32
      %get3A_209 = arith.index_cast %get3A_208 : i32 to index
      %get3A_210 = arith.index_cast %shift_right_arithmetic3A_199 : i32 to index
      %get3A_211 = arith.index_cast %mul3A_203 : i32 to index
      %get3A_212 = tpu.vector_load %arg5[%get3A_209, %get3A_210, %get3A_211] {strides = array<i32>} : memref<4x8x1024xf32, #tpu.memory_space<vmem>>, vector<1x1x16xf32>,
      %get3A_213 = vector.shape_cast %get3A_212 : vector<1x1x16xf32> to vector<16xf32>
      %add3A_214 = arith.addf %get3A_213, %get3A_207 : vector<16xf32>
      %swap3A_215 = arith.constant 0 : i32
      %swap3A_216 = arith.index_cast %swap3A_215 : i32 to index
      %swap3A_217 = arith.index_cast %shift_right_arithmetic3A_199 : i32 to index
      %swap3A_218 = arith.index_cast %mul3A_203 : i32 to index
      %swap3A_219 = tpu.vector_load %arg5[%swap3A_216, %swap3A_217, %swap3A_218] {strides = array<i32>} : memref<4x8x1024xf32, #tpu.memory_space<vmem>>, vector<1x1x16xf32>,
      %swap3A_220 = vector.shape_cast %swap3A_219 : vector<1x1x16xf32> to vector<16xf32>
      %swap3A_221 = vector.shape_cast %add3A_214 : vector<16xf32> to vector<1x1x16xf32>
      tpu.vector_store %arg5[%swap3A_216, %swap3A_217, %swap3A_218], %swap3A_221 {strides = array<i32>} : memref<4x8x1024xf32, #tpu.memory_space<vmem>>, vector<1x1x16xf32>,
      %get3A_222 = arith.constant 1 : i32
      %get3A_223 = arith.index_cast %get3A_222 : i32 to index
      %get3A_224 = arith.index_cast %shift_right_arithmetic3A_199 : i32 to index
      %get3A_225 = arith.index_cast %mul3A_203 : i32 to index
      %get3A_226 = tpu.vector_load %arg5[%get3A_223, %get3A_224, %get3A_225] {strides = array<i32>} : memref<4x8x1024xf32, #tpu.memory_space<vmem>>, vector<1x1x16xf32>,
      %get3A_227 = vector.shape_cast %get3A_226 : vector<1x1x16xf32> to vector<16xf32>
      %add3A_228 = arith.addf %get3A_227, %get3A_207 : vector<16xf32>
      %swap3A_229 = arith.constant 1 : i32
      %swap3A_230 = arith.index_cast %swap3A_229 : i32 to index
      %swap3A_231 = arith.index_cast %shift_right_arithmetic3A_199 : i32 to index
      %swap3A_232 = arith.index_cast %mul3A_203 : i32 to index
      %swap3A_233 = tpu.vector_load %arg5[%swap3A_230, %swap3A_231, %swap3A_232] {strides = array<i32>} : memref<4x8x1024xf32, #tpu.memory_space<vmem>>, vector<1x1x16xf32>,
      %swap3A_234 = vector.shape_cast %swap3A_233 : vector<1x1x16xf32> to vector<16xf32>
      %swap3A_235 = vector.shape_cast %add3A_228 : vector<16xf32> to vector<1x1x16xf32>
      tpu.vector_store %arg5[%swap3A_230, %swap3A_231, %swap3A_232], %swap3A_235 {strides = array<i32>} : memref<4x8x1024xf32, #tpu.memory_space<vmem>>, vector<1x1x16xf32>,
      %get3A_236 = arith.constant 2 : i32
      %get3A_237 = arith.index_cast %get3A_236 : i32 to index
      %get3A_238 = arith.index_cast %shift_right_arithmetic3A_199 : i32 to index
      %get3A_239 = arith.index_cast %mul3A_203 : i32 to index
      %get3A_240 = tpu.vector_load %arg5[%get3A_237, %get3A_238, %get3A_239] {strides = array<i32>} : memref<4x8x1024xf32, #tpu.memory_space<vmem>>, vector<1x1x16xf32>,
      %get3A_241 = vector.shape_cast %get3A_240 : vector<1x1x16xf32> to vector<16xf32>
      %add3A_242 = arith.addf %get3A_241, %get3A_207 : vector<16xf32>
      %swap3A_243 = arith.constant 2 : i32
      %swap3A_244 = arith.index_cast %swap3A_243 : i32 to index
      %swap3A_245 = arith.index_cast %shift_right_arithmetic3A_199 : i32 to index
      %swap3A_246 = arith.index_cast %mul3A_203 : i32 to index
      %swap3A_247 = tpu.vector_load %arg5[%swap3A_244, %swap3A_245, %swap3A_246] {strides = array<i32>} : memref<4x8x1024xf32, #tpu.memory_space<vmem>>, vector<1x1x16xf32>,
      %swap3A_248 = vector.shape_cast %swap3A_247 : vector<1x1x16xf32> to vector<16xf32>
      %swap3A_249 = vector.shape_cast %add3A_242 : vector<16xf32> to vector<1x1x16xf32>
      tpu.vector_store %arg5[%swap3A_244, %swap3A_245, %swap3A_246], %swap3A_249 {strides = array<i32>} : memref<4x8x1024xf32, #tpu.memory_space<vmem>>, vector<1x1x16xf32>,
      %get3A_250 = arith.constant 3 : i32
      %get3A_251 = arith.index_cast %get3A_250 : i32 to index
      %get3A_252 = arith.index_cast %shift_right_arithmetic3A_199 : i32 to index
      %get3A_253 = arith.index_cast %mul3A_203 : i32 to index
      %get3A_254 = tpu.vector_load %arg5[%get3A_251, %get3A_252, %get3A_253] {strides = array<i32>} : memref<4x8x1024xf32, #tpu.memory_space<vmem>>, vector<1x1x16xf32>,
      %get3A_255 = vector.shape_cast %get3A_254 : vector<1x1x16xf32> to vector<16xf32>
      %add3A_256 = arith.addf %get3A_255, %get3A_207 : vector<16xf32>
      %swap3A_257 = arith.constant 3 : i32
      %swap3A_258 = arith.index_cast %swap3A_257 : i32 to index
      %swap3A_259 = arith.index_cast %shift_right_arithmetic3A_199 : i32 to index
      %swap3A_260 = arith.index_cast %mul3A_203 : i32 to index
      %swap3A_261 = tpu.vector_load %arg5[%swap3A_258, %swap3A_259, %swap3A_260] {strides = array<i32>} : memref<4x8x1024xf32, #tpu.memory_space<vmem>>, vector<1x1x16xf32>,
      %swap3A_262 = vector.shape_cast %swap3A_261 : vector<1x1x16xf32> to vector<16xf32>
      %swap3A_263 = vector.shape_cast %add3A_256 : vector<16xf32> to vector<1x1x16xf32>
      tpu.vector_store %arg5[%swap3A_258, %swap3A_259, %swap3A_260], %swap3A_263 {strides = array<i32>} : memref<4x8x1024xf32, #tpu.memory_space<vmem>>, vector<1x1x16xf32>,
      %scan3A_264 = arith.constant 2 : i32
      %scan3A_265 = arith.addi %scan3A_133, %scan3A_264 : i32
      %shift_right_arithmetic3A_266 = arith.constant 6 : i32
      %shift_right_arithmetic3A_267 = arith.shrsi %scan3A_265, %shift_right_arithmetic3A_266 : i32
      %and3A_268 = arith.constant 63 : i32
      %and3A_269 = arith.andi %scan3A_265, %and3A_268 : i32
      %mul3A_270 = arith.constant 16 : i32
      %mul3A_271 = arith.muli %and3A_269, %mul3A_270 : i32
      %get3A_272 = arith.index_cast %shift_right_arithmetic3A_267 : i32 to index
      %get3A_273 = arith.index_cast %mul3A_271 : i32 to index
      %get3A_274 = tpu.vector_load %arg8[%get3A_272, %get3A_273] {strides = array<i32>} : memref<8x1024xf32, #tpu.memory_space<vmem>>, vector<1x16xf32>,
      %get3A_275 = vector.shape_cast %get3A_274 : vector<1x16xf32> to vector<16xf32>
      %get3A_276 = arith.constant 0 : i32
      %get3A_277 = arith.index_cast %get3A_276 : i32 to index
      %get3A_278 = arith.index_cast %shift_right_arithmetic3A_267 : i32 to index
      %get3A_279 = arith.index_cast %mul3A_271 : i32 to index
      %get3A_280 = tpu.vector_load %arg5[%get3A_277, %get3A_278, %get3A_279] {strides = array<i32>} : memref<4x8x1024xf32, #tpu.memory_space<vmem>>, vector<1x1x16xf32>,
      %get3A_281 = vector.shape_cast %get3A_280 : vector<1x1x16xf32> to vector<16xf32>
      %add3A_282 = arith.addf %get3A_281, %get3A_275 : vector<16xf32>
      %swap3A_283 = arith.constant 0 : i32
      %swap3A_284 = arith.index_cast %swap3A_283 : i32 to index
      %swap3A_285 = arith.index_cast %shift_right_arithmetic3A_267 : i32 to index
      %swap3A_286 = arith.index_cast %mul3A_271 : i32 to index
      %swap3A_287 = tpu.vector_load %arg5[%swap3A_284, %swap3A_285, %swap3A_286] {strides = array<i32>} : memref<4x8x1024xf32, #tpu.memory_space<vmem>>, vector<1x1x16xf32>,
      %swap3A_288 = vector.shape_cast %swap3A_287 : vector<1x1x16xf32> to vector<16xf32>
      %swap3A_289 = vector.shape_cast %add3A_282 : vector<16xf32> to vector<1x1x16xf32>
      tpu.vector_store %arg5[%swap3A_284, %swap3A_285, %swap3A_286], %swap3A_289 {strides = array<i32>} : memref<4x8x1024xf32, #tpu.memory_space<vmem>>, vector<1x1x16xf32>,
      %get3A_290 = arith.constant 1 : i32
      %get3A_291 = arith.index_cast %get3A_290 : i32 to index
      %get3A_292 = arith.index_cast %shift_right_arithmetic3A_267 : i32 to index
      %get3A_293 = arith.index_cast %mul3A_271 : i32 to index
      %get3A_294 = tpu.vector_load %arg5[%get3A_291, %get3A_292, %get3A_293] {strides = array<i32>} : memref<4x8x1024xf32, #tpu.memory_space<vmem>>, vector<1x1x16xf32>,
      %get3A_295 = vector.shape_cast %get3A_294 : vector<1x1x16xf32> to vector<16xf32>
      %add3A_296 = arith.addf %get3A_295, %get3A_275 : vector<16xf32>
      %swap3A_297 = arith.constant 1 : i32
      %swap3A_298 = arith.index_cast %swap3A_297 : i32 to index
      %swap3A_299 = arith.index_cast %shift_right_arithmetic3A_267 : i32 to index
      %swap3A_300 = arith.index_cast %mul3A_271 : i32 to index
      %swap3A_301 = tpu.vector_load %arg5[%swap3A_298, %swap3A_299, %swap3A_300] {strides = array<i32>} : memref<4x8x1024xf32, #tpu.memory_space<vmem>>, vector<1x1x16xf32>,
      %swap3A_302 = vector.shape_cast %swap3A_301 : vector<1x1x16xf32> to vector<16xf32>
      %swap3A_303 = vector.shape_cast %add3A_296 : vector<16xf32> to vector<1x1x16xf32>
      tpu.vector_store %arg5[%swap3A_298, %swap3A_299, %swap3A_300], %swap3A_303 {strides = array<i32>} : memref<4x8x1024xf32, #tpu.memory_space<vmem>>, vector<1x1x16xf32>,
      %get3A_304 = arith.constant 2 : i32
      %get3A_305 = arith.index_cast %get3A_304 : i32 to index
      %get3A_306 = arith.index_cast %shift_right_arithmetic3A_267 : i32 to index
      %get3A_307 = arith.index_cast %mul3A_271 : i32 to index
      %get3A_308 = tpu.vector_load %arg5[%get3A_305, %get3A_306, %get3A_307] {strides = array<i32>} : memref<4x8x1024xf32, #tpu.memory_space<vmem>>, vector<1x1x16xf32>,
      %get3A_309 = vector.shape_cast %get3A_308 : vector<1x1x16xf32> to vector<16xf32>
      %add3A_310 = arith.addf %get3A_309, %get3A_275 : vector<16xf32>
      %swap3A_311 = arith.constant 2 : i32
      %swap3A_312 = arith.index_cast %swap3A_311 : i32 to index
      %swap3A_313 = arith.index_cast %shift_right_arithmetic3A_267 : i32 to index
      %swap3A_314 = arith.index_cast %mul3A_271 : i32 to index
      %swap3A_315 = tpu.vector_load %arg5[%swap3A_312, %swap3A_313, %swap3A_314] {strides = array<i32>} : memref<4x8x1024xf32, #tpu.memory_space<vmem>>, vector<1x1x16xf32>,
      %swap3A_316 = vector.shape_cast %swap3A_315 : vector<1x1x16xf32> to vector<16xf32>
      %swap3A_317 = vector.shape_cast %add3A_310 : vector<16xf32> to vector<1x1x16xf32>
      tpu.vector_store %arg5[%swap3A_312, %swap3A_313, %swap3A_314], %swap3A_317 {strides = array<i32>} : memref<4x8x1024xf32, #tpu.memory_space<vmem>>, vector<1x1x16xf32>,
      %get3A_318 = arith.constant 3 : i32
      %get3A_319 = arith.index_cast %get3A_318 : i32 to index
      %get3A_320 = arith.index_cast %shift_right_arithmetic3A_267 : i32 to index
      %get3A_321 = arith.index_cast %mul3A_271 : i32 to index
      %get3A_322 = tpu.vector_load %arg5[%get3A_319, %get3A_320, %get3A_321] {strides = array<i32>} : memref<4x8x1024xf32, #tpu.memory_space<vmem>>, vector<1x1x16xf32>,
      %get3A_323 = vector.shape_cast %get3A_322 : vector<1x1x16xf32> to vector<16xf32>
      %add3A_324 = arith.addf %get3A_323, %get3A_275 : vector<16xf32>
      %swap3A_325 = arith.constant 3 : i32
      %swap3A_326 = arith.index_cast %swap3A_325 : i32 to index
      %swap3A_327 = arith.index_cast %shift_right_arithmetic3A_267 : i32 to index
      %swap3A_328 = arith.index_cast %mul3A_271 : i32 to index
      %swap3A_329 = tpu.vector_load %arg5[%swap3A_326, %swap3A_327, %swap3A_328] {strides = array<i32>} : memref<4x8x1024xf32, #tpu.memory_space<vmem>>, vector<1x1x16xf32>,
      %swap3A_330 = vector.shape_cast %swap3A_329 : vector<1x1x16xf32> to vector<16xf32>
      %swap3A_331 = vector.shape_cast %add3A_324 : vector<16xf32> to vector<1x1x16xf32>
      tpu.vector_store %arg5[%swap3A_326, %swap3A_327, %swap3A_328], %swap3A_331 {strides = array<i32>} : memref<4x8x1024xf32, #tpu.memory_space<vmem>>, vector<1x1x16xf32>,
      %scan3A_332 = arith.constant 3 : i32
      %scan3A_333 = arith.addi %scan3A_133, %scan3A_332 : i32
      %shift_right_arithmetic3A_334 = arith.constant 6 : i32
      %shift_right_arithmetic3A_335 = arith.shrsi %scan3A_333, %shift_right_arithmetic3A_334 : i32
      %and3A_336 = arith.constant 63 : i32
      %and3A_337 = arith.andi %scan3A_333, %and3A_336 : i32
      %mul3A_338 = arith.constant 16 : i32
      %mul3A_339 = arith.muli %and3A_337, %mul3A_338 : i32
      %get3A_340 = arith.index_cast %shift_right_arithmetic3A_335 : i32 to index
      %get3A_341 = arith.index_cast %mul3A_339 : i32 to index
      %get3A_342 = tpu.vector_load %arg8[%get3A_340, %get3A_341] {strides = array<i32>} : memref<8x1024xf32, #tpu.memory_space<vmem>>, vector<1x16xf32>,
      %get3A_343 = vector.shape_cast %get3A_342 : vector<1x16xf32> to vector<16xf32>
      %get3A_344 = arith.constant 0 : i32
      %get3A_345 = arith.index_cast %get3A_344 : i32 to index
      %get3A_346 = arith.index_cast %shift_right_arithmetic3A_335 : i32 to index
      %get3A_347 = arith.index_cast %mul3A_339 : i32 to index
      %get3A_348 = tpu.vector_load %arg5[%get3A_345, %get3A_346, %get3A_347] {strides = array<i32>} : memref<4x8x1024xf32, #tpu.memory_space<vmem>>, vector<1x1x16xf32>,
      %get3A_349 = vector.shape_cast %get3A_348 : vector<1x1x16xf32> to vector<16xf32>
      %add3A_350 = arith.addf %get3A_349, %get3A_343 : vector<16xf32>
      %swap3A_351 = arith.constant 0 : i32
      %swap3A_352 = arith.index_cast %swap3A_351 : i32 to index
      %swap3A_353 = arith.index_cast %shift_right_arithmetic3A_335 : i32 to index
      %swap3A_354 = arith.index_cast %mul3A_339 : i32 to index
      %swap3A_355 = tpu.vector_load %arg5[%swap3A_352, %swap3A_353, %swap3A_354] {strides = array<i32>} : memref<4x8x1024xf32, #tpu.memory_space<vmem>>, vector<1x1x16xf32>,
      %swap3A_356 = vector.shape_cast %swap3A_355 : vector<1x1x16xf32> to vector<16xf32>
      %swap3A_357 = vector.shape_cast %add3A_350 : vector<16xf32> to vector<1x1x16xf32>
      tpu.vector_store %arg5[%swap3A_352, %swap3A_353, %swap3A_354], %swap3A_357 {strides = array<i32>} : memref<4x8x1024xf32, #tpu.memory_space<vmem>>, vector<1x1x16xf32>,
      %get3A_358 = arith.constant 1 : i32
      %get3A_359 = arith.index_cast %get3A_358 : i32 to index
      %get3A_360 = arith.index_cast %shift_right_arithmetic3A_335 : i32 to index
      %get3A_361 = arith.index_cast %mul3A_339 : i32 to index
      %get3A_362 = tpu.vector_load %arg5[%get3A_359, %get3A_360, %get3A_361] {strides = array<i32>} : memref<4x8x1024xf32, #tpu.memory_space<vmem>>, vector<1x1x16xf32>,
      %get3A_363 = vector.shape_cast %get3A_362 : vector<1x1x16xf32> to vector<16xf32>
      %add3A_364 = arith.addf %get3A_363, %get3A_343 : vector<16xf32>
      %swap3A_365 = arith.constant 1 : i32
      %swap3A_366 = arith.index_cast %swap3A_365 : i32 to index
      %swap3A_367 = arith.index_cast %shift_right_arithmetic3A_335 : i32 to index
      %swap3A_368 = arith.index_cast %mul3A_339 : i32 to index
      %swap3A_369 = tpu.vector_load %arg5[%swap3A_366, %swap3A_367, %swap3A_368] {strides = array<i32>} : memref<4x8x1024xf32, #tpu.memory_space<vmem>>, vector<1x1x16xf32>,
      %swap3A_370 = vector.shape_cast %swap3A_369 : vector<1x1x16xf32> to vector<16xf32>
      %swap3A_371 = vector.shape_cast %add3A_364 : vector<16xf32> to vector<1x1x16xf32>
      tpu.vector_store %arg5[%swap3A_366, %swap3A_367, %swap3A_368], %swap3A_371 {strides = array<i32>} : memref<4x8x1024xf32, #tpu.memory_space<vmem>>, vector<1x1x16xf32>,
      %get3A_372 = arith.constant 2 : i32
      %get3A_373 = arith.index_cast %get3A_372 : i32 to index
      %get3A_374 = arith.index_cast %shift_right_arithmetic3A_335 : i32 to index
      %get3A_375 = arith.index_cast %mul3A_339 : i32 to index
      %get3A_376 = tpu.vector_load %arg5[%get3A_373, %get3A_374, %get3A_375] {strides = array<i32>} : memref<4x8x1024xf32, #tpu.memory_space<vmem>>, vector<1x1x16xf32>,
      %get3A_377 = vector.shape_cast %get3A_376 : vector<1x1x16xf32> to vector<16xf32>
      %add3A_378 = arith.addf %get3A_377, %get3A_343 : vector<16xf32>
      %swap3A_379 = arith.constant 2 : i32
      %swap3A_380 = arith.index_cast %swap3A_379 : i32 to index
      %swap3A_381 = arith.index_cast %shift_right_arithmetic3A_335 : i32 to index
      %swap3A_382 = arith.index_cast %mul3A_339 : i32 to index
      %swap3A_383 = tpu.vector_load %arg5[%swap3A_380, %swap3A_381, %swap3A_382] {strides = array<i32>} : memref<4x8x1024xf32, #tpu.memory_space<vmem>>, vector<1x1x16xf32>,
      %swap3A_384 = vector.shape_cast %swap3A_383 : vector<1x1x16xf32> to vector<16xf32>
      %swap3A_385 = vector.shape_cast %add3A_378 : vector<16xf32> to vector<1x1x16xf32>
      tpu.vector_store %arg5[%swap3A_380, %swap3A_381, %swap3A_382], %swap3A_385 {strides = array<i32>} : memref<4x8x1024xf32, #tpu.memory_space<vmem>>, vector<1x1x16xf32>,
      %get3A_386 = arith.constant 3 : i32
      %get3A_387 = arith.index_cast %get3A_386 : i32 to index
      %get3A_388 = arith.index_cast %shift_right_arithmetic3A_335 : i32 to index
      %get3A_389 = arith.index_cast %mul3A_339 : i32 to index
      %get3A_390 = tpu.vector_load %arg5[%get3A_387, %get3A_388, %get3A_389] {strides = array<i32>} : memref<4x8x1024xf32, #tpu.memory_space<vmem>>, vector<1x1x16xf32>,
      %get3A_391 = vector.shape_cast %get3A_390 : vector<1x1x16xf32> to vector<16xf32>
      %add3A_392 = arith.addf %get3A_391, %get3A_343 : vector<16xf32>
      %swap3A_393 = arith.constant 3 : i32
      %swap3A_394 = arith.index_cast %swap3A_393 : i32 to index
      %swap3A_395 = arith.index_cast %shift_right_arithmetic3A_335 : i32 to index
      %swap3A_396 = arith.index_cast %mul3A_339 : i32 to index
      %swap3A_397 = tpu.vector_load %arg5[%swap3A_394, %swap3A_395, %swap3A_396] {strides = array<i32>} : memref<4x8x1024xf32, #tpu.memory_space<vmem>>, vector<1x1x16xf32>,
      %swap3A_398 = vector.shape_cast %swap3A_397 : vector<1x1x16xf32> to vector<16xf32>
      %swap3A_399 = vector.shape_cast %add3A_392 : vector<16xf32> to vector<1x1x16xf32>
      tpu.vector_store %arg5[%swap3A_394, %swap3A_395, %swap3A_396], %swap3A_399 {strides = array<i32>} : memref<4x8x1024xf32, #tpu.memory_space<vmem>>, vector<1x1x16xf32>,
    }
    %scan3A_45 = arith.constant 512 : i32
    %add3A_46 = arith.constant 0 : i32
    %add3A_47 = arith.addi %mul3A_2, %add3A_46 : i32
    %dma_start3A_48 = arith.constant 0 : i32
    %dma_start3A_49 = arith.constant 0 : i32
    %dma_start3A_50 = tpu.memref_slice %arg4[%dma_start3A_48, %add3A_47, %dma_start3A_49] : memref<4x8192x1024xf32, #tpu.memory_space<hbm>> -> memref<4x8x1024xf32, #tpu.memory_space<hbm>>
    %dma_start3A_51 = arith.constant 0 : i32
    %dma_start3A_52 = arith.constant 0 : i32
    %dma_start3A_53 = tpu.memref_slice %arg4[%dma_start3A_51, %add3A_47, %dma_start3A_52] : memref<4x8192x1024xf32, #tpu.memory_space<hbm>> -> memref<4x8x1024xf32, #tpu.memory_space<hbm>>
    tpu.enqueue_dma source(%arg5 : memref<4x8x1024xf32, #tpu.memory_space<vmem>>) target(%dma_start3A_53 : memref<4x8x1024xf32, #tpu.memory_space<hbm>>) target_semaphore(%arg17 : memref<!tpu.dma_semaphore, #tpu.memory_space<semaphore_mem>>)
    %jit3A_54 = arith.constant false
    %jit3A_55 = arith.constant 0 : i32
    %jit3A_56 = arith.constant 2 : i32
    %select_n3A_57 = arith.select %jit3A_54, %jit3A_55, %jit3A_56 : i32
    %mul3A_58 = arith.constant 8 : i32
    %mul3A_59 = arith.muli %select_n3A_57, %mul3A_58 : i32
    %add3A_60 = arith.addi %mul3A_2, %mul3A_59 : i32
    %dma_start3A_61 = arith.constant 0 : i32
    %dma_start3A_62 = arith.constant 0 : i32
    %dma_start3A_63 = tpu.memref_slice %arg2[%dma_start3A_61, %add3A_60, %dma_start3A_62] : memref<4x8192x1024xf32, #tpu.memory_space<hbm>> -> memref<4x8x1024xf32, #tpu.memory_space<hbm>>
    %dma_start3A_64 = arith.constant 0 : i32
    %dma_start3A_65 = arith.constant 0 : i32
    %dma_start3A_66 = tpu.memref_slice %arg2[%dma_start3A_64, %add3A_60, %dma_start3A_65] : memref<4x8192x1024xf32, #tpu.memory_space<hbm>> -> memref<4x8x1024xf32, #tpu.memory_space<hbm>>
    tpu.enqueue_dma source(%dma_start3A_66 : memref<4x8x1024xf32, #tpu.memory_space<hbm>>) target(%arg7 : memref<4x8x1024xf32, #tpu.memory_space<vmem>>) target_semaphore(%arg13 : memref<!tpu.dma_semaphore, #tpu.memory_space<semaphore_mem>>)
    %dma_start3A_67 = arith.constant 0 : i32
    %dma_start3A_68 = tpu.memref_slice %arg3[%add3A_60, %dma_start3A_67] : memref<8192x1024xf32, #tpu.memory_space<hbm>> -> memref<8x1024xf32, #tpu.memory_space<hbm>>
    %dma_start3A_69 = arith.constant 0 : i32
    %dma_start3A_70 = tpu.memref_slice %arg3[%add3A_60, %dma_start3A_69] : memref<8192x1024xf32, #tpu.memory_space<hbm>> -> memref<8x1024xf32, #tpu.memory_space<hbm>>
    tpu.enqueue_dma source(%dma_start3A_70 : memref<8x1024xf32, #tpu.memory_space<hbm>>) target(%arg10 : memref<8x1024xf32, #tpu.memory_space<vmem>>) target_semaphore(%arg16 : memref<!tpu.dma_semaphore, #tpu.memory_space<semaphore_mem>>)
    %dma_wait3A_71 = arith.constant 0 : i32
    %dma_wait3A_72 = arith.constant 0 : i32
    %dma_wait3A_73 = arith.constant 0 : i32
    %dma_wait3A_74 = tpu.memref_slice %arg2[%dma_wait3A_71, %dma_wait3A_72, %dma_wait3A_73] : memref<4x8192x1024xf32, #tpu.memory_space<hbm>> -> memref<4x8x1024xf32, #tpu.memory_space<hbm>>
    %dma_wait3A_75 = arith.constant 0 : i32
    %dma_wait3A_76 = arith.constant 0 : i32
    %dma_wait3A_77 = arith.constant 0 : i32
    %dma_wait3A_78 = tpu.memref_slice %arg2[%dma_wait3A_75, %dma_wait3A_76, %dma_wait3A_77] : memref<4x8192x1024xf32, #tpu.memory_space<hbm>> -> memref<4x8x1024xf32, #tpu.memory_space<hbm>>
    tpu.wait_dma2 semaphore(%arg12 : memref<!tpu.dma_semaphore, #tpu.memory_space<semaphore_mem>>) src(%dma_wait3A_78 : memref<4x8x1024xf32, #tpu.memory_space<hbm>>) dst(%arg6 : memref<4x8x1024xf32, #tpu.memory_space<vmem>>)
    %dma_wait3A_79 = arith.constant 0 : i32
    %dma_wait3A_80 = arith.constant 0 : i32
    %dma_wait3A_81 = tpu.memref_slice %arg3[%dma_wait3A_79, %dma_wait3A_80] : memref<8192x1024xf32, #tpu.memory_space<hbm>> -> memref<8x1024xf32, #tpu.memory_space<hbm>>
    %dma_wait3A_82 = arith.constant 0 : i32
    %dma_wait3A_83 = arith.constant 0 : i32
    %dma_wait3A_84 = tpu.memref_slice %arg3[%dma_wait3A_82, %dma_wait3A_83] : memref<8192x1024xf32, #tpu.memory_space<hbm>> -> memref<8x1024xf32, #tpu.memory_space<hbm>>
    tpu.wait_dma2 semaphore(%arg15 : memref<!tpu.dma_semaphore, #tpu.memory_space<semaphore_mem>>) src(%dma_wait3A_84 : memref<8x1024xf32, #tpu.memory_space<hbm>>) dst(%arg9 : memref<8x1024xf32, #tpu.memory_space<vmem>>)
    %scan3A_85 = arith.constant 0 : i32
    %scan3A_86 = arith.constant 512 : i32
    %scan3A_87 = arith.addi %scan3A_85, %scan3A_86 : i32
    %scan3A_88 = arith.constant 4 : i32
    scf.for %scan3A_133 = %scan3A_85 to %scan3A_87 step %scan3A_88  : i32 {
      %shift_right_arithmetic3A = arith.constant 6 : i32
      %shift_right_arithmetic3A_134 = arith.shrsi %scan3A_133, %shift_right_arithmetic3A : i32
      %and3A = arith.constant 63 : i32
      %and3A_135 = arith.andi %scan3A_133, %and3A : i32
      %mul3A_136 = arith.constant 16 : i32
      %mul3A_137 = arith.muli %and3A_135, %mul3A_136 : i32
      %get3A = arith.index_cast %shift_right_arithmetic3A_134 : i32 to index
      %get3A_138 = arith.index_cast %mul3A_137 : i32 to index
      %get3A_139 = tpu.vector_load %arg9[%get3A, %get3A_138] {strides = array<i32>} : memref<8x1024xf32, #tpu.memory_space<vmem>>, vector<1x16xf32>,
      %get3A_140 = vector.shape_cast %get3A_139 : vector<1x16xf32> to vector<16xf32>
      %get3A_141 = arith.constant 0 : i32
      %get3A_142 = arith.index_cast %get3A_141 : i32 to index
      %get3A_143 = arith.index_cast %shift_right_arithmetic3A_134 : i32 to index
      %get3A_144 = arith.index_cast %mul3A_137 : i32 to index
      %get3A_145 = tpu.vector_load %arg6[%get3A_142, %get3A_143, %get3A_144] {strides = array<i32>} : memref<4x8x1024xf32, #tpu.memory_space<vmem>>, vector<1x1x16xf32>,
      %get3A_146 = vector.shape_cast %get3A_145 : vector<1x1x16xf32> to vector<16xf32>
      %add3A_147 = arith.addf %get3A_146, %get3A_140 : vector<16xf32>
      %swap3A = arith.constant 0 : i32
      %swap3A_148 = arith.index_cast %swap3A : i32 to index
      %swap3A_149 = arith.index_cast %shift_right_arithmetic3A_134 : i32 to index
      %swap3A_150 = arith.index_cast %mul3A_137 : i32 to index
      %swap3A_151 = tpu.vector_load %arg6[%swap3A_148, %swap3A_149, %swap3A_150] {strides = array<i32>} : memref<4x8x1024xf32, #tpu.memory_space<vmem>>, vector<1x1x16xf32>,
      %swap3A_152 = vector.shape_cast %swap3A_151 : vector<1x1x16xf32> to vector<16xf32>
      %swap3A_153 = vector.shape_cast %add3A_147 : vector<16xf32> to vector<1x1x16xf32>
      tpu.vector_store %arg6[%swap3A_148, %swap3A_149, %swap3A_150], %swap3A_153 {strides = array<i32>} : memref<4x8x1024xf32, #tpu.memory_space<vmem>>, vector<1x1x16xf32>,
      %get3A_154 = arith.constant 1 : i32
      %get3A_155 = arith.index_cast %get3A_154 : i32 to index
      %get3A_156 = arith.index_cast %shift_right_arithmetic3A_134 : i32 to index
      %get3A_157 = arith.index_cast %mul3A_137 : i32 to index
      %get3A_158 = tpu.vector_load %arg6[%get3A_155, %get3A_156, %get3A_157] {strides = array<i32>} : memref<4x8x1024xf32, #tpu.memory_space<vmem>>, vector<1x1x16xf32>,
      %get3A_159 = vector.shape_cast %get3A_158 : vector<1x1x16xf32> to vector<16xf32>
      %add3A_160 = arith.addf %get3A_159, %get3A_140 : vector<16xf32>
      %swap3A_161 = arith.constant 1 : i32
      %swap3A_162 = arith.index_cast %swap3A_161 : i32 to index
      %swap3A_163 = arith.index_cast %shift_right_arithmetic3A_134 : i32 to index
      %swap3A_164 = arith.index_cast %mul3A_137 : i32 to index
      %swap3A_165 = tpu.vector_load %arg6[%swap3A_162, %swap3A_163, %swap3A_164] {strides = array<i32>} : memref<4x8x1024xf32, #tpu.memory_space<vmem>>, vector<1x1x16xf32>,
      %swap3A_166 = vector.shape_cast %swap3A_165 : vector<1x1x16xf32> to vector<16xf32>
      %swap3A_167 = vector.shape_cast %add3A_160 : vector<16xf32> to vector<1x1x16xf32>
      tpu.vector_store %arg6[%swap3A_162, %swap3A_163, %swap3A_164], %swap3A_167 {strides = array<i32>} : memref<4x8x1024xf32, #tpu.memory_space<vmem>>, vector<1x1x16xf32>,
      %get3A_168 = arith.constant 2 : i32
      %get3A_169 = arith.index_cast %get3A_168 : i32 to index
      %get3A_170 = arith.index_cast %shift_right_arithmetic3A_134 : i32 to index
      %get3A_171 = arith.index_cast %mul3A_137 : i32 to index
      %get3A_172 = tpu.vector_load %arg6[%get3A_169, %get3A_170, %get3A_171] {strides = array<i32>} : memref<4x8x1024xf32, #tpu.memory_space<vmem>>, vector<1x1x16xf32>,
      %get3A_173 = vector.shape_cast %get3A_172 : vector<1x1x16xf32> to vector<16xf32>
      %add3A_174 = arith.addf %get3A_173, %get3A_140 : vector<16xf32>
      %swap3A_175 = arith.constant 2 : i32
      %swap3A_176 = arith.index_cast %swap3A_175 : i32 to index
      %swap3A_177 = arith.index_cast %shift_right_arithmetic3A_134 : i32 to index
      %swap3A_178 = arith.index_cast %mul3A_137 : i32 to index
      %swap3A_179 = tpu.vector_load %arg6[%swap3A_176, %swap3A_177, %swap3A_178] {strides = array<i32>} : memref<4x8x1024xf32, #tpu.memory_space<vmem>>, vector<1x1x16xf32>,
      %swap3A_180 = vector.shape_cast %swap3A_179 : vector<1x1x16xf32> to vector<16xf32>
      %swap3A_181 = vector.shape_cast %add3A_174 : vector<16xf32> to vector<1x1x16xf32>
      tpu.vector_store %arg6[%swap3A_176, %swap3A_177, %swap3A_178], %swap3A_181 {strides = array<i32>} : memref<4x8x1024xf32, #tpu.memory_space<vmem>>, vector<1x1x16xf32>,
      %get3A_182 = arith.constant 3 : i32
      %get3A_183 = arith.index_cast %get3A_182 : i32 to index
      %get3A_184 = arith.index_cast %shift_right_arithmetic3A_134 : i32 to index
      %get3A_185 = arith.index_cast %mul3A_137 : i32 to index
      %get3A_186 = tpu.vector_load %arg6[%get3A_183, %get3A_184, %get3A_185] {strides = array<i32>} : memref<4x8x1024xf32, #tpu.memory_space<vmem>>, vector<1x1x16xf32>,
      %get3A_187 = vector.shape_cast %get3A_186 : vector<1x1x16xf32> to vector<16xf32>
      %add3A_188 = arith.addf %get3A_187, %get3A_140 : vector<16xf32>
      %swap3A_189 = arith.constant 3 : i32
      %swap3A_190 = arith.index_cast %swap3A_189 : i32 to index
      %swap3A_191 = arith.index_cast %shift_right_arithmetic3A_134 : i32 to index
      %swap3A_192 = arith.index_cast %mul3A_137 : i32 to index
      %swap3A_193 = tpu.vector_load %arg6[%swap3A_190, %swap3A_191, %swap3A_192] {strides = array<i32>} : memref<4x8x1024xf32, #tpu.memory_space<vmem>>, vector<1x1x16xf32>,
      %swap3A_194 = vector.shape_cast %swap3A_193 : vector<1x1x16xf32> to vector<16xf32>
      %swap3A_195 = vector.shape_cast %add3A_188 : vector<16xf32> to vector<1x1x16xf32>
      tpu.vector_store %arg6[%swap3A_190, %swap3A_191, %swap3A_192], %swap3A_195 {strides = array<i32>} : memref<4x8x1024xf32, #tpu.memory_space<vmem>>, vector<1x1x16xf32>,
      %scan3A_196 = arith.constant 1 : i32
      %scan3A_197 = arith.addi %scan3A_133, %scan3A_196 : i32
      %shift_right_arithmetic3A_198 = arith.constant 6 : i32
      %shift_right_arithmetic3A_199 = arith.shrsi %scan3A_197, %shift_right_arithmetic3A_198 : i32
      %and3A_200 = arith.constant 63 : i32
      %and3A_201 = arith.andi %scan3A_197, %and3A_200 : i32
      %mul3A_202 = arith.constant 16 : i32
      %mul3A_203 = arith.muli %and3A_201, %mul3A_202 : i32
      %get3A_204 = arith.index_cast %shift_right_arithmetic3A_199 : i32 to index
      %get3A_205 = arith.index_cast %mul3A_203 : i32 to index
      %get3A_206 = tpu.vector_load %arg9[%get3A_204, %get3A_205] {strides = array<i32>} : memref<8x1024xf32, #tpu.memory_space<vmem>>, vector<1x16xf32>,
      %get3A_207 = vector.shape_cast %get3A_206 : vector<1x16xf32> to vector<16xf32>
      %get3A_208 = arith.constant 0 : i32
      %get3A_209 = arith.index_cast %get3A_208 : i32 to index
      %get3A_210 = arith.index_cast %shift_right_arithmetic3A_199 : i32 to index
      %get3A_211 = arith.index_cast %mul3A_203 : i32 to index
      %get3A_212 = tpu.vector_load %arg6[%get3A_209, %get3A_210, %get3A_211] {strides = array<i32>} : memref<4x8x1024xf32, #tpu.memory_space<vmem>>, vector<1x1x16xf32>,
      %get3A_213 = vector.shape_cast %get3A_212 : vector<1x1x16xf32> to vector<16xf32>
      %add3A_214 = arith.addf %get3A_213, %get3A_207 : vector<16xf32>
      %swap3A_215 = arith.constant 0 : i32
      %swap3A_216 = arith.index_cast %swap3A_215 : i32 to index
      %swap3A_217 = arith.index_cast %shift_right_arithmetic3A_199 : i32 to index
      %swap3A_218 = arith.index_cast %mul3A_203 : i32 to index
      %swap3A_219 = tpu.vector_load %arg6[%swap3A_216, %swap3A_217, %swap3A_218] {strides = array<i32>} : memref<4x8x1024xf32, #tpu.memory_space<vmem>>, vector<1x1x16xf32>,
      %swap3A_220 = vector.shape_cast %swap3A_219 : vector<1x1x16xf32> to vector<16xf32>
      %swap3A_221 = vector.shape_cast %add3A_214 : vector<16xf32> to vector<1x1x16xf32>
      tpu.vector_store %arg6[%swap3A_216, %swap3A_217, %swap3A_218], %swap3A_221 {strides = array<i32>} : memref<4x8x1024xf32, #tpu.memory_space<vmem>>, vector<1x1x16xf32>,
      %get3A_222 = arith.constant 1 : i32
      %get3A_223 = arith.index_cast %get3A_222 : i32 to index
      %get3A_224 = arith.index_cast %shift_right_arithmetic3A_199 : i32 to index
      %get3A_225 = arith.index_cast %mul3A_203 : i32 to index
      %get3A_226 = tpu.vector_load %arg6[%get3A_223, %get3A_224, %get3A_225] {strides = array<i32>} : memref<4x8x1024xf32, #tpu.memory_space<vmem>>, vector<1x1x16xf32>,
      %get3A_227 = vector.shape_cast %get3A_226 : vector<1x1x16xf32> to vector<16xf32>
      %add3A_228 = arith.addf %get3A_227, %get3A_207 : vector<16xf32>
      %swap3A_229 = arith.constant 1 : i32
      %swap3A_230 = arith.index_cast %swap3A_229 : i32 to index
      %swap3A_231 = arith.index_cast %shift_right_arithmetic3A_199 : i32 to index
      %swap3A_232 = arith.index_cast %mul3A_203 : i32 to index
      %swap3A_233 = tpu.vector_load %arg6[%swap3A_230, %swap3A_231, %swap3A_232] {strides = array<i32>} : memref<4x8x1024xf32, #tpu.memory_space<vmem>>, vector<1x1x16xf32>,
      %swap3A_234 = vector.shape_cast %swap3A_233 : vector<1x1x16xf32> to vector<16xf32>
      %swap3A_235 = vector.shape_cast %add3A_228 : vector<16xf32> to vector<1x1x16xf32>
      tpu.vector_store %arg6[%swap3A_230, %swap3A_231, %swap3A_232], %swap3A_235 {strides = array<i32>} : memref<4x8x1024xf32, #tpu.memory_space<vmem>>, vector<1x1x16xf32>,
      %get3A_236 = arith.constant 2 : i32
      %get3A_237 = arith.index_cast %get3A_236 : i32 to index
      %get3A_238 = arith.index_cast %shift_right_arithmetic3A_199 : i32 to index
      %get3A_239 = arith.index_cast %mul3A_203 : i32 to index
      %get3A_240 = tpu.vector_load %arg6[%get3A_237, %get3A_238, %get3A_239] {strides = array<i32>} : memref<4x8x1024xf32, #tpu.memory_space<vmem>>, vector<1x1x16xf32>,
      %get3A_241 = vector.shape_cast %get3A_240 : vector<1x1x16xf32> to vector<16xf32>
      %add3A_242 = arith.addf %get3A_241, %get3A_207 : vector<16xf32>
      %swap3A_243 = arith.constant 2 : i32
      %swap3A_244 = arith.index_cast %swap3A_243 : i32 to index
      %swap3A_245 = arith.index_cast %shift_right_arithmetic3A_199 : i32 to index
      %swap3A_246 = arith.index_cast %mul3A_203 : i32 to index
      %swap3A_247 = tpu.vector_load %arg6[%swap3A_244, %swap3A_245, %swap3A_246] {strides = array<i32>} : memref<4x8x1024xf32, #tpu.memory_space<vmem>>, vector<1x1x16xf32>,
      %swap3A_248 = vector.shape_cast %swap3A_247 : vector<1x1x16xf32> to vector<16xf32>
      %swap3A_249 = vector.shape_cast %add3A_242 : vector<16xf32> to vector<1x1x16xf32>
      tpu.vector_store %arg6[%swap3A_244, %swap3A_245, %swap3A_246], %swap3A_249 {strides = array<i32>} : memref<4x8x1024xf32, #tpu.memory_space<vmem>>, vector<1x1x16xf32>,
      %get3A_250 = arith.constant 3 : i32
      %get3A_251 = arith.index_cast %get3A_250 : i32 to index
      %get3A_252 = arith.index_cast %shift_right_arithmetic3A_199 : i32 to index
      %get3A_253 = arith.index_cast %mul3A_203 : i32 to index
      %get3A_254 = tpu.vector_load %arg6[%get3A_251, %get3A_252, %get3A_253] {strides = array<i32>} : memref<4x8x1024xf32, #tpu.memory_space<vmem>>, vector<1x1x16xf32>,
      %get3A_255 = vector.shape_cast %get3A_254 : vector<1x1x16xf32> to vector<16xf32>
      %add3A_256 = arith.addf %get3A_255, %get3A_207 : vector<16xf32>
      %swap3A_257 = arith.constant 3 : i32
      %swap3A_258 = arith.index_cast %swap3A_257 : i32 to index
      %swap3A_259 = arith.index_cast %shift_right_arithmetic3A_199 : i32 to index
      %swap3A_260 = arith.index_cast %mul3A_203 : i32 to index
      %swap3A_261 = tpu.vector_load %arg6[%swap3A_258, %swap3A_259, %swap3A_260] {strides = array<i32>} : memref<4x8x1024xf32, #tpu.memory_space<vmem>>, vector<1x1x16xf32>,
      %swap3A_262 = vector.shape_cast %swap3A_261 : vector<1x1x16xf32> to vector<16xf32>
      %swap3A_263 = vector.shape_cast %add3A_256 : vector<16xf32> to vector<1x1x16xf32>
      tpu.vector_store %arg6[%swap3A_258, %swap3A_259, %swap3A_260], %swap3A_263 {strides = array<i32>} : memref<4x8x1024xf32, #tpu.memory_space<vmem>>, vector<1x1x16xf32>,
      %scan3A_264 = arith.constant 2 : i32
      %scan3A_265 = arith.addi %scan3A_133, %scan3A_264 : i32
      %shift_right_arithmetic3A_266 = arith.constant 6 : i32
      %shift_right_arithmetic3A_267 = arith.shrsi %scan3A_265, %shift_right_arithmetic3A_266 : i32
      %and3A_268 = arith.constant 63 : i32
      %and3A_269 = arith.andi %scan3A_265, %and3A_268 : i32
      %mul3A_270 = arith.constant 16 : i32
      %mul3A_271 = arith.muli %and3A_269, %mul3A_270 : i32
      %get3A_272 = arith.index_cast %shift_right_arithmetic3A_267 : i32 to index
      %get3A_273 = arith.index_cast %mul3A_271 : i32 to index
      %get3A_274 = tpu.vector_load %arg9[%get3A_272, %get3A_273] {strides = array<i32>} : memref<8x1024xf32, #tpu.memory_space<vmem>>, vector<1x16xf32>,
      %get3A_275 = vector.shape_cast %get3A_274 : vector<1x16xf32> to vector<16xf32>
      %get3A_276 = arith.constant 0 : i32
      %get3A_277 = arith.index_cast %get3A_276 : i32 to index
      %get3A_278 = arith.index_cast %shift_right_arithmetic3A_267 : i32 to index
      %get3A_279 = arith.index_cast %mul3A_271 : i32 to index
      %get3A_280 = tpu.vector_load %arg6[%get3A_277, %get3A_278, %get3A_279] {strides = array<i32>} : memref<4x8x1024xf32, #tpu.memory_space<vmem>>, vector<1x1x16xf32>,
      %get3A_281 = vector.shape_cast %get3A_280 : vector<1x1x16xf32> to vector<16xf32>
      %add3A_282 = arith.addf %get3A_281, %get3A_275 : vector<16xf32>
      %swap3A_283 = arith.constant 0 : i32
      %swap3A_284 = arith.index_cast %swap3A_283 : i32 to index
      %swap3A_285 = arith.index_cast %shift_right_arithmetic3A_267 : i32 to index
      %swap3A_286 = arith.index_cast %mul3A_271 : i32 to index
      %swap3A_287 = tpu.vector_load %arg6[%swap3A_284, %swap3A_285, %swap3A_286] {strides = array<i32>} : memref<4x8x1024xf32, #tpu.memory_space<vmem>>, vector<1x1x16xf32>,
      %swap3A_288 = vector.shape_cast %swap3A_287 : vector<1x1x16xf32> to vector<16xf32>
      %swap3A_289 = vector.shape_cast %add3A_282 : vector<16xf32> to vector<1x1x16xf32>
      tpu.vector_store %arg6[%swap3A_284, %swap3A_285, %swap3A_286], %swap3A_289 {strides = array<i32>} : memref<4x8x1024xf32, #tpu.memory_space<vmem>>, vector<1x1x16xf32>,
      %get3A_290 = arith.constant 1 : i32
      %get3A_291 = arith.index_cast %get3A_290 : i32 to index
      %get3A_292 = arith.index_cast %shift_right_arithmetic3A_267 : i32 to index
      %get3A_293 = arith.index_cast %mul3A_271 : i32 to index
      %get3A_294 = tpu.vector_load %arg6[%get3A_291, %get3A_292, %get3A_293] {strides = array<i32>} : memref<4x8x1024xf32, #tpu.memory_space<vmem>>, vector<1x1x16xf32>,
      %get3A_295 = vector.shape_cast %get3A_294 : vector<1x1x16xf32> to vector<16xf32>
      %add3A_296 = arith.addf %get3A_295, %get3A_275 : vector<16xf32>
      %swap3A_297 = arith.constant 1 : i32
      %swap3A_298 = arith.index_cast %swap3A_297 : i32 to index
      %swap3A_299 = arith.index_cast %shift_right_arithmetic3A_267 : i32 to index
      %swap3A_300 = arith.index_cast %mul3A_271 : i32 to index
      %swap3A_301 = tpu.vector_load %arg6[%swap3A_298, %swap3A_299, %swap3A_300] {strides = array<i32>} : memref<4x8x1024xf32, #tpu.memory_space<vmem>>, vector<1x1x16xf32>,
      %swap3A_302 = vector.shape_cast %swap3A_301 : vector<1x1x16xf32> to vector<16xf32>
      %swap3A_303 = vector.shape_cast %add3A_296 : vector<16xf32> to vector<1x1x16xf32>
      tpu.vector_store %arg6[%swap3A_298, %swap3A_299, %swap3A_300], %swap3A_303 {strides = array<i32>} : memref<4x8x1024xf32, #tpu.memory_space<vmem>>, vector<1x1x16xf32>,
      %get3A_304 = arith.constant 2 : i32
      %get3A_305 = arith.index_cast %get3A_304 : i32 to index
      %get3A_306 = arith.index_cast %shift_right_arithmetic3A_267 : i32 to index
      %get3A_307 = arith.index_cast %mul3A_271 : i32 to index
      %get3A_308 = tpu.vector_load %arg6[%get3A_305, %get3A_306, %get3A_307] {strides = array<i32>} : memref<4x8x1024xf32, #tpu.memory_space<vmem>>, vector<1x1x16xf32>,
      %get3A_309 = vector.shape_cast %get3A_308 : vector<1x1x16xf32> to vector<16xf32>
      %add3A_310 = arith.addf %get3A_309, %get3A_275 : vector<16xf32>
      %swap3A_311 = arith.constant 2 : i32
      %swap3A_312 = arith.index_cast %swap3A_311 : i32 to index
      %swap3A_313 = arith.index_cast %shift_right_arithmetic3A_267 : i32 to index
      %swap3A_314 = arith.index_cast %mul3A_271 : i32 to index
      %swap3A_315 = tpu.vector_load %arg6[%swap3A_312, %swap3A_313, %swap3A_314] {strides = array<i32>} : memref<4x8x1024xf32, #tpu.memory_space<vmem>>, vector<1x1x16xf32>,
      %swap3A_316 = vector.shape_cast %swap3A_315 : vector<1x1x16xf32> to vector<16xf32>
      %swap3A_317 = vector.shape_cast %add3A_310 : vector<16xf32> to vector<1x1x16xf32>
      tpu.vector_store %arg6[%swap3A_312, %swap3A_313, %swap3A_314], %swap3A_317 {strides = array<i32>} : memref<4x8x1024xf32, #tpu.memory_space<vmem>>, vector<1x1x16xf32>,
      %get3A_318 = arith.constant 3 : i32
      %get3A_319 = arith.index_cast %get3A_318 : i32 to index
      %get3A_320 = arith.index_cast %shift_right_arithmetic3A_267 : i32 to index
      %get3A_321 = arith.index_cast %mul3A_271 : i32 to index
      %get3A_322 = tpu.vector_load %arg6[%get3A_319, %get3A_320, %get3A_321] {strides = array<i32>} : memref<4x8x1024xf32, #tpu.memory_space<vmem>>, vector<1x1x16xf32>,
      %get3A_323 = vector.shape_cast %get3A_322 : vector<1x1x16xf32> to vector<16xf32>
      %add3A_324 = arith.addf %get3A_323, %get3A_275 : vector<16xf32>
      %swap3A_325 = arith.constant 3 : i32
      %swap3A_326 = arith.index_cast %swap3A_325 : i32 to index
      %swap3A_327 = arith.index_cast %shift_right_arithmetic3A_267 : i32 to index
      %swap3A_328 = arith.index_cast %mul3A_271 : i32 to index
      %swap3A_329 = tpu.vector_load %arg6[%swap3A_326, %swap3A_327, %swap3A_328] {strides = array<i32>} : memref<4x8x1024xf32, #tpu.memory_space<vmem>>, vector<1x1x16xf32>,
      %swap3A_330 = vector.shape_cast %swap3A_329 : vector<1x1x16xf32> to vector<16xf32>
      %swap3A_331 = vector.shape_cast %add3A_324 : vector<16xf32> to vector<1x1x16xf32>
      tpu.vector_store %arg6[%swap3A_326, %swap3A_327, %swap3A_328], %swap3A_331 {strides = array<i32>} : memref<4x8x1024xf32, #tpu.memory_space<vmem>>, vector<1x1x16xf32>,
      %scan3A_332 = arith.constant 3 : i32
      %scan3A_333 = arith.addi %scan3A_133, %scan3A_332 : i32
      %shift_right_arithmetic3A_334 = arith.constant 6 : i32
      %shift_right_arithmetic3A_335 = arith.shrsi %scan3A_333, %shift_right_arithmetic3A_334 : i32
      %and3A_336 = arith.constant 63 : i32
      %and3A_337 = arith.andi %scan3A_333, %and3A_336 : i32
      %mul3A_338 = arith.constant 16 : i32
      %mul3A_339 = arith.muli %and3A_337, %mul3A_338 : i32
      %get3A_340 = arith.index_cast %shift_right_arithmetic3A_335 : i32 to index
      %get3A_341 = arith.index_cast %mul3A_339 : i32 to index
      %get3A_342 = tpu.vector_load %arg9[%get3A_340, %get3A_341] {strides = array<i32>} : memref<8x1024xf32, #tpu.memory_space<vmem>>, vector<1x16xf32>,
      %get3A_343 = vector.shape_cast %get3A_342 : vector<1x16xf32> to vector<16xf32>
      %get3A_344 = arith.constant 0 : i32
      %get3A_345 = arith.index_cast %get3A_344 : i32 to index
      %get3A_346 = arith.index_cast %shift_right_arithmetic3A_335 : i32 to index
      %get3A_347 = arith.index_cast %mul3A_339 : i32 to index
      %get3A_348 = tpu.vector_load %arg6[%get3A_345, %get3A_346, %get3A_347] {strides = array<i32>} : memref<4x8x1024xf32, #tpu.memory_space<vmem>>, vector<1x1x16xf32>,
      %get3A_349 = vector.shape_cast %get3A_348 : vector<1x1x16xf32> to vector<16xf32>
      %add3A_350 = arith.addf %get3A_349, %get3A_343 : vector<16xf32>
      %swap3A_351 = arith.constant 0 : i32
      %swap3A_352 = arith.index_cast %swap3A_351 : i32 to index
      %swap3A_353 = arith.index_cast %shift_right_arithmetic3A_335 : i32 to index
      %swap3A_354 = arith.index_cast %mul3A_339 : i32 to index
      %swap3A_355 = tpu.vector_load %arg6[%swap3A_352, %swap3A_353, %swap3A_354] {strides = array<i32>} : memref<4x8x1024xf32, #tpu.memory_space<vmem>>, vector<1x1x16xf32>,
      %swap3A_356 = vector.shape_cast %swap3A_355 : vector<1x1x16xf32> to vector<16xf32>
      %swap3A_357 = vector.shape_cast %add3A_350 : vector<16xf32> to vector<1x1x16xf32>
      tpu.vector_store %arg6[%swap3A_352, %swap3A_353, %swap3A_354], %swap3A_357 {strides = array<i32>} : memref<4x8x1024xf32, #tpu.memory_space<vmem>>, vector<1x1x16xf32>,
      %get3A_358 = arith.constant 1 : i32
      %get3A_359 = arith.index_cast %get3A_358 : i32 to index
      %get3A_360 = arith.index_cast %shift_right_arithmetic3A_335 : i32 to index
      %get3A_361 = arith.index_cast %mul3A_339 : i32 to index
      %get3A_362 = tpu.vector_load %arg6[%get3A_359, %get3A_360, %get3A_361] {strides = array<i32>} : memref<4x8x1024xf32, #tpu.memory_space<vmem>>, vector<1x1x16xf32>,
      %get3A_363 = vector.shape_cast %get3A_362 : vector<1x1x16xf32> to vector<16xf32>
      %add3A_364 = arith.addf %get3A_363, %get3A_343 : vector<16xf32>
      %swap3A_365 = arith.constant 1 : i32
      %swap3A_366 = arith.index_cast %swap3A_365 : i32 to index
      %swap3A_367 = arith.index_cast %shift_right_arithmetic3A_335 : i32 to index
      %swap3A_368 = arith.index_cast %mul3A_339 : i32 to index
      %swap3A_369 = tpu.vector_load %arg6[%swap3A_366, %swap3A_367, %swap3A_368] {strides = array<i32>} : memref<4x8x1024xf32, #tpu.memory_space<vmem>>, vector<1x1x16xf32>,
      %swap3A_370 = vector.shape_cast %swap3A_369 : vector<1x1x16xf32> to vector<16xf32>
      %swap3A_371 = vector.shape_cast %add3A_364 : vector<16xf32> to vector<1x1x16xf32>
      tpu.vector_store %arg6[%swap3A_366, %swap3A_367, %swap3A_368], %swap3A_371 {strides = array<i32>} : memref<4x8x1024xf32, #tpu.memory_space<vmem>>, vector<1x1x16xf32>,
      %get3A_372 = arith.constant 2 : i32
      %get3A_373 = arith.index_cast %get3A_372 : i32 to index
      %get3A_374 = arith.index_cast %shift_right_arithmetic3A_335 : i32 to index
      %get3A_375 = arith.index_cast %mul3A_339 : i32 to index
      %get3A_376 = tpu.vector_load %arg6[%get3A_373, %get3A_374, %get3A_375] {strides = array<i32>} : memref<4x8x1024xf32, #tpu.memory_space<vmem>>, vector<1x1x16xf32>,
      %get3A_377 = vector.shape_cast %get3A_376 : vector<1x1x16xf32> to vector<16xf32>
      %add3A_378 = arith.addf %get3A_377, %get3A_343 : vector<16xf32>
      %swap3A_379 = arith.constant 2 : i32
      %swap3A_380 = arith.index_cast %swap3A_379 : i32 to index
      %swap3A_381 = arith.index_cast %shift_right_arithmetic3A_335 : i32 to index
      %swap3A_382 = arith.index_cast %mul3A_339 : i32 to index
      %swap3A_383 = tpu.vector_load %arg6[%swap3A_380, %swap3A_381, %swap3A_382] {strides = array<i32>} : memref<4x8x1024xf32, #tpu.memory_space<vmem>>, vector<1x1x16xf32>,
      %swap3A_384 = vector.shape_cast %swap3A_383 : vector<1x1x16xf32> to vector<16xf32>
      %swap3A_385 = vector.shape_cast %add3A_378 : vector<16xf32> to vector<1x1x16xf32>
      tpu.vector_store %arg6[%swap3A_380, %swap3A_381, %swap3A_382], %swap3A_385 {strides = array<i32>} : memref<4x8x1024xf32, #tpu.memory_space<vmem>>, vector<1x1x16xf32>,
      %get3A_386 = arith.constant 3 : i32
      %get3A_387 = arith.index_cast %get3A_386 : i32 to index
      %get3A_388 = arith.index_cast %shift_right_arithmetic3A_335 : i32 to index
      %get3A_389 = arith.index_cast %mul3A_339 : i32 to index
      %get3A_390 = tpu.vector_load %arg6[%get3A_387, %get3A_388, %get3A_389] {strides = array<i32>} : memref<4x8x1024xf32, #tpu.memory_space<vmem>>, vector<1x1x16xf32>,
      %get3A_391 = vector.shape_cast %get3A_390 : vector<1x1x16xf32> to vector<16xf32>
      %add3A_392 = arith.addf %get3A_391, %get3A_343 : vector<16xf32>
      %swap3A_393 = arith.constant 3 : i32
      %swap3A_394 = arith.index_cast %swap3A_393 : i32 to index
      %swap3A_395 = arith.index_cast %shift_right_arithmetic3A_335 : i32 to index
      %swap3A_396 = arith.index_cast %mul3A_339 : i32 to index
      %swap3A_397 = tpu.vector_load %arg6[%swap3A_394, %swap3A_395, %swap3A_396] {strides = array<i32>} : memref<4x8x1024xf32, #tpu.memory_space<vmem>>, vector<1x1x16xf32>,
      %swap3A_398 = vector.shape_cast %swap3A_397 : vector<1x1x16xf32> to vector<16xf32>
      %swap3A_399 = vector.shape_cast %add3A_392 : vector<16xf32> to vector<1x1x16xf32>
      tpu.vector_store %arg6[%swap3A_394, %swap3A_395, %swap3A_396], %swap3A_399 {strides = array<i32>} : memref<4x8x1024xf32, #tpu.memory_space<vmem>>, vector<1x1x16xf32>,
    }
    %scan3A_89 = arith.constant 512 : i32
    %add3A_90 = arith.constant 8 : i32
    %add3A_91 = arith.addi %mul3A_2, %add3A_90 : i32
    %dma_start3A_92 = arith.constant 0 : i32
    %dma_start3A_93 = arith.constant 0 : i32
    %dma_start3A_94 = tpu.memref_slice %arg4[%dma_start3A_92, %add3A_91, %dma_start3A_93] : memref<4x8192x1024xf32, #tpu.memory_space<hbm>> -> memref<4x8x1024xf32, #tpu.memory_space<hbm>>
    %dma_start3A_95 = arith.constant 0 : i32
    %dma_start3A_96 = arith.constant 0 : i32
    %dma_start3A_97 = tpu.memref_slice %arg4[%dma_start3A_95, %add3A_91, %dma_start3A_96] : memref<4x8192x1024xf32, #tpu.memory_space<hbm>> -> memref<4x8x1024xf32, #tpu.memory_space<hbm>>
    tpu.enqueue_dma source(%arg6 : memref<4x8x1024xf32, #tpu.memory_space<vmem>>) target(%dma_start3A_97 : memref<4x8x1024xf32, #tpu.memory_space<hbm>>) target_semaphore(%arg18 : memref<!tpu.dma_semaphore, #tpu.memory_space<semaphore_mem>>)
    %scan3A_98 = arith.constant 2 : i32
    %scan3A_99 = arith.constant 30 : i32
    %scan3A_100 = arith.addi %scan3A_98, %scan3A_99 : i32
    %scan3A_101 = arith.constant 1 : i32
    scf.for %scan3A_133 = %scan3A_98 to %scan3A_100 step %scan3A_101  : i32 {
      %jit3A_134 = arith.constant 3 : i32
      %eq3A = arith.constant 0 : i32
      %eq3A_135 = arith.cmpi eq, %jit3A_134, %eq3A : i32
      %jit3A_136 = arith.constant 1 : i32
      %select_n3A_137 = arith.select %eq3A_135, %jit3A_136, %jit3A_134 : i32
      %rem3A = arith.remsi %scan3A_133, %select_n3A_137 : i32
      %ne3A = arith.constant 0 : i32
      %ne3A_138 = arith.cmpi ne, %rem3A, %ne3A : i32
      %lt3A = arith.constant 0 : i32
      %lt3A_139 = arith.cmpi slt, %rem3A, %lt3A : i32
      %lt3A_140 = arith.constant 0 : i32
      %lt3A_141 = arith.cmpi slt, %select_n3A_137, %lt3A_140 : i32
      %ne3A_142 = arith.xori %lt3A_139, %lt3A_141 : i1
      %and3A = arith.andi %ne3A_142, %ne3A_138 : i1
      %add3A_143 = arith.addi %rem3A, %select_n3A_137 : i32
      %select_n3A_144 = arith.select %and3A, %add3A_143, %rem3A : i32
      %clamp3A = arith.constant 0 : i32
      %clamp3A_145 = arith.constant 2 : i32
      %clamp3A_146 = arith.maxsi %select_n3A_144, %clamp3A : i32
      %clamp3A_147 = arith.minsi %clamp3A_146, %clamp3A_145 : i32
      %cond3A = arith.constant 0 : i32
      %cond3A_148 = arith.cmpi ne, %clamp3A_147, %cond3A : i32
      scf.if %cond3A_148 {
        %cond3A_149 = arith.constant 1 : i32
        %cond3A_150 = arith.subi %clamp3A_147, %cond3A_149 : i32
        %cond3A_151 = arith.constant 0 : i32
        %cond3A_152 = arith.cmpi ne, %cond3A_150, %cond3A_151 : i32
        scf.if %cond3A_152 {
          %dma_wait3A_153 = arith.constant 0 : i32
          %dma_wait3A_154 = arith.constant 0 : i32
          %dma_wait3A_155 = arith.constant 0 : i32
          %dma_wait3A_156 = tpu.memref_slice %arg4[%dma_wait3A_153, %dma_wait3A_154, %dma_wait3A_155] : memref<4x8192x1024xf32, #tpu.memory_space<hbm>> -> memref<4x8x1024xf32, #tpu.memory_space<hbm>>
          %dma_wait3A_157 = arith.constant 0 : i32
          %dma_wait3A_158 = arith.constant 0 : i32
          %dma_wait3A_159 = arith.constant 0 : i32
          %dma_wait3A_160 = tpu.memref_slice %arg4[%dma_wait3A_157, %dma_wait3A_158, %dma_wait3A_159] : memref<4x8192x1024xf32, #tpu.memory_space<hbm>> -> memref<4x8x1024xf32, #tpu.memory_space<hbm>>
          tpu.wait_dma2 semaphore(%arg17 : memref<!tpu.dma_semaphore, #tpu.memory_space<semaphore_mem>>) src(%arg5 : memref<4x8x1024xf32, #tpu.memory_space<vmem>>) dst(%dma_wait3A_160 : memref<4x8x1024xf32, #tpu.memory_space<hbm>>)
          %add3A_161 = arith.constant 1 : i32
          %add3A_162 = arith.addi %scan3A_133, %add3A_161 : i32
          %eq3A_163 = arith.constant 32 : i32
          %eq3A_164 = arith.cmpi eq, %add3A_162, %eq3A_163 : i32
          %add3A_165 = arith.constant 1 : i32
          %add3A_166 = arith.addi %scan3A_133, %add3A_165 : i32
          %jit3A_167 = arith.constant 0 : i32
          %select_n3A_168 = arith.select %eq3A_164, %jit3A_167, %add3A_166 : i32
          %mul3A_169 = arith.constant 8 : i32
          %mul3A_170 = arith.muli %select_n3A_168, %mul3A_169 : i32
          %add3A_171 = arith.addi %mul3A_2, %mul3A_170 : i32
          %dma_start3A_172 = arith.constant 0 : i32
          %dma_start3A_173 = arith.constant 0 : i32
          %dma_start3A_174 = tpu.memref_slice %arg2[%dma_start3A_172, %add3A_171, %dma_start3A_173] : memref<4x8192x1024xf32, #tpu.memory_space<hbm>> -> memref<4x8x1024xf32, #tpu.memory_space<hbm>>
          %dma_start3A_175 = arith.constant 0 : i32
          %dma_start3A_176 = arith.constant 0 : i32
          %dma_start3A_177 = tpu.memref_slice %arg2[%dma_start3A_175, %add3A_171, %dma_start3A_176] : memref<4x8192x1024xf32, #tpu.memory_space<hbm>> -> memref<4x8x1024xf32, #tpu.memory_space<hbm>>
          tpu.enqueue_dma source(%dma_start3A_177 : memref<4x8x1024xf32, #tpu.memory_space<hbm>>) target(%arg5 : memref<4x8x1024xf32, #tpu.memory_space<vmem>>) target_semaphore(%arg11 : memref<!tpu.dma_semaphore, #tpu.memory_space<semaphore_mem>>)
          %dma_start3A_178 = arith.constant 0 : i32
          %dma_start3A_179 = tpu.memref_slice %arg3[%add3A_171, %dma_start3A_178] : memref<8192x1024xf32, #tpu.memory_space<hbm>> -> memref<8x1024xf32, #tpu.memory_space<hbm>>
          %dma_start3A_180 = arith.constant 0 : i32
          %dma_start3A_181 = tpu.memref_slice %arg3[%add3A_171, %dma_start3A_180] : memref<8192x1024xf32, #tpu.memory_space<hbm>> -> memref<8x1024xf32, #tpu.memory_space<hbm>>
          tpu.enqueue_dma source(%dma_start3A_181 : memref<8x1024xf32, #tpu.memory_space<hbm>>) target(%arg8 : memref<8x1024xf32, #tpu.memory_space<vmem>>) target_semaphore(%arg14 : memref<!tpu.dma_semaphore, #tpu.memory_space<semaphore_mem>>)
          %dma_wait3A_182 = arith.constant 0 : i32
          %dma_wait3A_183 = arith.constant 0 : i32
          %dma_wait3A_184 = arith.constant 0 : i32
          %dma_wait3A_185 = tpu.memref_slice %arg2[%dma_wait3A_182, %dma_wait3A_183, %dma_wait3A_184] : memref<4x8192x1024xf32, #tpu.memory_space<hbm>> -> memref<4x8x1024xf32, #tpu.memory_space<hbm>>
          %dma_wait3A_186 = arith.constant 0 : i32
          %dma_wait3A_187 = arith.constant 0 : i32
          %dma_wait3A_188 = arith.constant 0 : i32
          %dma_wait3A_189 = tpu.memref_slice %arg2[%dma_wait3A_186, %dma_wait3A_187, %dma_wait3A_188] : memref<4x8192x1024xf32, #tpu.memory_space<hbm>> -> memref<4x8x1024xf32, #tpu.memory_space<hbm>>
          tpu.wait_dma2 semaphore(%arg13 : memref<!tpu.dma_semaphore, #tpu.memory_space<semaphore_mem>>) src(%dma_wait3A_189 : memref<4x8x1024xf32, #tpu.memory_space<hbm>>) dst(%arg7 : memref<4x8x1024xf32, #tpu.memory_space<vmem>>)
          %dma_wait3A_190 = arith.constant 0 : i32
          %dma_wait3A_191 = arith.constant 0 : i32
          %dma_wait3A_192 = tpu.memref_slice %arg3[%dma_wait3A_190, %dma_wait3A_191] : memref<8192x1024xf32, #tpu.memory_space<hbm>> -> memref<8x1024xf32, #tpu.memory_space<hbm>>
          %dma_wait3A_193 = arith.constant 0 : i32
          %dma_wait3A_194 = arith.constant 0 : i32
          %dma_wait3A_195 = tpu.memref_slice %arg3[%dma_wait3A_193, %dma_wait3A_194] : memref<8192x1024xf32, #tpu.memory_space<hbm>> -> memref<8x1024xf32, #tpu.memory_space<hbm>>
          tpu.wait_dma2 semaphore(%arg16 : memref<!tpu.dma_semaphore, #tpu.memory_space<semaphore_mem>>) src(%dma_wait3A_195 : memref<8x1024xf32, #tpu.memory_space<hbm>>) dst(%arg10 : memref<8x1024xf32, #tpu.memory_space<vmem>>)
          %scan3A_196 = arith.constant 0 : i32
          %scan3A_197 = arith.constant 512 : i32
          %scan3A_198 = arith.addi %scan3A_196, %scan3A_197 : i32
          %scan3A_199 = arith.constant 4 : i32
          scf.for %scan3A_210 = %scan3A_196 to %scan3A_198 step %scan3A_199  : i32 {
            %shift_right_arithmetic3A = arith.constant 6 : i32
            %shift_right_arithmetic3A_211 = arith.shrsi %scan3A_210, %shift_right_arithmetic3A : i32
            %and3A_212 = arith.constant 63 : i32
            %and3A_213 = arith.andi %scan3A_210, %and3A_212 : i32
            %mul3A_214 = arith.constant 16 : i32
            %mul3A_215 = arith.muli %and3A_213, %mul3A_214 : i32
            %get3A = arith.index_cast %shift_right_arithmetic3A_211 : i32 to index
            %get3A_216 = arith.index_cast %mul3A_215 : i32 to index
            %get3A_217 = tpu.vector_load %arg10[%get3A, %get3A_216] {strides = array<i32>} : memref<8x1024xf32, #tpu.memory_space<vmem>>, vector<1x16xf32>,
            %get3A_218 = vector.shape_cast %get3A_217 : vector<1x16xf32> to vector<16xf32>
            %get3A_219 = arith.constant 0 : i32
            %get3A_220 = arith.index_cast %get3A_219 : i32 to index
            %get3A_221 = arith.index_cast %shift_right_arithmetic3A_211 : i32 to index
            %get3A_222 = arith.index_cast %mul3A_215 : i32 to index
            %get3A_223 = tpu.vector_load %arg7[%get3A_220, %get3A_221, %get3A_222] {strides = array<i32>} : memref<4x8x1024xf32, #tpu.memory_space<vmem>>, vector<1x1x16xf32>,
            %get3A_224 = vector.shape_cast %get3A_223 : vector<1x1x16xf32> to vector<16xf32>
            %add3A_225 = arith.addf %get3A_224, %get3A_218 : vector<16xf32>
            %swap3A = arith.constant 0 : i32
            %swap3A_226 = arith.index_cast %swap3A : i32 to index
            %swap3A_227 = arith.index_cast %shift_right_arithmetic3A_211 : i32 to index
            %swap3A_228 = arith.index_cast %mul3A_215 : i32 to index
            %swap3A_229 = tpu.vector_load %arg7[%swap3A_226, %swap3A_227, %swap3A_228] {strides = array<i32>} : memref<4x8x1024xf32, #tpu.memory_space<vmem>>, vector<1x1x16xf32>,
            %swap3A_230 = vector.shape_cast %swap3A_229 : vector<1x1x16xf32> to vector<16xf32>
            %swap3A_231 = vector.shape_cast %add3A_225 : vector<16xf32> to vector<1x1x16xf32>
            tpu.vector_store %arg7[%swap3A_226, %swap3A_227, %swap3A_228], %swap3A_231 {strides = array<i32>} : memref<4x8x1024xf32, #tpu.memory_space<vmem>>, vector<1x1x16xf32>,
            %get3A_232 = arith.constant 1 : i32
            %get3A_233 = arith.index_cast %get3A_232 : i32 to index
            %get3A_234 = arith.index_cast %shift_right_arithmetic3A_211 : i32 to index
            %get3A_235 = arith.index_cast %mul3A_215 : i32 to index
            %get3A_236 = tpu.vector_load %arg7[%get3A_233, %get3A_234, %get3A_235] {strides = array<i32>} : memref<4x8x1024xf32, #tpu.memory_space<vmem>>, vector<1x1x16xf32>,
            %get3A_237 = vector.shape_cast %get3A_236 : vector<1x1x16xf32> to vector<16xf32>
            %add3A_238 = arith.addf %get3A_237, %get3A_218 : vector<16xf32>
            %swap3A_239 = arith.constant 1 : i32
            %swap3A_240 = arith.index_cast %swap3A_239 : i32 to index
            %swap3A_241 = arith.index_cast %shift_right_arithmetic3A_211 : i32 to index
            %swap3A_242 = arith.index_cast %mul3A_215 : i32 to index
            %swap3A_243 = tpu.vector_load %arg7[%swap3A_240, %swap3A_241, %swap3A_242] {strides = array<i32>} : memref<4x8x1024xf32, #tpu.memory_space<vmem>>, vector<1x1x16xf32>,
            %swap3A_244 = vector.shape_cast %swap3A_243 : vector<1x1x16xf32> to vector<16xf32>
            %swap3A_245 = vector.shape_cast %add3A_238 : vector<16xf32> to vector<1x1x16xf32>
            tpu.vector_store %arg7[%swap3A_240, %swap3A_241, %swap3A_242], %swap3A_245 {strides = array<i32>} : memref<4x8x1024xf32, #tpu.memory_space<vmem>>, vector<1x1x16xf32>,
            %get3A_246 = arith.constant 2 : i32
            %get3A_247 = arith.index_cast %get3A_246 : i32 to index
            %get3A_248 = arith.index_cast %shift_right_arithmetic3A_211 : i32 to index
            %get3A_249 = arith.index_cast %mul3A_215 : i32 to index
            %get3A_250 = tpu.vector_load %arg7[%get3A_247, %get3A_248, %get3A_249] {strides = array<i32>} : memref<4x8x1024xf32, #tpu.memory_space<vmem>>, vector<1x1x16xf32>,
            %get3A_251 = vector.shape_cast %get3A_250 : vector<1x1x16xf32> to vector<16xf32>
            %add3A_252 = arith.addf %get3A_251, %get3A_218 : vector<16xf32>
            %swap3A_253 = arith.constant 2 : i32
            %swap3A_254 = arith.index_cast %swap3A_253 : i32 to index
            %swap3A_255 = arith.index_cast %shift_right_arithmetic3A_211 : i32 to index
            %swap3A_256 = arith.index_cast %mul3A_215 : i32 to index
            %swap3A_257 = tpu.vector_load %arg7[%swap3A_254, %swap3A_255, %swap3A_256] {strides = array<i32>} : memref<4x8x1024xf32, #tpu.memory_space<vmem>>, vector<1x1x16xf32>,
            %swap3A_258 = vector.shape_cast %swap3A_257 : vector<1x1x16xf32> to vector<16xf32>
            %swap3A_259 = vector.shape_cast %add3A_252 : vector<16xf32> to vector<1x1x16xf32>
            tpu.vector_store %arg7[%swap3A_254, %swap3A_255, %swap3A_256], %swap3A_259 {strides = array<i32>} : memref<4x8x1024xf32, #tpu.memory_space<vmem>>, vector<1x1x16xf32>,
            %get3A_260 = arith.constant 3 : i32
            %get3A_261 = arith.index_cast %get3A_260 : i32 to index
            %get3A_262 = arith.index_cast %shift_right_arithmetic3A_211 : i32 to index
            %get3A_263 = arith.index_cast %mul3A_215 : i32 to index
            %get3A_264 = tpu.vector_load %arg7[%get3A_261, %get3A_262, %get3A_263] {strides = array<i32>} : memref<4x8x1024xf32, #tpu.memory_space<vmem>>, vector<1x1x16xf32>,
            %get3A_265 = vector.shape_cast %get3A_264 : vector<1x1x16xf32> to vector<16xf32>
            %add3A_266 = arith.addf %get3A_265, %get3A_218 : vector<16xf32>
            %swap3A_267 = arith.constant 3 : i32
            %swap3A_268 = arith.index_cast %swap3A_267 : i32 to index
            %swap3A_269 = arith.index_cast %shift_right_arithmetic3A_211 : i32 to index
            %swap3A_270 = arith.index_cast %mul3A_215 : i32 to index
            %swap3A_271 = tpu.vector_load %arg7[%swap3A_268, %swap3A_269, %swap3A_270] {strides = array<i32>} : memref<4x8x1024xf32, #tpu.memory_space<vmem>>, vector<1x1x16xf32>,
            %swap3A_272 = vector.shape_cast %swap3A_271 : vector<1x1x16xf32> to vector<16xf32>
            %swap3A_273 = vector.shape_cast %add3A_266 : vector<16xf32> to vector<1x1x16xf32>
            tpu.vector_store %arg7[%swap3A_268, %swap3A_269, %swap3A_270], %swap3A_273 {strides = array<i32>} : memref<4x8x1024xf32, #tpu.memory_space<vmem>>, vector<1x1x16xf32>,
            %scan3A_274 = arith.constant 1 : i32
            %scan3A_275 = arith.addi %scan3A_210, %scan3A_274 : i32
            %shift_right_arithmetic3A_276 = arith.constant 6 : i32
            %shift_right_arithmetic3A_277 = arith.shrsi %scan3A_275, %shift_right_arithmetic3A_276 : i32
            %and3A_278 = arith.constant 63 : i32
            %and3A_279 = arith.andi %scan3A_275, %and3A_278 : i32
            %mul3A_280 = arith.constant 16 : i32
            %mul3A_281 = arith.muli %and3A_279, %mul3A_280 : i32
            %get3A_282 = arith.index_cast %shift_right_arithmetic3A_277 : i32 to index
            %get3A_283 = arith.index_cast %mul3A_281 : i32 to index
            %get3A_284 = tpu.vector_load %arg10[%get3A_282, %get3A_283] {strides = array<i32>} : memref<8x1024xf32, #tpu.memory_space<vmem>>, vector<1x16xf32>,
            %get3A_285 = vector.shape_cast %get3A_284 : vector<1x16xf32> to vector<16xf32>
            %get3A_286 = arith.constant 0 : i32
            %get3A_287 = arith.index_cast %get3A_286 : i32 to index
            %get3A_288 = arith.index_cast %shift_right_arithmetic3A_277 : i32 to index
            %get3A_289 = arith.index_cast %mul3A_281 : i32 to index
            %get3A_290 = tpu.vector_load %arg7[%get3A_287, %get3A_288, %get3A_289] {strides = array<i32>} : memref<4x8x1024xf32, #tpu.memory_space<vmem>>, vector<1x1x16xf32>,
            %get3A_291 = vector.shape_cast %get3A_290 : vector<1x1x16xf32> to vector<16xf32>
            %add3A_292 = arith.addf %get3A_291, %get3A_285 : vector<16xf32>
            %swap3A_293 = arith.constant 0 : i32
            %swap3A_294 = arith.index_cast %swap3A_293 : i32 to index
            %swap3A_295 = arith.index_cast %shift_right_arithmetic3A_277 : i32 to index
            %swap3A_296 = arith.index_cast %mul3A_281 : i32 to index
            %swap3A_297 = tpu.vector_load %arg7[%swap3A_294, %swap3A_295, %swap3A_296] {strides = array<i32>} : memref<4x8x1024xf32, #tpu.memory_space<vmem>>, vector<1x1x16xf32>,
            %swap3A_298 = vector.shape_cast %swap3A_297 : vector<1x1x16xf32> to vector<16xf32>
            %swap3A_299 = vector.shape_cast %add3A_292 : vector<16xf32> to vector<1x1x16xf32>
            tpu.vector_store %arg7[%swap3A_294, %swap3A_295, %swap3A_296], %swap3A_299 {strides = array<i32>} : memref<4x8x1024xf32, #tpu.memory_space<vmem>>, vector<1x1x16xf32>,
            %get3A_300 = arith.constant 1 : i32
            %get3A_301 = arith.index_cast %get3A_300 : i32 to index
            %get3A_302 = arith.index_cast %shift_right_arithmetic3A_277 : i32 to index
            %get3A_303 = arith.index_cast %mul3A_281 : i32 to index
            %get3A_304 = tpu.vector_load %arg7[%get3A_301, %get3A_302, %get3A_303] {strides = array<i32>} : memref<4x8x1024xf32, #tpu.memory_space<vmem>>, vector<1x1x16xf32>,
            %get3A_305 = vector.shape_cast %get3A_304 : vector<1x1x16xf32> to vector<16xf32>
            %add3A_306 = arith.addf %get3A_305, %get3A_285 : vector<16xf32>
            %swap3A_307 = arith.constant 1 : i32
            %swap3A_308 = arith.index_cast %swap3A_307 : i32 to index
            %swap3A_309 = arith.index_cast %shift_right_arithmetic3A_277 : i32 to index
            %swap3A_310 = arith.index_cast %mul3A_281 : i32 to index
            %swap3A_311 = tpu.vector_load %arg7[%swap3A_308, %swap3A_309, %swap3A_310] {strides = array<i32>} : memref<4x8x1024xf32, #tpu.memory_space<vmem>>, vector<1x1x16xf32>,
            %swap3A_312 = vector.shape_cast %swap3A_311 : vector<1x1x16xf32> to vector<16xf32>
            %swap3A_313 = vector.shape_cast %add3A_306 : vector<16xf32> to vector<1x1x16xf32>
            tpu.vector_store %arg7[%swap3A_308, %swap3A_309, %swap3A_310], %swap3A_313 {strides = array<i32>} : memref<4x8x1024xf32, #tpu.memory_space<vmem>>, vector<1x1x16xf32>,
            %get3A_314 = arith.constant 2 : i32
            %get3A_315 = arith.index_cast %get3A_314 : i32 to index
            %get3A_316 = arith.index_cast %shift_right_arithmetic3A_277 : i32 to index
            %get3A_317 = arith.index_cast %mul3A_281 : i32 to index
            %get3A_318 = tpu.vector_load %arg7[%get3A_315, %get3A_316, %get3A_317] {strides = array<i32>} : memref<4x8x1024xf32, #tpu.memory_space<vmem>>, vector<1x1x16xf32>,
            %get3A_319 = vector.shape_cast %get3A_318 : vector<1x1x16xf32> to vector<16xf32>
            %add3A_320 = arith.addf %get3A_319, %get3A_285 : vector<16xf32>
            %swap3A_321 = arith.constant 2 : i32
            %swap3A_322 = arith.index_cast %swap3A_321 : i32 to index
            %swap3A_323 = arith.index_cast %shift_right_arithmetic3A_277 : i32 to index
            %swap3A_324 = arith.index_cast %mul3A_281 : i32 to index
            %swap3A_325 = tpu.vector_load %arg7[%swap3A_322, %swap3A_323, %swap3A_324] {strides = array<i32>} : memref<4x8x1024xf32, #tpu.memory_space<vmem>>, vector<1x1x16xf32>,
            %swap3A_326 = vector.shape_cast %swap3A_325 : vector<1x1x16xf32> to vector<16xf32>
            %swap3A_327 = vector.shape_cast %add3A_320 : vector<16xf32> to vector<1x1x16xf32>
            tpu.vector_store %arg7[%swap3A_322, %swap3A_323, %swap3A_324], %swap3A_327 {strides = array<i32>} : memref<4x8x1024xf32, #tpu.memory_space<vmem>>, vector<1x1x16xf32>,
            %get3A_328 = arith.constant 3 : i32
            %get3A_329 = arith.index_cast %get3A_328 : i32 to index
            %get3A_330 = arith.index_cast %shift_right_arithmetic3A_277 : i32 to index
            %get3A_331 = arith.index_cast %mul3A_281 : i32 to index
            %get3A_332 = tpu.vector_load %arg7[%get3A_329, %get3A_330, %get3A_331] {strides = array<i32>} : memref<4x8x1024xf32, #tpu.memory_space<vmem>>, vector<1x1x16xf32>,
            %get3A_333 = vector.shape_cast %get3A_332 : vector<1x1x16xf32> to vector<16xf32>
            %add3A_334 = arith.addf %get3A_333, %get3A_285 : vector<16xf32>
            %swap3A_335 = arith.constant 3 : i32
            %swap3A_336 = arith.index_cast %swap3A_335 : i32 to index
            %swap3A_337 = arith.index_cast %shift_right_arithmetic3A_277 : i32 to index
            %swap3A_338 = arith.index_cast %mul3A_281 : i32 to index
            %swap3A_339 = tpu.vector_load %arg7[%swap3A_336, %swap3A_337, %swap3A_338] {strides = array<i32>} : memref<4x8x1024xf32, #tpu.memory_space<vmem>>, vector<1x1x16xf32>,
            %swap3A_340 = vector.shape_cast %swap3A_339 : vector<1x1x16xf32> to vector<16xf32>
            %swap3A_341 = vector.shape_cast %add3A_334 : vector<16xf32> to vector<1x1x16xf32>
            tpu.vector_store %arg7[%swap3A_336, %swap3A_337, %swap3A_338], %swap3A_341 {strides = array<i32>} : memref<4x8x1024xf32, #tpu.memory_space<vmem>>, vector<1x1x16xf32>,
            %scan3A_342 = arith.constant 2 : i32
            %scan3A_343 = arith.addi %scan3A_210, %scan3A_342 : i32
            %shift_right_arithmetic3A_344 = arith.constant 6 : i32
            %shift_right_arithmetic3A_345 = arith.shrsi %scan3A_343, %shift_right_arithmetic3A_344 : i32
            %and3A_346 = arith.constant 63 : i32
            %and3A_347 = arith.andi %scan3A_343, %and3A_346 : i32
            %mul3A_348 = arith.constant 16 : i32
            %mul3A_349 = arith.muli %and3A_347, %mul3A_348 : i32
            %get3A_350 = arith.index_cast %shift_right_arithmetic3A_345 : i32 to index
            %get3A_351 = arith.index_cast %mul3A_349 : i32 to index
            %get3A_352 = tpu.vector_load %arg10[%get3A_350, %get3A_351] {strides = array<i32>} : memref<8x1024xf32, #tpu.memory_space<vmem>>, vector<1x16xf32>,
            %get3A_353 = vector.shape_cast %get3A_352 : vector<1x16xf32> to vector<16xf32>
            %get3A_354 = arith.constant 0 : i32
            %get3A_355 = arith.index_cast %get3A_354 : i32 to index
            %get3A_356 = arith.index_cast %shift_right_arithmetic3A_345 : i32 to index
            %get3A_357 = arith.index_cast %mul3A_349 : i32 to index
            %get3A_358 = tpu.vector_load %arg7[%get3A_355, %get3A_356, %get3A_357] {strides = array<i32>} : memref<4x8x1024xf32, #tpu.memory_space<vmem>>, vector<1x1x16xf32>,
            %get3A_359 = vector.shape_cast %get3A_358 : vector<1x1x16xf32> to vector<16xf32>
            %add3A_360 = arith.addf %get3A_359, %get3A_353 : vector<16xf32>
            %swap3A_361 = arith.constant 0 : i32
            %swap3A_362 = arith.index_cast %swap3A_361 : i32 to index
            %swap3A_363 = arith.index_cast %shift_right_arithmetic3A_345 : i32 to index
            %swap3A_364 = arith.index_cast %mul3A_349 : i32 to index
            %swap3A_365 = tpu.vector_load %arg7[%swap3A_362, %swap3A_363, %swap3A_364] {strides = array<i32>} : memref<4x8x1024xf32, #tpu.memory_space<vmem>>, vector<1x1x16xf32>,
            %swap3A_366 = vector.shape_cast %swap3A_365 : vector<1x1x16xf32> to vector<16xf32>
            %swap3A_367 = vector.shape_cast %add3A_360 : vector<16xf32> to vector<1x1x16xf32>
            tpu.vector_store %arg7[%swap3A_362, %swap3A_363, %swap3A_364], %swap3A_367 {strides = array<i32>} : memref<4x8x1024xf32, #tpu.memory_space<vmem>>, vector<1x1x16xf32>,
            %get3A_368 = arith.constant 1 : i32
            %get3A_369 = arith.index_cast %get3A_368 : i32 to index
            %get3A_370 = arith.index_cast %shift_right_arithmetic3A_345 : i32 to index
            %get3A_371 = arith.index_cast %mul3A_349 : i32 to index
            %get3A_372 = tpu.vector_load %arg7[%get3A_369, %get3A_370, %get3A_371] {strides = array<i32>} : memref<4x8x1024xf32, #tpu.memory_space<vmem>>, vector<1x1x16xf32>,
            %get3A_373 = vector.shape_cast %get3A_372 : vector<1x1x16xf32> to vector<16xf32>
            %add3A_374 = arith.addf %get3A_373, %get3A_353 : vector<16xf32>
            %swap3A_375 = arith.constant 1 : i32
            %swap3A_376 = arith.index_cast %swap3A_375 : i32 to index
            %swap3A_377 = arith.index_cast %shift_right_arithmetic3A_345 : i32 to index
            %swap3A_378 = arith.index_cast %mul3A_349 : i32 to index
            %swap3A_379 = tpu.vector_load %arg7[%swap3A_376, %swap3A_377, %swap3A_378] {strides = array<i32>} : memref<4x8x1024xf32, #tpu.memory_space<vmem>>, vector<1x1x16xf32>,
            %swap3A_380 = vector.shape_cast %swap3A_379 : vector<1x1x16xf32> to vector<16xf32>
            %swap3A_381 = vector.shape_cast %add3A_374 : vector<16xf32> to vector<1x1x16xf32>
            tpu.vector_store %arg7[%swap3A_376, %swap3A_377, %swap3A_378], %swap3A_381 {strides = array<i32>} : memref<4x8x1024xf32, #tpu.memory_space<vmem>>, vector<1x1x16xf32>,
            %get3A_382 = arith.constant 2 : i32
            %get3A_383 = arith.index_cast %get3A_382 : i32 to index
            %get3A_384 = arith.index_cast %shift_right_arithmetic3A_345 : i32 to index
            %get3A_385 = arith.index_cast %mul3A_349 : i32 to index
            %get3A_386 = tpu.vector_load %arg7[%get3A_383, %get3A_384, %get3A_385] {strides = array<i32>} : memref<4x8x1024xf32, #tpu.memory_space<vmem>>, vector<1x1x16xf32>,
            %get3A_387 = vector.shape_cast %get3A_386 : vector<1x1x16xf32> to vector<16xf32>
            %add3A_388 = arith.addf %get3A_387, %get3A_353 : vector<16xf32>
            %swap3A_389 = arith.constant 2 : i32
            %swap3A_390 = arith.index_cast %swap3A_389 : i32 to index
            %swap3A_391 = arith.index_cast %shift_right_arithmetic3A_345 : i32 to index
            %swap3A_392 = arith.index_cast %mul3A_349 : i32 to index
            %swap3A_393 = tpu.vector_load %arg7[%swap3A_390, %swap3A_391, %swap3A_392] {strides = array<i32>} : memref<4x8x1024xf32, #tpu.memory_space<vmem>>, vector<1x1x16xf32>,
            %swap3A_394 = vector.shape_cast %swap3A_393 : vector<1x1x16xf32> to vector<16xf32>
            %swap3A_395 = vector.shape_cast %add3A_388 : vector<16xf32> to vector<1x1x16xf32>
            tpu.vector_store %arg7[%swap3A_390, %swap3A_391, %swap3A_392], %swap3A_395 {strides = array<i32>} : memref<4x8x1024xf32, #tpu.memory_space<vmem>>, vector<1x1x16xf32>,
            %get3A_396 = arith.constant 3 : i32
            %get3A_397 = arith.index_cast %get3A_396 : i32 to index
            %get3A_398 = arith.index_cast %shift_right_arithmetic3A_345 : i32 to index
            %get3A_399 = arith.index_cast %mul3A_349 : i32 to index
            %get3A_400 = tpu.vector_load %arg7[%get3A_397, %get3A_398, %get3A_399] {strides = array<i32>} : memref<4x8x1024xf32, #tpu.memory_space<vmem>>, vector<1x1x16xf32>,
            %get3A_401 = vector.shape_cast %get3A_400 : vector<1x1x16xf32> to vector<16xf32>
            %add3A_402 = arith.addf %get3A_401, %get3A_353 : vector<16xf32>
            %swap3A_403 = arith.constant 3 : i32
            %swap3A_404 = arith.index_cast %swap3A_403 : i32 to index
            %swap3A_405 = arith.index_cast %shift_right_arithmetic3A_345 : i32 to index
            %swap3A_406 = arith.index_cast %mul3A_349 : i32 to index
            %swap3A_407 = tpu.vector_load %arg7[%swap3A_404, %swap3A_405, %swap3A_406] {strides = array<i32>} : memref<4x8x1024xf32, #tpu.memory_space<vmem>>, vector<1x1x16xf32>,
            %swap3A_408 = vector.shape_cast %swap3A_407 : vector<1x1x16xf32> to vector<16xf32>
            %swap3A_409 = vector.shape_cast %add3A_402 : vector<16xf32> to vector<1x1x16xf32>
            tpu.vector_store %arg7[%swap3A_404, %swap3A_405, %swap3A_406], %swap3A_409 {strides = array<i32>} : memref<4x8x1024xf32, #tpu.memory_space<vmem>>, vector<1x1x16xf32>,
            %scan3A_410 = arith.constant 3 : i32
            %scan3A_411 = arith.addi %scan3A_210, %scan3A_410 : i32
            %shift_right_arithmetic3A_412 = arith.constant 6 : i32
            %shift_right_arithmetic3A_413 = arith.shrsi %scan3A_411, %shift_right_arithmetic3A_412 : i32
            %and3A_414 = arith.constant 63 : i32
            %and3A_415 = arith.andi %scan3A_411, %and3A_414 : i32
            %mul3A_416 = arith.constant 16 : i32
            %mul3A_417 = arith.muli %and3A_415, %mul3A_416 : i32
            %get3A_418 = arith.index_cast %shift_right_arithmetic3A_413 : i32 to index
            %get3A_419 = arith.index_cast %mul3A_417 : i32 to index
            %get3A_420 = tpu.vector_load %arg10[%get3A_418, %get3A_419] {strides = array<i32>} : memref<8x1024xf32, #tpu.memory_space<vmem>>, vector<1x16xf32>,
            %get3A_421 = vector.shape_cast %get3A_420 : vector<1x16xf32> to vector<16xf32>
            %get3A_422 = arith.constant 0 : i32
            %get3A_423 = arith.index_cast %get3A_422 : i32 to index
            %get3A_424 = arith.index_cast %shift_right_arithmetic3A_413 : i32 to index
            %get3A_425 = arith.index_cast %mul3A_417 : i32 to index
            %get3A_426 = tpu.vector_load %arg7[%get3A_423, %get3A_424, %get3A_425] {strides = array<i32>} : memref<4x8x1024xf32, #tpu.memory_space<vmem>>, vector<1x1x16xf32>,
            %get3A_427 = vector.shape_cast %get3A_426 : vector<1x1x16xf32> to vector<16xf32>
            %add3A_428 = arith.addf %get3A_427, %get3A_421 : vector<16xf32>
            %swap3A_429 = arith.constant 0 : i32
            %swap3A_430 = arith.index_cast %swap3A_429 : i32 to index
            %swap3A_431 = arith.index_cast %shift_right_arithmetic3A_413 : i32 to index
            %swap3A_432 = arith.index_cast %mul3A_417 : i32 to index
            %swap3A_433 = tpu.vector_load %arg7[%swap3A_430, %swap3A_431, %swap3A_432] {strides = array<i32>} : memref<4x8x1024xf32, #tpu.memory_space<vmem>>, vector<1x1x16xf32>,
            %swap3A_434 = vector.shape_cast %swap3A_433 : vector<1x1x16xf32> to vector<16xf32>
            %swap3A_435 = vector.shape_cast %add3A_428 : vector<16xf32> to vector<1x1x16xf32>
            tpu.vector_store %arg7[%swap3A_430, %swap3A_431, %swap3A_432], %swap3A_435 {strides = array<i32>} : memref<4x8x1024xf32, #tpu.memory_space<vmem>>, vector<1x1x16xf32>,
            %get3A_436 = arith.constant 1 : i32
            %get3A_437 = arith.index_cast %get3A_436 : i32 to index
            %get3A_438 = arith.index_cast %shift_right_arithmetic3A_413 : i32 to index
            %get3A_439 = arith.index_cast %mul3A_417 : i32 to index
            %get3A_440 = tpu.vector_load %arg7[%get3A_437, %get3A_438, %get3A_439] {strides = array<i32>} : memref<4x8x1024xf32, #tpu.memory_space<vmem>>, vector<1x1x16xf32>,
            %get3A_441 = vector.shape_cast %get3A_440 : vector<1x1x16xf32> to vector<16xf32>
            %add3A_442 = arith.addf %get3A_441, %get3A_421 : vector<16xf32>
            %swap3A_443 = arith.constant 1 : i32
            %swap3A_444 = arith.index_cast %swap3A_443 : i32 to index
            %swap3A_445 = arith.index_cast %shift_right_arithmetic3A_413 : i32 to index
            %swap3A_446 = arith.index_cast %mul3A_417 : i32 to index
            %swap3A_447 = tpu.vector_load %arg7[%swap3A_444, %swap3A_445, %swap3A_446] {strides = array<i32>} : memref<4x8x1024xf32, #tpu.memory_space<vmem>>, vector<1x1x16xf32>,
            %swap3A_448 = vector.shape_cast %swap3A_447 : vector<1x1x16xf32> to vector<16xf32>
            %swap3A_449 = vector.shape_cast %add3A_442 : vector<16xf32> to vector<1x1x16xf32>
            tpu.vector_store %arg7[%swap3A_444, %swap3A_445, %swap3A_446], %swap3A_449 {strides = array<i32>} : memref<4x8x1024xf32, #tpu.memory_space<vmem>>, vector<1x1x16xf32>,
            %get3A_450 = arith.constant 2 : i32
            %get3A_451 = arith.index_cast %get3A_450 : i32 to index
            %get3A_452 = arith.index_cast %shift_right_arithmetic3A_413 : i32 to index
            %get3A_453 = arith.index_cast %mul3A_417 : i32 to index
            %get3A_454 = tpu.vector_load %arg7[%get3A_451, %get3A_452, %get3A_453] {strides = array<i32>} : memref<4x8x1024xf32, #tpu.memory_space<vmem>>, vector<1x1x16xf32>,
            %get3A_455 = vector.shape_cast %get3A_454 : vector<1x1x16xf32> to vector<16xf32>
            %add3A_456 = arith.addf %get3A_455, %get3A_421 : vector<16xf32>
            %swap3A_457 = arith.constant 2 : i32
            %swap3A_458 = arith.index_cast %swap3A_457 : i32 to index
            %swap3A_459 = arith.index_cast %shift_right_arithmetic3A_413 : i32 to index
            %swap3A_460 = arith.index_cast %mul3A_417 : i32 to index
            %swap3A_461 = tpu.vector_load %arg7[%swap3A_458, %swap3A_459, %swap3A_460] {strides = array<i32>} : memref<4x8x1024xf32, #tpu.memory_space<vmem>>, vector<1x1x16xf32>,
            %swap3A_462 = vector.shape_cast %swap3A_461 : vector<1x1x16xf32> to vector<16xf32>
            %swap3A_463 = vector.shape_cast %add3A_456 : vector<16xf32> to vector<1x1x16xf32>
            tpu.vector_store %arg7[%swap3A_458, %swap3A_459, %swap3A_460], %swap3A_463 {strides = array<i32>} : memref<4x8x1024xf32, #tpu.memory_space<vmem>>, vector<1x1x16xf32>,
            %get3A_464 = arith.constant 3 : i32
            %get3A_465 = arith.index_cast %get3A_464 : i32 to index
            %get3A_466 = arith.index_cast %shift_right_arithmetic3A_413 : i32 to index
            %get3A_467 = arith.index_cast %mul3A_417 : i32 to index
            %get3A_468 = tpu.vector_load %arg7[%get3A_465, %get3A_466, %get3A_467] {strides = array<i32>} : memref<4x8x1024xf32, #tpu.memory_space<vmem>>, vector<1x1x16xf32>,
            %get3A_469 = vector.shape_cast %get3A_468 : vector<1x1x16xf32> to vector<16xf32>
            %add3A_470 = arith.addf %get3A_469, %get3A_421 : vector<16xf32>
            %swap3A_471 = arith.constant 3 : i32
            %swap3A_472 = arith.index_cast %swap3A_471 : i32 to index
            %swap3A_473 = arith.index_cast %shift_right_arithmetic3A_413 : i32 to index
            %swap3A_474 = arith.index_cast %mul3A_417 : i32 to index
            %swap3A_475 = tpu.vector_load %arg7[%swap3A_472, %swap3A_473, %swap3A_474] {strides = array<i32>} : memref<4x8x1024xf32, #tpu.memory_space<vmem>>, vector<1x1x16xf32>,
            %swap3A_476 = vector.shape_cast %swap3A_475 : vector<1x1x16xf32> to vector<16xf32>
            %swap3A_477 = vector.shape_cast %add3A_470 : vector<16xf32> to vector<1x1x16xf32>
            tpu.vector_store %arg7[%swap3A_472, %swap3A_473, %swap3A_474], %swap3A_477 {strides = array<i32>} : memref<4x8x1024xf32, #tpu.memory_space<vmem>>, vector<1x1x16xf32>,
          }
          %scan3A_200 = arith.constant 512 : i32
          %mul3A_201 = arith.constant 8 : i32
          %mul3A_202 = arith.muli %scan3A_133, %mul3A_201 : i32
          %add3A_203 = arith.addi %mul3A_2, %mul3A_202 : i32
          %dma_start3A_204 = arith.constant 0 : i32
          %dma_start3A_205 = arith.constant 0 : i32
          %dma_start3A_206 = tpu.memref_slice %arg4[%dma_start3A_204, %add3A_203, %dma_start3A_205] : memref<4x8192x1024xf32, #tpu.memory_space<hbm>> -> memref<4x8x1024xf32, #tpu.memory_space<hbm>>
          %dma_start3A_207 = arith.constant 0 : i32
          %dma_start3A_208 = arith.constant 0 : i32
          %dma_start3A_209 = tpu.memref_slice %arg4[%dma_start3A_207, %add3A_203, %dma_start3A_208] : memref<4x8192x1024xf32, #tpu.memory_space<hbm>> -> memref<4x8x1024xf32, #tpu.memory_space<hbm>>
          tpu.enqueue_dma source(%arg7 : memref<4x8x1024xf32, #tpu.memory_space<vmem>>) target(%dma_start3A_209 : memref<4x8x1024xf32, #tpu.memory_space<hbm>>) target_semaphore(%arg19 : memref<!tpu.dma_semaphore, #tpu.memory_space<semaphore_mem>>)
        } else {
          %dma_wait3A_153 = arith.constant 0 : i32
          %dma_wait3A_154 = arith.constant 0 : i32
          %dma_wait3A_155 = arith.constant 0 : i32
          %dma_wait3A_156 = tpu.memref_slice %arg4[%dma_wait3A_153, %dma_wait3A_154, %dma_wait3A_155] : memref<4x8192x1024xf32, #tpu.memory_space<hbm>> -> memref<4x8x1024xf32, #tpu.memory_space<hbm>>
          %dma_wait3A_157 = arith.constant 0 : i32
          %dma_wait3A_158 = arith.constant 0 : i32
          %dma_wait3A_159 = arith.constant 0 : i32
          %dma_wait3A_160 = tpu.memref_slice %arg4[%dma_wait3A_157, %dma_wait3A_158, %dma_wait3A_159] : memref<4x8192x1024xf32, #tpu.memory_space<hbm>> -> memref<4x8x1024xf32, #tpu.memory_space<hbm>>
          tpu.wait_dma2 semaphore(%arg19 : memref<!tpu.dma_semaphore, #tpu.memory_space<semaphore_mem>>) src(%arg7 : memref<4x8x1024xf32, #tpu.memory_space<vmem>>) dst(%dma_wait3A_160 : memref<4x8x1024xf32, #tpu.memory_space<hbm>>)
          %add3A_161 = arith.constant 1 : i32
          %add3A_162 = arith.addi %scan3A_133, %add3A_161 : i32
          %eq3A_163 = arith.constant 32 : i32
          %eq3A_164 = arith.cmpi eq, %add3A_162, %eq3A_163 : i32
          %add3A_165 = arith.constant 1 : i32
          %add3A_166 = arith.addi %scan3A_133, %add3A_165 : i32
          %jit3A_167 = arith.constant 0 : i32
          %select_n3A_168 = arith.select %eq3A_164, %jit3A_167, %add3A_166 : i32
          %mul3A_169 = arith.constant 8 : i32
          %mul3A_170 = arith.muli %select_n3A_168, %mul3A_169 : i32
          %add3A_171 = arith.addi %mul3A_2, %mul3A_170 : i32
          %dma_start3A_172 = arith.constant 0 : i32
          %dma_start3A_173 = arith.constant 0 : i32
          %dma_start3A_174 = tpu.memref_slice %arg2[%dma_start3A_172, %add3A_171, %dma_start3A_173] : memref<4x8192x1024xf32, #tpu.memory_space<hbm>> -> memref<4x8x1024xf32, #tpu.memory_space<hbm>>
          %dma_start3A_175 = arith.constant 0 : i32
          %dma_start3A_176 = arith.constant 0 : i32
          %dma_start3A_177 = tpu.memref_slice %arg2[%dma_start3A_175, %add3A_171, %dma_start3A_176] : memref<4x8192x1024xf32, #tpu.memory_space<hbm>> -> memref<4x8x1024xf32, #tpu.memory_space<hbm>>
          tpu.enqueue_dma source(%dma_start3A_177 : memref<4x8x1024xf32, #tpu.memory_space<hbm>>) target(%arg7 : memref<4x8x1024xf32, #tpu.memory_space<vmem>>) target_semaphore(%arg13 : memref<!tpu.dma_semaphore, #tpu.memory_space<semaphore_mem>>)
          %dma_start3A_178 = arith.constant 0 : i32
          %dma_start3A_179 = tpu.memref_slice %arg3[%add3A_171, %dma_start3A_178] : memref<8192x1024xf32, #tpu.memory_space<hbm>> -> memref<8x1024xf32, #tpu.memory_space<hbm>>
          %dma_start3A_180 = arith.constant 0 : i32
          %dma_start3A_181 = tpu.memref_slice %arg3[%add3A_171, %dma_start3A_180] : memref<8192x1024xf32, #tpu.memory_space<hbm>> -> memref<8x1024xf32, #tpu.memory_space<hbm>>
          tpu.enqueue_dma source(%dma_start3A_181 : memref<8x1024xf32, #tpu.memory_space<hbm>>) target(%arg10 : memref<8x1024xf32, #tpu.memory_space<vmem>>) target_semaphore(%arg16 : memref<!tpu.dma_semaphore, #tpu.memory_space<semaphore_mem>>)
          %dma_wait3A_182 = arith.constant 0 : i32
          %dma_wait3A_183 = arith.constant 0 : i32
          %dma_wait3A_184 = arith.constant 0 : i32
          %dma_wait3A_185 = tpu.memref_slice %arg2[%dma_wait3A_182, %dma_wait3A_183, %dma_wait3A_184] : memref<4x8192x1024xf32, #tpu.memory_space<hbm>> -> memref<4x8x1024xf32, #tpu.memory_space<hbm>>
          %dma_wait3A_186 = arith.constant 0 : i32
          %dma_wait3A_187 = arith.constant 0 : i32
          %dma_wait3A_188 = arith.constant 0 : i32
          %dma_wait3A_189 = tpu.memref_slice %arg2[%dma_wait3A_186, %dma_wait3A_187, %dma_wait3A_188] : memref<4x8192x1024xf32, #tpu.memory_space<hbm>> -> memref<4x8x1024xf32, #tpu.memory_space<hbm>>
          tpu.wait_dma2 semaphore(%arg12 : memref<!tpu.dma_semaphore, #tpu.memory_space<semaphore_mem>>) src(%dma_wait3A_189 : memref<4x8x1024xf32, #tpu.memory_space<hbm>>) dst(%arg6 : memref<4x8x1024xf32, #tpu.memory_space<vmem>>)
          %dma_wait3A_190 = arith.constant 0 : i32
          %dma_wait3A_191 = arith.constant 0 : i32
          %dma_wait3A_192 = tpu.memref_slice %arg3[%dma_wait3A_190, %dma_wait3A_191] : memref<8192x1024xf32, #tpu.memory_space<hbm>> -> memref<8x1024xf32, #tpu.memory_space<hbm>>
          %dma_wait3A_193 = arith.constant 0 : i32
          %dma_wait3A_194 = arith.constant 0 : i32
          %dma_wait3A_195 = tpu.memref_slice %arg3[%dma_wait3A_193, %dma_wait3A_194] : memref<8192x1024xf32, #tpu.memory_space<hbm>> -> memref<8x1024xf32, #tpu.memory_space<hbm>>
          tpu.wait_dma2 semaphore(%arg15 : memref<!tpu.dma_semaphore, #tpu.memory_space<semaphore_mem>>) src(%dma_wait3A_195 : memref<8x1024xf32, #tpu.memory_space<hbm>>) dst(%arg9 : memref<8x1024xf32, #tpu.memory_space<vmem>>)
          %scan3A_196 = arith.constant 0 : i32
          %scan3A_197 = arith.constant 512 : i32
          %scan3A_198 = arith.addi %scan3A_196, %scan3A_197 : i32
          %scan3A_199 = arith.constant 4 : i32
          scf.for %scan3A_210 = %scan3A_196 to %scan3A_198 step %scan3A_199  : i32 {
            %shift_right_arithmetic3A = arith.constant 6 : i32
            %shift_right_arithmetic3A_211 = arith.shrsi %scan3A_210, %shift_right_arithmetic3A : i32
            %and3A_212 = arith.constant 63 : i32
            %and3A_213 = arith.andi %scan3A_210, %and3A_212 : i32
            %mul3A_214 = arith.constant 16 : i32
            %mul3A_215 = arith.muli %and3A_213, %mul3A_214 : i32
            %get3A = arith.index_cast %shift_right_arithmetic3A_211 : i32 to index
            %get3A_216 = arith.index_cast %mul3A_215 : i32 to index
            %get3A_217 = tpu.vector_load %arg9[%get3A, %get3A_216] {strides = array<i32>} : memref<8x1024xf32, #tpu.memory_space<vmem>>, vector<1x16xf32>,
            %get3A_218 = vector.shape_cast %get3A_217 : vector<1x16xf32> to vector<16xf32>
            %get3A_219 = arith.constant 0 : i32
            %get3A_220 = arith.index_cast %get3A_219 : i32 to index
            %get3A_221 = arith.index_cast %shift_right_arithmetic3A_211 : i32 to index
            %get3A_222 = arith.index_cast %mul3A_215 : i32 to index
            %get3A_223 = tpu.vector_load %arg6[%get3A_220, %get3A_221, %get3A_222] {strides = array<i32>} : memref<4x8x1024xf32, #tpu.memory_space<vmem>>, vector<1x1x16xf32>,
            %get3A_224 = vector.shape_cast %get3A_223 : vector<1x1x16xf32> to vector<16xf32>
            %add3A_225 = arith.addf %get3A_224, %get3A_218 : vector<16xf32>
            %swap3A = arith.constant 0 : i32
            %swap3A_226 = arith.index_cast %swap3A : i32 to index
            %swap3A_227 = arith.index_cast %shift_right_arithmetic3A_211 : i32 to index
            %swap3A_228 = arith.index_cast %mul3A_215 : i32 to index
            %swap3A_229 = tpu.vector_load %arg6[%swap3A_226, %swap3A_227, %swap3A_228] {strides = array<i32>} : memref<4x8x1024xf32, #tpu.memory_space<vmem>>, vector<1x1x16xf32>,
            %swap3A_230 = vector.shape_cast %swap3A_229 : vector<1x1x16xf32> to vector<16xf32>
            %swap3A_231 = vector.shape_cast %add3A_225 : vector<16xf32> to vector<1x1x16xf32>
            tpu.vector_store %arg6[%swap3A_226, %swap3A_227, %swap3A_228], %swap3A_231 {strides = array<i32>} : memref<4x8x1024xf32, #tpu.memory_space<vmem>>, vector<1x1x16xf32>,
            %get3A_232 = arith.constant 1 : i32
            %get3A_233 = arith.index_cast %get3A_232 : i32 to index
            %get3A_234 = arith.index_cast %shift_right_arithmetic3A_211 : i32 to index
            %get3A_235 = arith.index_cast %mul3A_215 : i32 to index
            %get3A_236 = tpu.vector_load %arg6[%get3A_233, %get3A_234, %get3A_235] {strides = array<i32>} : memref<4x8x1024xf32, #tpu.memory_space<vmem>>, vector<1x1x16xf32>,
            %get3A_237 = vector.shape_cast %get3A_236 : vector<1x1x16xf32> to vector<16xf32>
            %add3A_238 = arith.addf %get3A_237, %get3A_218 : vector<16xf32>
            %swap3A_239 = arith.constant 1 : i32
            %swap3A_240 = arith.index_cast %swap3A_239 : i32 to index
            %swap3A_241 = arith.index_cast %shift_right_arithmetic3A_211 : i32 to index
            %swap3A_242 = arith.index_cast %mul3A_215 : i32 to index
            %swap3A_243 = tpu.vector_load %arg6[%swap3A_240, %swap3A_241, %swap3A_242] {strides = array<i32>} : memref<4x8x1024xf32, #tpu.memory_space<vmem>>, vector<1x1x16xf32>,
            %swap3A_244 = vector.shape_cast %swap3A_243 : vector<1x1x16xf32> to vector<16xf32>
            %swap3A_245 = vector.shape_cast %add3A_238 : vector<16xf32> to vector<1x1x16xf32>
            tpu.vector_store %arg6[%swap3A_240, %swap3A_241, %swap3A_242], %swap3A_245 {strides = array<i32>} : memref<4x8x1024xf32, #tpu.memory_space<vmem>>, vector<1x1x16xf32>,
            %get3A_246 = arith.constant 2 : i32
            %get3A_247 = arith.index_cast %get3A_246 : i32 to index
            %get3A_248 = arith.index_cast %shift_right_arithmetic3A_211 : i32 to index
            %get3A_249 = arith.index_cast %mul3A_215 : i32 to index
            %get3A_250 = tpu.vector_load %arg6[%get3A_247, %get3A_248, %get3A_249] {strides = array<i32>} : memref<4x8x1024xf32, #tpu.memory_space<vmem>>, vector<1x1x16xf32>,
            %get3A_251 = vector.shape_cast %get3A_250 : vector<1x1x16xf32> to vector<16xf32>
            %add3A_252 = arith.addf %get3A_251, %get3A_218 : vector<16xf32>
            %swap3A_253 = arith.constant 2 : i32
            %swap3A_254 = arith.index_cast %swap3A_253 : i32 to index
            %swap3A_255 = arith.index_cast %shift_right_arithmetic3A_211 : i32 to index
            %swap3A_256 = arith.index_cast %mul3A_215 : i32 to index
            %swap3A_257 = tpu.vector_load %arg6[%swap3A_254, %swap3A_255, %swap3A_256] {strides = array<i32>} : memref<4x8x1024xf32, #tpu.memory_space<vmem>>, vector<1x1x16xf32>,
            %swap3A_258 = vector.shape_cast %swap3A_257 : vector<1x1x16xf32> to vector<16xf32>
            %swap3A_259 = vector.shape_cast %add3A_252 : vector<16xf32> to vector<1x1x16xf32>
            tpu.vector_store %arg6[%swap3A_254, %swap3A_255, %swap3A_256], %swap3A_259 {strides = array<i32>} : memref<4x8x1024xf32, #tpu.memory_space<vmem>>, vector<1x1x16xf32>,
            %get3A_260 = arith.constant 3 : i32
            %get3A_261 = arith.index_cast %get3A_260 : i32 to index
            %get3A_262 = arith.index_cast %shift_right_arithmetic3A_211 : i32 to index
            %get3A_263 = arith.index_cast %mul3A_215 : i32 to index
            %get3A_264 = tpu.vector_load %arg6[%get3A_261, %get3A_262, %get3A_263] {strides = array<i32>} : memref<4x8x1024xf32, #tpu.memory_space<vmem>>, vector<1x1x16xf32>,
            %get3A_265 = vector.shape_cast %get3A_264 : vector<1x1x16xf32> to vector<16xf32>
            %add3A_266 = arith.addf %get3A_265, %get3A_218 : vector<16xf32>
            %swap3A_267 = arith.constant 3 : i32
            %swap3A_268 = arith.index_cast %swap3A_267 : i32 to index
            %swap3A_269 = arith.index_cast %shift_right_arithmetic3A_211 : i32 to index
            %swap3A_270 = arith.index_cast %mul3A_215 : i32 to index
            %swap3A_271 = tpu.vector_load %arg6[%swap3A_268, %swap3A_269, %swap3A_270] {strides = array<i32>} : memref<4x8x1024xf32, #tpu.memory_space<vmem>>, vector<1x1x16xf32>,
            %swap3A_272 = vector.shape_cast %swap3A_271 : vector<1x1x16xf32> to vector<16xf32>
            %swap3A_273 = vector.shape_cast %add3A_266 : vector<16xf32> to vector<1x1x16xf32>
            tpu.vector_store %arg6[%swap3A_268, %swap3A_269, %swap3A_270], %swap3A_273 {strides = array<i32>} : memref<4x8x1024xf32, #tpu.memory_space<vmem>>, vector<1x1x16xf32>,
            %scan3A_274 = arith.constant 1 : i32
            %scan3A_275 = arith.addi %scan3A_210, %scan3A_274 : i32
            %shift_right_arithmetic3A_276 = arith.constant 6 : i32
            %shift_right_arithmetic3A_277 = arith.shrsi %scan3A_275, %shift_right_arithmetic3A_276 : i32
            %and3A_278 = arith.constant 63 : i32
            %and3A_279 = arith.andi %scan3A_275, %and3A_278 : i32
            %mul3A_280 = arith.constant 16 : i32
            %mul3A_281 = arith.muli %and3A_279, %mul3A_280 : i32
            %get3A_282 = arith.index_cast %shift_right_arithmetic3A_277 : i32 to index
            %get3A_283 = arith.index_cast %mul3A_281 : i32 to index
            %get3A_284 = tpu.vector_load %arg9[%get3A_282, %get3A_283] {strides = array<i32>} : memref<8x1024xf32, #tpu.memory_space<vmem>>, vector<1x16xf32>,
            %get3A_285 = vector.shape_cast %get3A_284 : vector<1x16xf32> to vector<16xf32>
            %get3A_286 = arith.constant 0 : i32
            %get3A_287 = arith.index_cast %get3A_286 : i32 to index
            %get3A_288 = arith.index_cast %shift_right_arithmetic3A_277 : i32 to index
            %get3A_289 = arith.index_cast %mul3A_281 : i32 to index
            %get3A_290 = tpu.vector_load %arg6[%get3A_287, %get3A_288, %get3A_289] {strides = array<i32>} : memref<4x8x1024xf32, #tpu.memory_space<vmem>>, vector<1x1x16xf32>,
            %get3A_291 = vector.shape_cast %get3A_290 : vector<1x1x16xf32> to vector<16xf32>
            %add3A_292 = arith.addf %get3A_291, %get3A_285 : vector<16xf32>
            %swap3A_293 = arith.constant 0 : i32
            %swap3A_294 = arith.index_cast %swap3A_293 : i32 to index
            %swap3A_295 = arith.index_cast %shift_right_arithmetic3A_277 : i32 to index
            %swap3A_296 = arith.index_cast %mul3A_281 : i32 to index
            %swap3A_297 = tpu.vector_load %arg6[%swap3A_294, %swap3A_295, %swap3A_296] {strides = array<i32>} : memref<4x8x1024xf32, #tpu.memory_space<vmem>>, vector<1x1x16xf32>,
            %swap3A_298 = vector.shape_cast %swap3A_297 : vector<1x1x16xf32> to vector<16xf32>
            %swap3A_299 = vector.shape_cast %add3A_292 : vector<16xf32> to vector<1x1x16xf32>
            tpu.vector_store %arg6[%swap3A_294, %swap3A_295, %swap3A_296], %swap3A_299 {strides = array<i32>} : memref<4x8x1024xf32, #tpu.memory_space<vmem>>, vector<1x1x16xf32>,
            %get3A_300 = arith.constant 1 : i32
            %get3A_301 = arith.index_cast %get3A_300 : i32 to index
            %get3A_302 = arith.index_cast %shift_right_arithmetic3A_277 : i32 to index
            %get3A_303 = arith.index_cast %mul3A_281 : i32 to index
            %get3A_304 = tpu.vector_load %arg6[%get3A_301, %get3A_302, %get3A_303] {strides = array<i32>} : memref<4x8x1024xf32, #tpu.memory_space<vmem>>, vector<1x1x16xf32>,
            %get3A_305 = vector.shape_cast %get3A_304 : vector<1x1x16xf32> to vector<16xf32>
            %add3A_306 = arith.addf %get3A_305, %get3A_285 : vector<16xf32>
            %swap3A_307 = arith.constant 1 : i32
            %swap3A_308 = arith.index_cast %swap3A_307 : i32 to index
            %swap3A_309 = arith.index_cast %shift_right_arithmetic3A_277 : i32 to index
            %swap3A_310 = arith.index_cast %mul3A_281 : i32 to index
            %swap3A_311 = tpu.vector_load %arg6[%swap3A_308, %swap3A_309, %swap3A_310] {strides = array<i32>} : memref<4x8x1024xf32, #tpu.memory_space<vmem>>, vector<1x1x16xf32>,
            %swap3A_312 = vector.shape_cast %swap3A_311 : vector<1x1x16xf32> to vector<16xf32>
            %swap3A_313 = vector.shape_cast %add3A_306 : vector<16xf32> to vector<1x1x16xf32>
            tpu.vector_store %arg6[%swap3A_308, %swap3A_309, %swap3A_310], %swap3A_313 {strides = array<i32>} : memref<4x8x1024xf32, #tpu.memory_space<vmem>>, vector<1x1x16xf32>,
            %get3A_314 = arith.constant 2 : i32
            %get3A_315 = arith.index_cast %get3A_314 : i32 to index
            %get3A_316 = arith.index_cast %shift_right_arithmetic3A_277 : i32 to index
            %get3A_317 = arith.index_cast %mul3A_281 : i32 to index
            %get3A_318 = tpu.vector_load %arg6[%get3A_315, %get3A_316, %get3A_317] {strides = array<i32>} : memref<4x8x1024xf32, #tpu.memory_space<vmem>>, vector<1x1x16xf32>,
            %get3A_319 = vector.shape_cast %get3A_318 : vector<1x1x16xf32> to vector<16xf32>
            %add3A_320 = arith.addf %get3A_319, %get3A_285 : vector<16xf32>
            %swap3A_321 = arith.constant 2 : i32
            %swap3A_322 = arith.index_cast %swap3A_321 : i32 to index
            %swap3A_323 = arith.index_cast %shift_right_arithmetic3A_277 : i32 to index
            %swap3A_324 = arith.index_cast %mul3A_281 : i32 to index
            %swap3A_325 = tpu.vector_load %arg6[%swap3A_322, %swap3A_323, %swap3A_324] {strides = array<i32>} : memref<4x8x1024xf32, #tpu.memory_space<vmem>>, vector<1x1x16xf32>,
            %swap3A_326 = vector.shape_cast %swap3A_325 : vector<1x1x16xf32> to vector<16xf32>
            %swap3A_327 = vector.shape_cast %add3A_320 : vector<16xf32> to vector<1x1x16xf32>
            tpu.vector_store %arg6[%swap3A_322, %swap3A_323, %swap3A_324], %swap3A_327 {strides = array<i32>} : memref<4x8x1024xf32, #tpu.memory_space<vmem>>, vector<1x1x16xf32>,
            %get3A_328 = arith.constant 3 : i32
            %get3A_329 = arith.index_cast %get3A_328 : i32 to index
            %get3A_330 = arith.index_cast %shift_right_arithmetic3A_277 : i32 to index
            %get3A_331 = arith.index_cast %mul3A_281 : i32 to index
            %get3A_332 = tpu.vector_load %arg6[%get3A_329, %get3A_330, %get3A_331] {strides = array<i32>} : memref<4x8x1024xf32, #tpu.memory_space<vmem>>, vector<1x1x16xf32>,
            %get3A_333 = vector.shape_cast %get3A_332 : vector<1x1x16xf32> to vector<16xf32>
            %add3A_334 = arith.addf %get3A_333, %get3A_285 : vector<16xf32>
            %swap3A_335 = arith.constant 3 : i32
            %swap3A_336 = arith.index_cast %swap3A_335 : i32 to index
            %swap3A_337 = arith.index_cast %shift_right_arithmetic3A_277 : i32 to index
            %swap3A_338 = arith.index_cast %mul3A_281 : i32 to index
            %swap3A_339 = tpu.vector_load %arg6[%swap3A_336, %swap3A_337, %swap3A_338] {strides = array<i32>} : memref<4x8x1024xf32, #tpu.memory_space<vmem>>, vector<1x1x16xf32>,
            %swap3A_340 = vector.shape_cast %swap3A_339 : vector<1x1x16xf32> to vector<16xf32>
            %swap3A_341 = vector.shape_cast %add3A_334 : vector<16xf32> to vector<1x1x16xf32>
            tpu.vector_store %arg6[%swap3A_336, %swap3A_337, %swap3A_338], %swap3A_341 {strides = array<i32>} : memref<4x8x1024xf32, #tpu.memory_space<vmem>>, vector<1x1x16xf32>,
            %scan3A_342 = arith.constant 2 : i32
            %scan3A_343 = arith.addi %scan3A_210, %scan3A_342 : i32
            %shift_right_arithmetic3A_344 = arith.constant 6 : i32
            %shift_right_arithmetic3A_345 = arith.shrsi %scan3A_343, %shift_right_arithmetic3A_344 : i32
            %and3A_346 = arith.constant 63 : i32
            %and3A_347 = arith.andi %scan3A_343, %and3A_346 : i32
            %mul3A_348 = arith.constant 16 : i32
            %mul3A_349 = arith.muli %and3A_347, %mul3A_348 : i32
            %get3A_350 = arith.index_cast %shift_right_arithmetic3A_345 : i32 to index
            %get3A_351 = arith.index_cast %mul3A_349 : i32 to index
            %get3A_352 = tpu.vector_load %arg9[%get3A_350, %get3A_351] {strides = array<i32>} : memref<8x1024xf32, #tpu.memory_space<vmem>>, vector<1x16xf32>,
            %get3A_353 = vector.shape_cast %get3A_352 : vector<1x16xf32> to vector<16xf32>
            %get3A_354 = arith.constant 0 : i32
            %get3A_355 = arith.index_cast %get3A_354 : i32 to index
            %get3A_356 = arith.index_cast %shift_right_arithmetic3A_345 : i32 to index
            %get3A_357 = arith.index_cast %mul3A_349 : i32 to index
            %get3A_358 = tpu.vector_load %arg6[%get3A_355, %get3A_356, %get3A_357] {strides = array<i32>} : memref<4x8x1024xf32, #tpu.memory_space<vmem>>, vector<1x1x16xf32>,
            %get3A_359 = vector.shape_cast %get3A_358 : vector<1x1x16xf32> to vector<16xf32>
            %add3A_360 = arith.addf %get3A_359, %get3A_353 : vector<16xf32>
            %swap3A_361 = arith.constant 0 : i32
            %swap3A_362 = arith.index_cast %swap3A_361 : i32 to index
            %swap3A_363 = arith.index_cast %shift_right_arithmetic3A_345 : i32 to index
            %swap3A_364 = arith.index_cast %mul3A_349 : i32 to index
            %swap3A_365 = tpu.vector_load %arg6[%swap3A_362, %swap3A_363, %swap3A_364] {strides = array<i32>} : memref<4x8x1024xf32, #tpu.memory_space<vmem>>, vector<1x1x16xf32>,
            %swap3A_366 = vector.shape_cast %swap3A_365 : vector<1x1x16xf32> to vector<16xf32>
            %swap3A_367 = vector.shape_cast %add3A_360 : vector<16xf32> to vector<1x1x16xf32>
            tpu.vector_store %arg6[%swap3A_362, %swap3A_363, %swap3A_364], %swap3A_367 {strides = array<i32>} : memref<4x8x1024xf32, #tpu.memory_space<vmem>>, vector<1x1x16xf32>,
            %get3A_368 = arith.constant 1 : i32
            %get3A_369 = arith.index_cast %get3A_368 : i32 to index
            %get3A_370 = arith.index_cast %shift_right_arithmetic3A_345 : i32 to index
            %get3A_371 = arith.index_cast %mul3A_349 : i32 to index
            %get3A_372 = tpu.vector_load %arg6[%get3A_369, %get3A_370, %get3A_371] {strides = array<i32>} : memref<4x8x1024xf32, #tpu.memory_space<vmem>>, vector<1x1x16xf32>,
            %get3A_373 = vector.shape_cast %get3A_372 : vector<1x1x16xf32> to vector<16xf32>
            %add3A_374 = arith.addf %get3A_373, %get3A_353 : vector<16xf32>
            %swap3A_375 = arith.constant 1 : i32
            %swap3A_376 = arith.index_cast %swap3A_375 : i32 to index
            %swap3A_377 = arith.index_cast %shift_right_arithmetic3A_345 : i32 to index
            %swap3A_378 = arith.index_cast %mul3A_349 : i32 to index
            %swap3A_379 = tpu.vector_load %arg6[%swap3A_376, %swap3A_377, %swap3A_378] {strides = array<i32>} : memref<4x8x1024xf32, #tpu.memory_space<vmem>>, vector<1x1x16xf32>,
            %swap3A_380 = vector.shape_cast %swap3A_379 : vector<1x1x16xf32> to vector<16xf32>
            %swap3A_381 = vector.shape_cast %add3A_374 : vector<16xf32> to vector<1x1x16xf32>
            tpu.vector_store %arg6[%swap3A_376, %swap3A_377, %swap3A_378], %swap3A_381 {strides = array<i32>} : memref<4x8x1024xf32, #tpu.memory_space<vmem>>, vector<1x1x16xf32>,
            %get3A_382 = arith.constant 2 : i32
            %get3A_383 = arith.index_cast %get3A_382 : i32 to index
            %get3A_384 = arith.index_cast %shift_right_arithmetic3A_345 : i32 to index
            %get3A_385 = arith.index_cast %mul3A_349 : i32 to index
            %get3A_386 = tpu.vector_load %arg6[%get3A_383, %get3A_384, %get3A_385] {strides = array<i32>} : memref<4x8x1024xf32, #tpu.memory_space<vmem>>, vector<1x1x16xf32>,
            %get3A_387 = vector.shape_cast %get3A_386 : vector<1x1x16xf32> to vector<16xf32>
            %add3A_388 = arith.addf %get3A_387, %get3A_353 : vector<16xf32>
            %swap3A_389 = arith.constant 2 : i32
            %swap3A_390 = arith.index_cast %swap3A_389 : i32 to index
            %swap3A_391 = arith.index_cast %shift_right_arithmetic3A_345 : i32 to index
            %swap3A_392 = arith.index_cast %mul3A_349 : i32 to index
            %swap3A_393 = tpu.vector_load %arg6[%swap3A_390, %swap3A_391, %swap3A_392] {strides = array<i32>} : memref<4x8x1024xf32, #tpu.memory_space<vmem>>, vector<1x1x16xf32>,
            %swap3A_394 = vector.shape_cast %swap3A_393 : vector<1x1x16xf32> to vector<16xf32>
            %swap3A_395 = vector.shape_cast %add3A_388 : vector<16xf32> to vector<1x1x16xf32>
            tpu.vector_store %arg6[%swap3A_390, %swap3A_391, %swap3A_392], %swap3A_395 {strides = array<i32>} : memref<4x8x1024xf32, #tpu.memory_space<vmem>>, vector<1x1x16xf32>,
            %get3A_396 = arith.constant 3 : i32
            %get3A_397 = arith.index_cast %get3A_396 : i32 to index
            %get3A_398 = arith.index_cast %shift_right_arithmetic3A_345 : i32 to index
            %get3A_399 = arith.index_cast %mul3A_349 : i32 to index
            %get3A_400 = tpu.vector_load %arg6[%get3A_397, %get3A_398, %get3A_399] {strides = array<i32>} : memref<4x8x1024xf32, #tpu.memory_space<vmem>>, vector<1x1x16xf32>,
            %get3A_401 = vector.shape_cast %get3A_400 : vector<1x1x16xf32> to vector<16xf32>
            %add3A_402 = arith.addf %get3A_401, %get3A_353 : vector<16xf32>
            %swap3A_403 = arith.constant 3 : i32
            %swap3A_404 = arith.index_cast %swap3A_403 : i32 to index
            %swap3A_405 = arith.index_cast %shift_right_arithmetic3A_345 : i32 to index
            %swap3A_406 = arith.index_cast %mul3A_349 : i32 to index
            %swap3A_407 = tpu.vector_load %arg6[%swap3A_404, %swap3A_405, %swap3A_406] {strides = array<i32>} : memref<4x8x1024xf32, #tpu.memory_space<vmem>>, vector<1x1x16xf32>,
            %swap3A_408 = vector.shape_cast %swap3A_407 : vector<1x1x16xf32> to vector<16xf32>
            %swap3A_409 = vector.shape_cast %add3A_402 : vector<16xf32> to vector<1x1x16xf32>
            tpu.vector_store %arg6[%swap3A_404, %swap3A_405, %swap3A_406], %swap3A_409 {strides = array<i32>} : memref<4x8x1024xf32, #tpu.memory_space<vmem>>, vector<1x1x16xf32>,
            %scan3A_410 = arith.constant 3 : i32
            %scan3A_411 = arith.addi %scan3A_210, %scan3A_410 : i32
            %shift_right_arithmetic3A_412 = arith.constant 6 : i32
            %shift_right_arithmetic3A_413 = arith.shrsi %scan3A_411, %shift_right_arithmetic3A_412 : i32
            %and3A_414 = arith.constant 63 : i32
            %and3A_415 = arith.andi %scan3A_411, %and3A_414 : i32
            %mul3A_416 = arith.constant 16 : i32
            %mul3A_417 = arith.muli %and3A_415, %mul3A_416 : i32
            %get3A_418 = arith.index_cast %shift_right_arithmetic3A_413 : i32 to index
            %get3A_419 = arith.index_cast %mul3A_417 : i32 to index
            %get3A_420 = tpu.vector_load %arg9[%get3A_418, %get3A_419] {strides = array<i32>} : memref<8x1024xf32, #tpu.memory_space<vmem>>, vector<1x16xf32>,
            %get3A_421 = vector.shape_cast %get3A_420 : vector<1x16xf32> to vector<16xf32>
            %get3A_422 = arith.constant 0 : i32
            %get3A_423 = arith.index_cast %get3A_422 : i32 to index
            %get3A_424 = arith.index_cast %shift_right_arithmetic3A_413 : i32 to index
            %get3A_425 = arith.index_cast %mul3A_417 : i32 to index
            %get3A_426 = tpu.vector_load %arg6[%get3A_423, %get3A_424, %get3A_425] {strides = array<i32>} : memref<4x8x1024xf32, #tpu.memory_space<vmem>>, vector<1x1x16xf32>,
            %get3A_427 = vector.shape_cast %get3A_426 : vector<1x1x16xf32> to vector<16xf32>
            %add3A_428 = arith.addf %get3A_427, %get3A_421 : vector<16xf32>
            %swap3A_429 = arith.constant 0 : i32
            %swap3A_430 = arith.index_cast %swap3A_429 : i32 to index
            %swap3A_431 = arith.index_cast %shift_right_arithmetic3A_413 : i32 to index
            %swap3A_432 = arith.index_cast %mul3A_417 : i32 to index
            %swap3A_433 = tpu.vector_load %arg6[%swap3A_430, %swap3A_431, %swap3A_432] {strides = array<i32>} : memref<4x8x1024xf32, #tpu.memory_space<vmem>>, vector<1x1x16xf32>,
            %swap3A_434 = vector.shape_cast %swap3A_433 : vector<1x1x16xf32> to vector<16xf32>
            %swap3A_435 = vector.shape_cast %add3A_428 : vector<16xf32> to vector<1x1x16xf32>
            tpu.vector_store %arg6[%swap3A_430, %swap3A_431, %swap3A_432], %swap3A_435 {strides = array<i32>} : memref<4x8x1024xf32, #tpu.memory_space<vmem>>, vector<1x1x16xf32>,
            %get3A_436 = arith.constant 1 : i32
            %get3A_437 = arith.index_cast %get3A_436 : i32 to index
            %get3A_438 = arith.index_cast %shift_right_arithmetic3A_413 : i32 to index
            %get3A_439 = arith.index_cast %mul3A_417 : i32 to index
            %get3A_440 = tpu.vector_load %arg6[%get3A_437, %get3A_438, %get3A_439] {strides = array<i32>} : memref<4x8x1024xf32, #tpu.memory_space<vmem>>, vector<1x1x16xf32>,
            %get3A_441 = vector.shape_cast %get3A_440 : vector<1x1x16xf32> to vector<16xf32>
            %add3A_442 = arith.addf %get3A_441, %get3A_421 : vector<16xf32>
            %swap3A_443 = arith.constant 1 : i32
            %swap3A_444 = arith.index_cast %swap3A_443 : i32 to index
            %swap3A_445 = arith.index_cast %shift_right_arithmetic3A_413 : i32 to index
            %swap3A_446 = arith.index_cast %mul3A_417 : i32 to index
            %swap3A_447 = tpu.vector_load %arg6[%swap3A_444, %swap3A_445, %swap3A_446] {strides = array<i32>} : memref<4x8x1024xf32, #tpu.memory_space<vmem>>, vector<1x1x16xf32>,
            %swap3A_448 = vector.shape_cast %swap3A_447 : vector<1x1x16xf32> to vector<16xf32>
            %swap3A_449 = vector.shape_cast %add3A_442 : vector<16xf32> to vector<1x1x16xf32>
            tpu.vector_store %arg6[%swap3A_444, %swap3A_445, %swap3A_446], %swap3A_449 {strides = array<i32>} : memref<4x8x1024xf32, #tpu.memory_space<vmem>>, vector<1x1x16xf32>,
            %get3A_450 = arith.constant 2 : i32
            %get3A_451 = arith.index_cast %get3A_450 : i32 to index
            %get3A_452 = arith.index_cast %shift_right_arithmetic3A_413 : i32 to index
            %get3A_453 = arith.index_cast %mul3A_417 : i32 to index
            %get3A_454 = tpu.vector_load %arg6[%get3A_451, %get3A_452, %get3A_453] {strides = array<i32>} : memref<4x8x1024xf32, #tpu.memory_space<vmem>>, vector<1x1x16xf32>,
            %get3A_455 = vector.shape_cast %get3A_454 : vector<1x1x16xf32> to vector<16xf32>
            %add3A_456 = arith.addf %get3A_455, %get3A_421 : vector<16xf32>
            %swap3A_457 = arith.constant 2 : i32
            %swap3A_458 = arith.index_cast %swap3A_457 : i32 to index
            %swap3A_459 = arith.index_cast %shift_right_arithmetic3A_413 : i32 to index
            %swap3A_460 = arith.index_cast %mul3A_417 : i32 to index
            %swap3A_461 = tpu.vector_load %arg6[%swap3A_458, %swap3A_459, %swap3A_460] {strides = array<i32>} : memref<4x8x1024xf32, #tpu.memory_space<vmem>>, vector<1x1x16xf32>,
            %swap3A_462 = vector.shape_cast %swap3A_461 : vector<1x1x16xf32> to vector<16xf32>
            %swap3A_463 = vector.shape_cast %add3A_456 : vector<16xf32> to vector<1x1x16xf32>
            tpu.vector_store %arg6[%swap3A_458, %swap3A_459, %swap3A_460], %swap3A_463 {strides = array<i32>} : memref<4x8x1024xf32, #tpu.memory_space<vmem>>, vector<1x1x16xf32>,
            %get3A_464 = arith.constant 3 : i32
            %get3A_465 = arith.index_cast %get3A_464 : i32 to index
            %get3A_466 = arith.index_cast %shift_right_arithmetic3A_413 : i32 to index
            %get3A_467 = arith.index_cast %mul3A_417 : i32 to index
            %get3A_468 = tpu.vector_load %arg6[%get3A_465, %get3A_466, %get3A_467] {strides = array<i32>} : memref<4x8x1024xf32, #tpu.memory_space<vmem>>, vector<1x1x16xf32>,
            %get3A_469 = vector.shape_cast %get3A_468 : vector<1x1x16xf32> to vector<16xf32>
            %add3A_470 = arith.addf %get3A_469, %get3A_421 : vector<16xf32>
            %swap3A_471 = arith.constant 3 : i32
            %swap3A_472 = arith.index_cast %swap3A_471 : i32 to index
            %swap3A_473 = arith.index_cast %shift_right_arithmetic3A_413 : i32 to index
            %swap3A_474 = arith.index_cast %mul3A_417 : i32 to index
            %swap3A_475 = tpu.vector_load %arg6[%swap3A_472, %swap3A_473, %swap3A_474] {strides = array<i32>} : memref<4x8x1024xf32, #tpu.memory_space<vmem>>, vector<1x1x16xf32>,
            %swap3A_476 = vector.shape_cast %swap3A_475 : vector<1x1x16xf32> to vector<16xf32>
            %swap3A_477 = vector.shape_cast %add3A_470 : vector<16xf32> to vector<1x1x16xf32>
            tpu.vector_store %arg6[%swap3A_472, %swap3A_473, %swap3A_474], %swap3A_477 {strides = array<i32>} : memref<4x8x1024xf32, #tpu.memory_space<vmem>>, vector<1x1x16xf32>,
          }
          %scan3A_200 = arith.constant 512 : i32
          %mul3A_201 = arith.constant 8 : i32
          %mul3A_202 = arith.muli %scan3A_133, %mul3A_201 : i32
          %add3A_203 = arith.addi %mul3A_2, %mul3A_202 : i32
          %dma_start3A_204 = arith.constant 0 : i32
          %dma_start3A_205 = arith.constant 0 : i32
          %dma_start3A_206 = tpu.memref_slice %arg4[%dma_start3A_204, %add3A_203, %dma_start3A_205] : memref<4x8192x1024xf32, #tpu.memory_space<hbm>> -> memref<4x8x1024xf32, #tpu.memory_space<hbm>>
          %dma_start3A_207 = arith.constant 0 : i32
          %dma_start3A_208 = arith.constant 0 : i32
          %dma_start3A_209 = tpu.memref_slice %arg4[%dma_start3A_207, %add3A_203, %dma_start3A_208] : memref<4x8192x1024xf32, #tpu.memory_space<hbm>> -> memref<4x8x1024xf32, #tpu.memory_space<hbm>>
          tpu.enqueue_dma source(%arg6 : memref<4x8x1024xf32, #tpu.memory_space<vmem>>) target(%dma_start3A_209 : memref<4x8x1024xf32, #tpu.memory_space<hbm>>) target_semaphore(%arg18 : memref<!tpu.dma_semaphore, #tpu.memory_space<semaphore_mem>>)
        }
      } else {
        %dma_wait3A_149 = arith.constant 0 : i32
        %dma_wait3A_150 = arith.constant 0 : i32
        %dma_wait3A_151 = arith.constant 0 : i32
        %dma_wait3A_152 = tpu.memref_slice %arg4[%dma_wait3A_149, %dma_wait3A_150, %dma_wait3A_151] : memref<4x8192x1024xf32, #tpu.memory_space<hbm>> -> memref<4x8x1024xf32, #tpu.memory_space<hbm>>
        %dma_wait3A_153 = arith.constant 0 : i32
        %dma_wait3A_154 = arith.constant 0 : i32
        %dma_wait3A_155 = arith.constant 0 : i32
        %dma_wait3A_156 = tpu.memref_slice %arg4[%dma_wait3A_153, %dma_wait3A_154, %dma_wait3A_155] : memref<4x8192x1024xf32, #tpu.memory_space<hbm>> -> memref<4x8x1024xf32, #tpu.memory_space<hbm>>
        tpu.wait_dma2 semaphore(%arg18 : memref<!tpu.dma_semaphore, #tpu.memory_space<semaphore_mem>>) src(%arg6 : memref<4x8x1024xf32, #tpu.memory_space<vmem>>) dst(%dma_wait3A_156 : memref<4x8x1024xf32, #tpu.memory_space<hbm>>)
        %add3A_157 = arith.constant 1 : i32
        %add3A_158 = arith.addi %scan3A_133, %add3A_157 : i32
        %eq3A_159 = arith.constant 32 : i32
        %eq3A_160 = arith.cmpi eq, %add3A_158, %eq3A_159 : i32
        %add3A_161 = arith.constant 1 : i32
        %add3A_162 = arith.addi %scan3A_133, %add3A_161 : i32
        %jit3A_163 = arith.constant 0 : i32
        %select_n3A_164 = arith.select %eq3A_160, %jit3A_163, %add3A_162 : i32
        %mul3A_165 = arith.constant 8 : i32
        %mul3A_166 = arith.muli %select_n3A_164, %mul3A_165 : i32
        %add3A_167 = arith.addi %mul3A_2, %mul3A_166 : i32
        %dma_start3A_168 = arith.constant 0 : i32
        %dma_start3A_169 = arith.constant 0 : i32
        %dma_start3A_170 = tpu.memref_slice %arg2[%dma_start3A_168, %add3A_167, %dma_start3A_169] : memref<4x8192x1024xf32, #tpu.memory_space<hbm>> -> memref<4x8x1024xf32, #tpu.memory_space<hbm>>
        %dma_start3A_171 = arith.constant 0 : i32
        %dma_start3A_172 = arith.constant 0 : i32
        %dma_start3A_173 = tpu.memref_slice %arg2[%dma_start3A_171, %add3A_167, %dma_start3A_172] : memref<4x8192x1024xf32, #tpu.memory_space<hbm>> -> memref<4x8x1024xf32, #tpu.memory_space<hbm>>
        tpu.enqueue_dma source(%dma_start3A_173 : memref<4x8x1024xf32, #tpu.memory_space<hbm>>) target(%arg6 : memref<4x8x1024xf32, #tpu.memory_space<vmem>>) target_semaphore(%arg12 : memref<!tpu.dma_semaphore, #tpu.memory_space<semaphore_mem>>)
        %dma_start3A_174 = arith.constant 0 : i32
        %dma_start3A_175 = tpu.memref_slice %arg3[%add3A_167, %dma_start3A_174] : memref<8192x1024xf32, #tpu.memory_space<hbm>> -> memref<8x1024xf32, #tpu.memory_space<hbm>>
        %dma_start3A_176 = arith.constant 0 : i32
        %dma_start3A_177 = tpu.memref_slice %arg3[%add3A_167, %dma_start3A_176] : memref<8192x1024xf32, #tpu.memory_space<hbm>> -> memref<8x1024xf32, #tpu.memory_space<hbm>>
        tpu.enqueue_dma source(%dma_start3A_177 : memref<8x1024xf32, #tpu.memory_space<hbm>>) target(%arg9 : memref<8x1024xf32, #tpu.memory_space<vmem>>) target_semaphore(%arg15 : memref<!tpu.dma_semaphore, #tpu.memory_space<semaphore_mem>>)
        %dma_wait3A_178 = arith.constant 0 : i32
        %dma_wait3A_179 = arith.constant 0 : i32
        %dma_wait3A_180 = arith.constant 0 : i32
        %dma_wait3A_181 = tpu.memref_slice %arg2[%dma_wait3A_178, %dma_wait3A_179, %dma_wait3A_180] : memref<4x8192x1024xf32, #tpu.memory_space<hbm>> -> memref<4x8x1024xf32, #tpu.memory_space<hbm>>
        %dma_wait3A_182 = arith.constant 0 : i32
        %dma_wait3A_183 = arith.constant 0 : i32
        %dma_wait3A_184 = arith.constant 0 : i32
        %dma_wait3A_185 = tpu.memref_slice %arg2[%dma_wait3A_182, %dma_wait3A_183, %dma_wait3A_184] : memref<4x8192x1024xf32, #tpu.memory_space<hbm>> -> memref<4x8x1024xf32, #tpu.memory_space<hbm>>
        tpu.wait_dma2 semaphore(%arg11 : memref<!tpu.dma_semaphore, #tpu.memory_space<semaphore_mem>>) src(%dma_wait3A_185 : memref<4x8x1024xf32, #tpu.memory_space<hbm>>) dst(%arg5 : memref<4x8x1024xf32, #tpu.memory_space<vmem>>)
        %dma_wait3A_186 = arith.constant 0 : i32
        %dma_wait3A_187 = arith.constant 0 : i32
        %dma_wait3A_188 = tpu.memref_slice %arg3[%dma_wait3A_186, %dma_wait3A_187] : memref<8192x1024xf32, #tpu.memory_space<hbm>> -> memref<8x1024xf32, #tpu.memory_space<hbm>>
        %dma_wait3A_189 = arith.constant 0 : i32
        %dma_wait3A_190 = arith.constant 0 : i32
        %dma_wait3A_191 = tpu.memref_slice %arg3[%dma_wait3A_189, %dma_wait3A_190] : memref<8192x1024xf32, #tpu.memory_space<hbm>> -> memref<8x1024xf32, #tpu.memory_space<hbm>>
        tpu.wait_dma2 semaphore(%arg14 : memref<!tpu.dma_semaphore, #tpu.memory_space<semaphore_mem>>) src(%dma_wait3A_191 : memref<8x1024xf32, #tpu.memory_space<hbm>>) dst(%arg8 : memref<8x1024xf32, #tpu.memory_space<vmem>>)
        %scan3A_192 = arith.constant 0 : i32
        %scan3A_193 = arith.constant 512 : i32
        %scan3A_194 = arith.addi %scan3A_192, %scan3A_193 : i32
        %scan3A_195 = arith.constant 4 : i32
        scf.for %scan3A_206 = %scan3A_192 to %scan3A_194 step %scan3A_195  : i32 {
          %shift_right_arithmetic3A = arith.constant 6 : i32
          %shift_right_arithmetic3A_207 = arith.shrsi %scan3A_206, %shift_right_arithmetic3A : i32
          %and3A_208 = arith.constant 63 : i32
          %and3A_209 = arith.andi %scan3A_206, %and3A_208 : i32
          %mul3A_210 = arith.constant 16 : i32
          %mul3A_211 = arith.muli %and3A_209, %mul3A_210 : i32
          %get3A = arith.index_cast %shift_right_arithmetic3A_207 : i32 to index
          %get3A_212 = arith.index_cast %mul3A_211 : i32 to index
          %get3A_213 = tpu.vector_load %arg8[%get3A, %get3A_212] {strides = array<i32>} : memref<8x1024xf32, #tpu.memory_space<vmem>>, vector<1x16xf32>,
          %get3A_214 = vector.shape_cast %get3A_213 : vector<1x16xf32> to vector<16xf32>
          %get3A_215 = arith.constant 0 : i32
          %get3A_216 = arith.index_cast %get3A_215 : i32 to index
          %get3A_217 = arith.index_cast %shift_right_arithmetic3A_207 : i32 to index
          %get3A_218 = arith.index_cast %mul3A_211 : i32 to index
          %get3A_219 = tpu.vector_load %arg5[%get3A_216, %get3A_217, %get3A_218] {strides = array<i32>} : memref<4x8x1024xf32, #tpu.memory_space<vmem>>, vector<1x1x16xf32>,
          %get3A_220 = vector.shape_cast %get3A_219 : vector<1x1x16xf32> to vector<16xf32>
          %add3A_221 = arith.addf %get3A_220, %get3A_214 : vector<16xf32>
          %swap3A = arith.constant 0 : i32
          %swap3A_222 = arith.index_cast %swap3A : i32 to index
          %swap3A_223 = arith.index_cast %shift_right_arithmetic3A_207 : i32 to index
          %swap3A_224 = arith.index_cast %mul3A_211 : i32 to index
          %swap3A_225 = tpu.vector_load %arg5[%swap3A_222, %swap3A_223, %swap3A_224] {strides = array<i32>} : memref<4x8x1024xf32, #tpu.memory_space<vmem>>, vector<1x1x16xf32>,
          %swap3A_226 = vector.shape_cast %swap3A_225 : vector<1x1x16xf32> to vector<16xf32>
          %swap3A_227 = vector.shape_cast %add3A_221 : vector<16xf32> to vector<1x1x16xf32>
          tpu.vector_store %arg5[%swap3A_222, %swap3A_223, %swap3A_224], %swap3A_227 {strides = array<i32>} : memref<4x8x1024xf32, #tpu.memory_space<vmem>>, vector<1x1x16xf32>,
          %get3A_228 = arith.constant 1 : i32
          %get3A_229 = arith.index_cast %get3A_228 : i32 to index
          %get3A_230 = arith.index_cast %shift_right_arithmetic3A_207 : i32 to index
          %get3A_231 = arith.index_cast %mul3A_211 : i32 to index
          %get3A_232 = tpu.vector_load %arg5[%get3A_229, %get3A_230, %get3A_231] {strides = array<i32>} : memref<4x8x1024xf32, #tpu.memory_space<vmem>>, vector<1x1x16xf32>,
          %get3A_233 = vector.shape_cast %get3A_232 : vector<1x1x16xf32> to vector<16xf32>
          %add3A_234 = arith.addf %get3A_233, %get3A_214 : vector<16xf32>
          %swap3A_235 = arith.constant 1 : i32
          %swap3A_236 = arith.index_cast %swap3A_235 : i32 to index
          %swap3A_237 = arith.index_cast %shift_right_arithmetic3A_207 : i32 to index
          %swap3A_238 = arith.index_cast %mul3A_211 : i32 to index
          %swap3A_239 = tpu.vector_load %arg5[%swap3A_236, %swap3A_237, %swap3A_238] {strides = array<i32>} : memref<4x8x1024xf32, #tpu.memory_space<vmem>>, vector<1x1x16xf32>,
          %swap3A_240 = vector.shape_cast %swap3A_239 : vector<1x1x16xf32> to vector<16xf32>
          %swap3A_241 = vector.shape_cast %add3A_234 : vector<16xf32> to vector<1x1x16xf32>
          tpu.vector_store %arg5[%swap3A_236, %swap3A_237, %swap3A_238], %swap3A_241 {strides = array<i32>} : memref<4x8x1024xf32, #tpu.memory_space<vmem>>, vector<1x1x16xf32>,
          %get3A_242 = arith.constant 2 : i32
          %get3A_243 = arith.index_cast %get3A_242 : i32 to index
          %get3A_244 = arith.index_cast %shift_right_arithmetic3A_207 : i32 to index
          %get3A_245 = arith.index_cast %mul3A_211 : i32 to index
          %get3A_246 = tpu.vector_load %arg5[%get3A_243, %get3A_244, %get3A_245] {strides = array<i32>} : memref<4x8x1024xf32, #tpu.memory_space<vmem>>, vector<1x1x16xf32>,
          %get3A_247 = vector.shape_cast %get3A_246 : vector<1x1x16xf32> to vector<16xf32>
          %add3A_248 = arith.addf %get3A_247, %get3A_214 : vector<16xf32>
          %swap3A_249 = arith.constant 2 : i32
          %swap3A_250 = arith.index_cast %swap3A_249 : i32 to index
          %swap3A_251 = arith.index_cast %shift_right_arithmetic3A_207 : i32 to index
          %swap3A_252 = arith.index_cast %mul3A_211 : i32 to index
          %swap3A_253 = tpu.vector_load %arg5[%swap3A_250, %swap3A_251, %swap3A_252] {strides = array<i32>} : memref<4x8x1024xf32, #tpu.memory_space<vmem>>, vector<1x1x16xf32>,
          %swap3A_254 = vector.shape_cast %swap3A_253 : vector<1x1x16xf32> to vector<16xf32>
          %swap3A_255 = vector.shape_cast %add3A_248 : vector<16xf32> to vector<1x1x16xf32>
          tpu.vector_store %arg5[%swap3A_250, %swap3A_251, %swap3A_252], %swap3A_255 {strides = array<i32>} : memref<4x8x1024xf32, #tpu.memory_space<vmem>>, vector<1x1x16xf32>,
          %get3A_256 = arith.constant 3 : i32
          %get3A_257 = arith.index_cast %get3A_256 : i32 to index
          %get3A_258 = arith.index_cast %shift_right_arithmetic3A_207 : i32 to index
          %get3A_259 = arith.index_cast %mul3A_211 : i32 to index
          %get3A_260 = tpu.vector_load %arg5[%get3A_257, %get3A_258, %get3A_259] {strides = array<i32>} : memref<4x8x1024xf32, #tpu.memory_space<vmem>>, vector<1x1x16xf32>,
          %get3A_261 = vector.shape_cast %get3A_260 : vector<1x1x16xf32> to vector<16xf32>
          %add3A_262 = arith.addf %get3A_261, %get3A_214 : vector<16xf32>
          %swap3A_263 = arith.constant 3 : i32
          %swap3A_264 = arith.index_cast %swap3A_263 : i32 to index
          %swap3A_265 = arith.index_cast %shift_right_arithmetic3A_207 : i32 to index
          %swap3A_266 = arith.index_cast %mul3A_211 : i32 to index
          %swap3A_267 = tpu.vector_load %arg5[%swap3A_264, %swap3A_265, %swap3A_266] {strides = array<i32>} : memref<4x8x1024xf32, #tpu.memory_space<vmem>>, vector<1x1x16xf32>,
          %swap3A_268 = vector.shape_cast %swap3A_267 : vector<1x1x16xf32> to vector<16xf32>
          %swap3A_269 = vector.shape_cast %add3A_262 : vector<16xf32> to vector<1x1x16xf32>
          tpu.vector_store %arg5[%swap3A_264, %swap3A_265, %swap3A_266], %swap3A_269 {strides = array<i32>} : memref<4x8x1024xf32, #tpu.memory_space<vmem>>, vector<1x1x16xf32>,
          %scan3A_270 = arith.constant 1 : i32
          %scan3A_271 = arith.addi %scan3A_206, %scan3A_270 : i32
          %shift_right_arithmetic3A_272 = arith.constant 6 : i32
          %shift_right_arithmetic3A_273 = arith.shrsi %scan3A_271, %shift_right_arithmetic3A_272 : i32
          %and3A_274 = arith.constant 63 : i32
          %and3A_275 = arith.andi %scan3A_271, %and3A_274 : i32
          %mul3A_276 = arith.constant 16 : i32
          %mul3A_277 = arith.muli %and3A_275, %mul3A_276 : i32
          %get3A_278 = arith.index_cast %shift_right_arithmetic3A_273 : i32 to index
          %get3A_279 = arith.index_cast %mul3A_277 : i32 to index
          %get3A_280 = tpu.vector_load %arg8[%get3A_278, %get3A_279] {strides = array<i32>} : memref<8x1024xf32, #tpu.memory_space<vmem>>, vector<1x16xf32>,
          %get3A_281 = vector.shape_cast %get3A_280 : vector<1x16xf32> to vector<16xf32>
          %get3A_282 = arith.constant 0 : i32
          %get3A_283 = arith.index_cast %get3A_282 : i32 to index
          %get3A_284 = arith.index_cast %shift_right_arithmetic3A_273 : i32 to index
          %get3A_285 = arith.index_cast %mul3A_277 : i32 to index
          %get3A_286 = tpu.vector_load %arg5[%get3A_283, %get3A_284, %get3A_285] {strides = array<i32>} : memref<4x8x1024xf32, #tpu.memory_space<vmem>>, vector<1x1x16xf32>,
          %get3A_287 = vector.shape_cast %get3A_286 : vector<1x1x16xf32> to vector<16xf32>
          %add3A_288 = arith.addf %get3A_287, %get3A_281 : vector<16xf32>
          %swap3A_289 = arith.constant 0 : i32
          %swap3A_290 = arith.index_cast %swap3A_289 : i32 to index
          %swap3A_291 = arith.index_cast %shift_right_arithmetic3A_273 : i32 to index
          %swap3A_292 = arith.index_cast %mul3A_277 : i32 to index
          %swap3A_293 = tpu.vector_load %arg5[%swap3A_290, %swap3A_291, %swap3A_292] {strides = array<i32>} : memref<4x8x1024xf32, #tpu.memory_space<vmem>>, vector<1x1x16xf32>,
          %swap3A_294 = vector.shape_cast %swap3A_293 : vector<1x1x16xf32> to vector<16xf32>
          %swap3A_295 = vector.shape_cast %add3A_288 : vector<16xf32> to vector<1x1x16xf32>
          tpu.vector_store %arg5[%swap3A_290, %swap3A_291, %swap3A_292], %swap3A_295 {strides = array<i32>} : memref<4x8x1024xf32, #tpu.memory_space<vmem>>, vector<1x1x16xf32>,
          %get3A_296 = arith.constant 1 : i32
          %get3A_297 = arith.index_cast %get3A_296 : i32 to index
          %get3A_298 = arith.index_cast %shift_right_arithmetic3A_273 : i32 to index
          %get3A_299 = arith.index_cast %mul3A_277 : i32 to index
          %get3A_300 = tpu.vector_load %arg5[%get3A_297, %get3A_298, %get3A_299] {strides = array<i32>} : memref<4x8x1024xf32, #tpu.memory_space<vmem>>, vector<1x1x16xf32>,
          %get3A_301 = vector.shape_cast %get3A_300 : vector<1x1x16xf32> to vector<16xf32>
          %add3A_302 = arith.addf %get3A_301, %get3A_281 : vector<16xf32>
          %swap3A_303 = arith.constant 1 : i32
          %swap3A_304 = arith.index_cast %swap3A_303 : i32 to index
          %swap3A_305 = arith.index_cast %shift_right_arithmetic3A_273 : i32 to index
          %swap3A_306 = arith.index_cast %mul3A_277 : i32 to index
          %swap3A_307 = tpu.vector_load %arg5[%swap3A_304, %swap3A_305, %swap3A_306] {strides = array<i32>} : memref<4x8x1024xf32, #tpu.memory_space<vmem>>, vector<1x1x16xf32>,
          %swap3A_308 = vector.shape_cast %swap3A_307 : vector<1x1x16xf32> to vector<16xf32>
          %swap3A_309 = vector.shape_cast %add3A_302 : vector<16xf32> to vector<1x1x16xf32>
          tpu.vector_store %arg5[%swap3A_304, %swap3A_305, %swap3A_306], %swap3A_309 {strides = array<i32>} : memref<4x8x1024xf32, #tpu.memory_space<vmem>>, vector<1x1x16xf32>,
          %get3A_310 = arith.constant 2 : i32
          %get3A_311 = arith.index_cast %get3A_310 : i32 to index
          %get3A_312 = arith.index_cast %shift_right_arithmetic3A_273 : i32 to index
          %get3A_313 = arith.index_cast %mul3A_277 : i32 to index
          %get3A_314 = tpu.vector_load %arg5[%get3A_311, %get3A_312, %get3A_313] {strides = array<i32>} : memref<4x8x1024xf32, #tpu.memory_space<vmem>>, vector<1x1x16xf32>,
          %get3A_315 = vector.shape_cast %get3A_314 : vector<1x1x16xf32> to vector<16xf32>
          %add3A_316 = arith.addf %get3A_315, %get3A_281 : vector<16xf32>
          %swap3A_317 = arith.constant 2 : i32
          %swap3A_318 = arith.index_cast %swap3A_317 : i32 to index
          %swap3A_319 = arith.index_cast %shift_right_arithmetic3A_273 : i32 to index
          %swap3A_320 = arith.index_cast %mul3A_277 : i32 to index
          %swap3A_321 = tpu.vector_load %arg5[%swap3A_318, %swap3A_319, %swap3A_320] {strides = array<i32>} : memref<4x8x1024xf32, #tpu.memory_space<vmem>>, vector<1x1x16xf32>,
          %swap3A_322 = vector.shape_cast %swap3A_321 : vector<1x1x16xf32> to vector<16xf32>
          %swap3A_323 = vector.shape_cast %add3A_316 : vector<16xf32> to vector<1x1x16xf32>
          tpu.vector_store %arg5[%swap3A_318, %swap3A_319, %swap3A_320], %swap3A_323 {strides = array<i32>} : memref<4x8x1024xf32, #tpu.memory_space<vmem>>, vector<1x1x16xf32>,
          %get3A_324 = arith.constant 3 : i32
          %get3A_325 = arith.index_cast %get3A_324 : i32 to index
          %get3A_326 = arith.index_cast %shift_right_arithmetic3A_273 : i32 to index
          %get3A_327 = arith.index_cast %mul3A_277 : i32 to index
          %get3A_328 = tpu.vector_load %arg5[%get3A_325, %get3A_326, %get3A_327] {strides = array<i32>} : memref<4x8x1024xf32, #tpu.memory_space<vmem>>, vector<1x1x16xf32>,
          %get3A_329 = vector.shape_cast %get3A_328 : vector<1x1x16xf32> to vector<16xf32>
          %add3A_330 = arith.addf %get3A_329, %get3A_281 : vector<16xf32>
          %swap3A_331 = arith.constant 3 : i32
          %swap3A_332 = arith.index_cast %swap3A_331 : i32 to index
          %swap3A_333 = arith.index_cast %shift_right_arithmetic3A_273 : i32 to index
          %swap3A_334 = arith.index_cast %mul3A_277 : i32 to index
          %swap3A_335 = tpu.vector_load %arg5[%swap3A_332, %swap3A_333, %swap3A_334] {strides = array<i32>} : memref<4x8x1024xf32, #tpu.memory_space<vmem>>, vector<1x1x16xf32>,
          %swap3A_336 = vector.shape_cast %swap3A_335 : vector<1x1x16xf32> to vector<16xf32>
          %swap3A_337 = vector.shape_cast %add3A_330 : vector<16xf32> to vector<1x1x16xf32>
          tpu.vector_store %arg5[%swap3A_332, %swap3A_333, %swap3A_334], %swap3A_337 {strides = array<i32>} : memref<4x8x1024xf32, #tpu.memory_space<vmem>>, vector<1x1x16xf32>,
          %scan3A_338 = arith.constant 2 : i32
          %scan3A_339 = arith.addi %scan3A_206, %scan3A_338 : i32
          %shift_right_arithmetic3A_340 = arith.constant 6 : i32
          %shift_right_arithmetic3A_341 = arith.shrsi %scan3A_339, %shift_right_arithmetic3A_340 : i32
          %and3A_342 = arith.constant 63 : i32
          %and3A_343 = arith.andi %scan3A_339, %and3A_342 : i32
          %mul3A_344 = arith.constant 16 : i32
          %mul3A_345 = arith.muli %and3A_343, %mul3A_344 : i32
          %get3A_346 = arith.index_cast %shift_right_arithmetic3A_341 : i32 to index
          %get3A_347 = arith.index_cast %mul3A_345 : i32 to index
          %get3A_348 = tpu.vector_load %arg8[%get3A_346, %get3A_347] {strides = array<i32>} : memref<8x1024xf32, #tpu.memory_space<vmem>>, vector<1x16xf32>,
          %get3A_349 = vector.shape_cast %get3A_348 : vector<1x16xf32> to vector<16xf32>
          %get3A_350 = arith.constant 0 : i32
          %get3A_351 = arith.index_cast %get3A_350 : i32 to index
          %get3A_352 = arith.index_cast %shift_right_arithmetic3A_341 : i32 to index
          %get3A_353 = arith.index_cast %mul3A_345 : i32 to index
          %get3A_354 = tpu.vector_load %arg5[%get3A_351, %get3A_352, %get3A_353] {strides = array<i32>} : memref<4x8x1024xf32, #tpu.memory_space<vmem>>, vector<1x1x16xf32>,
          %get3A_355 = vector.shape_cast %get3A_354 : vector<1x1x16xf32> to vector<16xf32>
          %add3A_356 = arith.addf %get3A_355, %get3A_349 : vector<16xf32>
          %swap3A_357 = arith.constant 0 : i32
          %swap3A_358 = arith.index_cast %swap3A_357 : i32 to index
          %swap3A_359 = arith.index_cast %shift_right_arithmetic3A_341 : i32 to index
          %swap3A_360 = arith.index_cast %mul3A_345 : i32 to index
          %swap3A_361 = tpu.vector_load %arg5[%swap3A_358, %swap3A_359, %swap3A_360] {strides = array<i32>} : memref<4x8x1024xf32, #tpu.memory_space<vmem>>, vector<1x1x16xf32>,
          %swap3A_362 = vector.shape_cast %swap3A_361 : vector<1x1x16xf32> to vector<16xf32>
          %swap3A_363 = vector.shape_cast %add3A_356 : vector<16xf32> to vector<1x1x16xf32>
          tpu.vector_store %arg5[%swap3A_358, %swap3A_359, %swap3A_360], %swap3A_363 {strides = array<i32>} : memref<4x8x1024xf32, #tpu.memory_space<vmem>>, vector<1x1x16xf32>,
          %get3A_364 = arith.constant 1 : i32
          %get3A_365 = arith.index_cast %get3A_364 : i32 to index
          %get3A_366 = arith.index_cast %shift_right_arithmetic3A_341 : i32 to index
          %get3A_367 = arith.index_cast %mul3A_345 : i32 to index
          %get3A_368 = tpu.vector_load %arg5[%get3A_365, %get3A_366, %get3A_367] {strides = array<i32>} : memref<4x8x1024xf32, #tpu.memory_space<vmem>>, vector<1x1x16xf32>,
          %get3A_369 = vector.shape_cast %get3A_368 : vector<1x1x16xf32> to vector<16xf32>
          %add3A_370 = arith.addf %get3A_369, %get3A_349 : vector<16xf32>
          %swap3A_371 = arith.constant 1 : i32
          %swap3A_372 = arith.index_cast %swap3A_371 : i32 to index
          %swap3A_373 = arith.index_cast %shift_right_arithmetic3A_341 : i32 to index
          %swap3A_374 = arith.index_cast %mul3A_345 : i32 to index
          %swap3A_375 = tpu.vector_load %arg5[%swap3A_372, %swap3A_373, %swap3A_374] {strides = array<i32>} : memref<4x8x1024xf32, #tpu.memory_space<vmem>>, vector<1x1x16xf32>,
          %swap3A_376 = vector.shape_cast %swap3A_375 : vector<1x1x16xf32> to vector<16xf32>
          %swap3A_377 = vector.shape_cast %add3A_370 : vector<16xf32> to vector<1x1x16xf32>
          tpu.vector_store %arg5[%swap3A_372, %swap3A_373, %swap3A_374], %swap3A_377 {strides = array<i32>} : memref<4x8x1024xf32, #tpu.memory_space<vmem>>, vector<1x1x16xf32>,
          %get3A_378 = arith.constant 2 : i32
          %get3A_379 = arith.index_cast %get3A_378 : i32 to index
          %get3A_380 = arith.index_cast %shift_right_arithmetic3A_341 : i32 to index
          %get3A_381 = arith.index_cast %mul3A_345 : i32 to index
          %get3A_382 = tpu.vector_load %arg5[%get3A_379, %get3A_380, %get3A_381] {strides = array<i32>} : memref<4x8x1024xf32, #tpu.memory_space<vmem>>, vector<1x1x16xf32>,
          %get3A_383 = vector.shape_cast %get3A_382 : vector<1x1x16xf32> to vector<16xf32>
          %add3A_384 = arith.addf %get3A_383, %get3A_349 : vector<16xf32>
          %swap3A_385 = arith.constant 2 : i32
          %swap3A_386 = arith.index_cast %swap3A_385 : i32 to index
          %swap3A_387 = arith.index_cast %shift_right_arithmetic3A_341 : i32 to index
          %swap3A_388 = arith.index_cast %mul3A_345 : i32 to index
          %swap3A_389 = tpu.vector_load %arg5[%swap3A_386, %swap3A_387, %swap3A_388] {strides = array<i32>} : memref<4x8x1024xf32, #tpu.memory_space<vmem>>, vector<1x1x16xf32>,
          %swap3A_390 = vector.shape_cast %swap3A_389 : vector<1x1x16xf32> to vector<16xf32>
          %swap3A_391 = vector.shape_cast %add3A_384 : vector<16xf32> to vector<1x1x16xf32>
          tpu.vector_store %arg5[%swap3A_386, %swap3A_387, %swap3A_388], %swap3A_391 {strides = array<i32>} : memref<4x8x1024xf32, #tpu.memory_space<vmem>>, vector<1x1x16xf32>,
          %get3A_392 = arith.constant 3 : i32
          %get3A_393 = arith.index_cast %get3A_392 : i32 to index
          %get3A_394 = arith.index_cast %shift_right_arithmetic3A_341 : i32 to index
          %get3A_395 = arith.index_cast %mul3A_345 : i32 to index
          %get3A_396 = tpu.vector_load %arg5[%get3A_393, %get3A_394, %get3A_395] {strides = array<i32>} : memref<4x8x1024xf32, #tpu.memory_space<vmem>>, vector<1x1x16xf32>,
          %get3A_397 = vector.shape_cast %get3A_396 : vector<1x1x16xf32> to vector<16xf32>
          %add3A_398 = arith.addf %get3A_397, %get3A_349 : vector<16xf32>
          %swap3A_399 = arith.constant 3 : i32
          %swap3A_400 = arith.index_cast %swap3A_399 : i32 to index
          %swap3A_401 = arith.index_cast %shift_right_arithmetic3A_341 : i32 to index
          %swap3A_402 = arith.index_cast %mul3A_345 : i32 to index
          %swap3A_403 = tpu.vector_load %arg5[%swap3A_400, %swap3A_401, %swap3A_402] {strides = array<i32>} : memref<4x8x1024xf32, #tpu.memory_space<vmem>>, vector<1x1x16xf32>,
          %swap3A_404 = vector.shape_cast %swap3A_403 : vector<1x1x16xf32> to vector<16xf32>
          %swap3A_405 = vector.shape_cast %add3A_398 : vector<16xf32> to vector<1x1x16xf32>
          tpu.vector_store %arg5[%swap3A_400, %swap3A_401, %swap3A_402], %swap3A_405 {strides = array<i32>} : memref<4x8x1024xf32, #tpu.memory_space<vmem>>, vector<1x1x16xf32>,
          %scan3A_406 = arith.constant 3 : i32
          %scan3A_407 = arith.addi %scan3A_206, %scan3A_406 : i32
          %shift_right_arithmetic3A_408 = arith.constant 6 : i32
          %shift_right_arithmetic3A_409 = arith.shrsi %scan3A_407, %shift_right_arithmetic3A_408 : i32
          %and3A_410 = arith.constant 63 : i32
          %and3A_411 = arith.andi %scan3A_407, %and3A_410 : i32
          %mul3A_412 = arith.constant 16 : i32
          %mul3A_413 = arith.muli %and3A_411, %mul3A_412 : i32
          %get3A_414 = arith.index_cast %shift_right_arithmetic3A_409 : i32 to index
          %get3A_415 = arith.index_cast %mul3A_413 : i32 to index
          %get3A_416 = tpu.vector_load %arg8[%get3A_414, %get3A_415] {strides = array<i32>} : memref<8x1024xf32, #tpu.memory_space<vmem>>, vector<1x16xf32>,
          %get3A_417 = vector.shape_cast %get3A_416 : vector<1x16xf32> to vector<16xf32>
          %get3A_418 = arith.constant 0 : i32
          %get3A_419 = arith.index_cast %get3A_418 : i32 to index
          %get3A_420 = arith.index_cast %shift_right_arithmetic3A_409 : i32 to index
          %get3A_421 = arith.index_cast %mul3A_413 : i32 to index
          %get3A_422 = tpu.vector_load %arg5[%get3A_419, %get3A_420, %get3A_421] {strides = array<i32>} : memref<4x8x1024xf32, #tpu.memory_space<vmem>>, vector<1x1x16xf32>,
          %get3A_423 = vector.shape_cast %get3A_422 : vector<1x1x16xf32> to vector<16xf32>
          %add3A_424 = arith.addf %get3A_423, %get3A_417 : vector<16xf32>
          %swap3A_425 = arith.constant 0 : i32
          %swap3A_426 = arith.index_cast %swap3A_425 : i32 to index
          %swap3A_427 = arith.index_cast %shift_right_arithmetic3A_409 : i32 to index
          %swap3A_428 = arith.index_cast %mul3A_413 : i32 to index
          %swap3A_429 = tpu.vector_load %arg5[%swap3A_426, %swap3A_427, %swap3A_428] {strides = array<i32>} : memref<4x8x1024xf32, #tpu.memory_space<vmem>>, vector<1x1x16xf32>,
          %swap3A_430 = vector.shape_cast %swap3A_429 : vector<1x1x16xf32> to vector<16xf32>
          %swap3A_431 = vector.shape_cast %add3A_424 : vector<16xf32> to vector<1x1x16xf32>
          tpu.vector_store %arg5[%swap3A_426, %swap3A_427, %swap3A_428], %swap3A_431 {strides = array<i32>} : memref<4x8x1024xf32, #tpu.memory_space<vmem>>, vector<1x1x16xf32>,
          %get3A_432 = arith.constant 1 : i32
          %get3A_433 = arith.index_cast %get3A_432 : i32 to index
          %get3A_434 = arith.index_cast %shift_right_arithmetic3A_409 : i32 to index
          %get3A_435 = arith.index_cast %mul3A_413 : i32 to index
          %get3A_436 = tpu.vector_load %arg5[%get3A_433, %get3A_434, %get3A_435] {strides = array<i32>} : memref<4x8x1024xf32, #tpu.memory_space<vmem>>, vector<1x1x16xf32>,
          %get3A_437 = vector.shape_cast %get3A_436 : vector<1x1x16xf32> to vector<16xf32>
          %add3A_438 = arith.addf %get3A_437, %get3A_417 : vector<16xf32>
          %swap3A_439 = arith.constant 1 : i32
          %swap3A_440 = arith.index_cast %swap3A_439 : i32 to index
          %swap3A_441 = arith.index_cast %shift_right_arithmetic3A_409 : i32 to index
          %swap3A_442 = arith.index_cast %mul3A_413 : i32 to index
          %swap3A_443 = tpu.vector_load %arg5[%swap3A_440, %swap3A_441, %swap3A_442] {strides = array<i32>} : memref<4x8x1024xf32, #tpu.memory_space<vmem>>, vector<1x1x16xf32>,
          %swap3A_444 = vector.shape_cast %swap3A_443 : vector<1x1x16xf32> to vector<16xf32>
          %swap3A_445 = vector.shape_cast %add3A_438 : vector<16xf32> to vector<1x1x16xf32>
          tpu.vector_store %arg5[%swap3A_440, %swap3A_441, %swap3A_442], %swap3A_445 {strides = array<i32>} : memref<4x8x1024xf32, #tpu.memory_space<vmem>>, vector<1x1x16xf32>,
          %get3A_446 = arith.constant 2 : i32
          %get3A_447 = arith.index_cast %get3A_446 : i32 to index
          %get3A_448 = arith.index_cast %shift_right_arithmetic3A_409 : i32 to index
          %get3A_449 = arith.index_cast %mul3A_413 : i32 to index
          %get3A_450 = tpu.vector_load %arg5[%get3A_447, %get3A_448, %get3A_449] {strides = array<i32>} : memref<4x8x1024xf32, #tpu.memory_space<vmem>>, vector<1x1x16xf32>,
          %get3A_451 = vector.shape_cast %get3A_450 : vector<1x1x16xf32> to vector<16xf32>
          %add3A_452 = arith.addf %get3A_451, %get3A_417 : vector<16xf32>
          %swap3A_453 = arith.constant 2 : i32
          %swap3A_454 = arith.index_cast %swap3A_453 : i32 to index
          %swap3A_455 = arith.index_cast %shift_right_arithmetic3A_409 : i32 to index
          %swap3A_456 = arith.index_cast %mul3A_413 : i32 to index
          %swap3A_457 = tpu.vector_load %arg5[%swap3A_454, %swap3A_455, %swap3A_456] {strides = array<i32>} : memref<4x8x1024xf32, #tpu.memory_space<vmem>>, vector<1x1x16xf32>,
          %swap3A_458 = vector.shape_cast %swap3A_457 : vector<1x1x16xf32> to vector<16xf32>
          %swap3A_459 = vector.shape_cast %add3A_452 : vector<16xf32> to vector<1x1x16xf32>
          tpu.vector_store %arg5[%swap3A_454, %swap3A_455, %swap3A_456], %swap3A_459 {strides = array<i32>} : memref<4x8x1024xf32, #tpu.memory_space<vmem>>, vector<1x1x16xf32>,
          %get3A_460 = arith.constant 3 : i32
          %get3A_461 = arith.index_cast %get3A_460 : i32 to index
          %get3A_462 = arith.index_cast %shift_right_arithmetic3A_409 : i32 to index
          %get3A_463 = arith.index_cast %mul3A_413 : i32 to index
          %get3A_464 = tpu.vector_load %arg5[%get3A_461, %get3A_462, %get3A_463] {strides = array<i32>} : memref<4x8x1024xf32, #tpu.memory_space<vmem>>, vector<1x1x16xf32>,
          %get3A_465 = vector.shape_cast %get3A_464 : vector<1x1x16xf32> to vector<16xf32>
          %add3A_466 = arith.addf %get3A_465, %get3A_417 : vector<16xf32>
          %swap3A_467 = arith.constant 3 : i32
          %swap3A_468 = arith.index_cast %swap3A_467 : i32 to index
          %swap3A_469 = arith.index_cast %shift_right_arithmetic3A_409 : i32 to index
          %swap3A_470 = arith.index_cast %mul3A_413 : i32 to index
          %swap3A_471 = tpu.vector_load %arg5[%swap3A_468, %swap3A_469, %swap3A_470] {strides = array<i32>} : memref<4x8x1024xf32, #tpu.memory_space<vmem>>, vector<1x1x16xf32>,
          %swap3A_472 = vector.shape_cast %swap3A_471 : vector<1x1x16xf32> to vector<16xf32>
          %swap3A_473 = vector.shape_cast %add3A_466 : vector<16xf32> to vector<1x1x16xf32>
          tpu.vector_store %arg5[%swap3A_468, %swap3A_469, %swap3A_470], %swap3A_473 {strides = array<i32>} : memref<4x8x1024xf32, #tpu.memory_space<vmem>>, vector<1x1x16xf32>,
        }
        %scan3A_196 = arith.constant 512 : i32
        %mul3A_197 = arith.constant 8 : i32
        %mul3A_198 = arith.muli %scan3A_133, %mul3A_197 : i32
        %add3A_199 = arith.addi %mul3A_2, %mul3A_198 : i32
        %dma_start3A_200 = arith.constant 0 : i32
        %dma_start3A_201 = arith.constant 0 : i32
        %dma_start3A_202 = tpu.memref_slice %arg4[%dma_start3A_200, %add3A_199, %dma_start3A_201] : memref<4x8192x1024xf32, #tpu.memory_space<hbm>> -> memref<4x8x1024xf32, #tpu.memory_space<hbm>>
        %dma_start3A_203 = arith.constant 0 : i32
        %dma_start3A_204 = arith.constant 0 : i32
        %dma_start3A_205 = tpu.memref_slice %arg4[%dma_start3A_203, %add3A_199, %dma_start3A_204] : memref<4x8192x1024xf32, #tpu.memory_space<hbm>> -> memref<4x8x1024xf32, #tpu.memory_space<hbm>>
        tpu.enqueue_dma source(%arg5 : memref<4x8x1024xf32, #tpu.memory_space<vmem>>) target(%dma_start3A_205 : memref<4x8x1024xf32, #tpu.memory_space<hbm>>) target_semaphore(%arg17 : memref<!tpu.dma_semaphore, #tpu.memory_space<semaphore_mem>>)
      }
    }
    %scan3A_102 = arith.constant 30 : i32
    %dma_wait3A_103 = arith.constant 0 : i32
    %dma_wait3A_104 = arith.constant 0 : i32
    %dma_wait3A_105 = arith.constant 0 : i32
    %dma_wait3A_106 = tpu.memref_slice %arg2[%dma_wait3A_103, %dma_wait3A_104, %dma_wait3A_105] : memref<4x8192x1024xf32, #tpu.memory_space<hbm>> -> memref<4x8x1024xf32, #tpu.memory_space<hbm>>
    %dma_wait3A_107 = arith.constant 0 : i32
    %dma_wait3A_108 = arith.constant 0 : i32
    %dma_wait3A_109 = arith.constant 0 : i32
    %dma_wait3A_110 = tpu.memref_slice %arg2[%dma_wait3A_107, %dma_wait3A_108, %dma_wait3A_109] : memref<4x8192x1024xf32, #tpu.memory_space<hbm>> -> memref<4x8x1024xf32, #tpu.memory_space<hbm>>
    tpu.wait_dma2 semaphore(%arg13 : memref<!tpu.dma_semaphore, #tpu.memory_space<semaphore_mem>>) src(%dma_wait3A_110 : memref<4x8x1024xf32, #tpu.memory_space<hbm>>) dst(%arg7 : memref<4x8x1024xf32, #tpu.memory_space<vmem>>)
    %dma_wait3A_111 = arith.constant 0 : i32
    %dma_wait3A_112 = arith.constant 0 : i32
    %dma_wait3A_113 = tpu.memref_slice %arg3[%dma_wait3A_111, %dma_wait3A_112] : memref<8192x1024xf32, #tpu.memory_space<hbm>> -> memref<8x1024xf32, #tpu.memory_space<hbm>>
    %dma_wait3A_114 = arith.constant 0 : i32
    %dma_wait3A_115 = arith.constant 0 : i32
    %dma_wait3A_116 = tpu.memref_slice %arg3[%dma_wait3A_114, %dma_wait3A_115] : memref<8192x1024xf32, #tpu.memory_space<hbm>> -> memref<8x1024xf32, #tpu.memory_space<hbm>>
    tpu.wait_dma2 semaphore(%arg16 : memref<!tpu.dma_semaphore, #tpu.memory_space<semaphore_mem>>) src(%dma_wait3A_116 : memref<8x1024xf32, #tpu.memory_space<hbm>>) dst(%arg10 : memref<8x1024xf32, #tpu.memory_space<vmem>>)
    %dma_wait3A_117 = arith.constant 0 : i32
    %dma_wait3A_118 = arith.constant 0 : i32
    %dma_wait3A_119 = arith.constant 0 : i32
    %dma_wait3A_120 = tpu.memref_slice %arg4[%dma_wait3A_117, %dma_wait3A_118, %dma_wait3A_119] : memref<4x8192x1024xf32, #tpu.memory_space<hbm>> -> memref<4x8x1024xf32, #tpu.memory_space<hbm>>
    %dma_wait3A_121 = arith.constant 0 : i32
    %dma_wait3A_122 = arith.constant 0 : i32
    %dma_wait3A_123 = arith.constant 0 : i32
    %dma_wait3A_124 = tpu.memref_slice %arg4[%dma_wait3A_121, %dma_wait3A_122, %dma_wait3A_123] : memref<4x8192x1024xf32, #tpu.memory_space<hbm>> -> memref<4x8x1024xf32, #tpu.memory_space<hbm>>
    tpu.wait_dma2 semaphore(%arg17 : memref<!tpu.dma_semaphore, #tpu.memory_space<semaphore_mem>>) src(%arg5 : memref<4x8x1024xf32, #tpu.memory_space<vmem>>) dst(%dma_wait3A_124 : memref<4x8x1024xf32, #tpu.memory_space<hbm>>)
    %dma_wait3A_125 = arith.constant 0 : i32
    %dma_wait3A_126 = arith.constant 0 : i32
    %dma_wait3A_127 = arith.constant 0 : i32
    %dma_wait3A_128 = tpu.memref_slice %arg4[%dma_wait3A_125, %dma_wait3A_126, %dma_wait3A_127] : memref<4x8192x1024xf32, #tpu.memory_space<hbm>> -> memref<4x8x1024xf32, #tpu.memory_space<hbm>>
    %dma_wait3A_129 = arith.constant 0 : i32
    %dma_wait3A_130 = arith.constant 0 : i32
    %dma_wait3A_131 = arith.constant 0 : i32
    %dma_wait3A_132 = tpu.memref_slice %arg4[%dma_wait3A_129, %dma_wait3A_130, %dma_wait3A_131] : memref<4x8192x1024xf32, #tpu.memory_space<hbm>> -> memref<4x8x1024xf32, #tpu.memory_space<hbm>>
    tpu.wait_dma2 semaphore(%arg18 : memref<!tpu.dma_semaphore, #tpu.memory_space<semaphore_mem>>) src(%arg6 : memref<4x8x1024xf32, #tpu.memory_space<vmem>>) dst(%dma_wait3A_132 : memref<4x8x1024xf32, #tpu.memory_space<hbm>>)
    return
  }
}

</mosaic_0001>

<sc_bundles>
// kernel: kernel.3.cloned.1.call-start
scs
__scs_entry_jumppad:
0x0: {  	(pc) =	sbr.rel $0x88, $3  }
0x1: {  	(tag) =	ssettag $0x0;
	lr =	simm.s32 $0x1  }
0x2: {  	[smem:$0x3F9F] =	sst lr;
	_ =	strace $0xD0000000  }
0x3: {  	_ = 	snop  }
0x4: {  	_ = 	snop  }
0x5: {  	_ = 	snop  }
0x6: {  	_ = 	snop  }
0x7: {  	_ = 	snop  }
__scs_overlays_trampoline_lowered:
0x8: {  	[smem:$0x3FAE] =	sst s0  }
0x9: {  	[smem:$0x3FAF] =	sst s1  }
0xa: {  	[smem:$0x3FB0] =	sst s2  }
0xb: {  	[smem:$0x3FB1] =	sst s3  }
0xc: {  	[smem:$0x3FB2] =	sst s4  }
0xd: {  	[smem:$0x3FB3] =	sst s5  }
0xe: {  	[smem:$0x3FB4] =	sst s6  }
0xf: {  	[smem:$0x3FB5] =	sst s7  }
0x10: {  	[smem:$0x3FB6] =	sst s8  }
0x11: {  	[smem:$0x3FB7] =	sst s9;
	s0 =	simm.s32 @!p0 $0x0  }
0x12: {  	s1 =	sld [smem:$0x3F9D];
	s0 =	simm.s32 @p0 $0x1  }
0x13: {  	[smem:$0x3FB8] =	sst s0;
	s0 =	simm.s32 @!p1 $0x0  }
0x14: {  	s2 =	sld [smem:$0x3F9C];
	s0 =	simm.s32 @p1 $0x1  }
0x15: {  	[smem:$0x3FB9] =	sst s0;
	s0 =	simm.s32 @!p2 $0x0  }
0x16: {  	s3 =	sld [smem:$0x3FDB];
	s0 =	simm.s32 @p2 $0x1  }
0x17: {  	s4 =	simm.s32 $0x1BF5;
	[smem:$0x3FBB] =	sst s0  }
0x18: {  	s0 =	sld [smem:$0x3F9E];
	_ =	swait.ge [sflag:s4], $0x0  }
0x19: {  	s7 =	sld [smem:$0x3F9F]  }
0x1a: {  	s8 =	sadd.s32 $0xFFFFE003, lr  }
0x1b: {  	s9 =	sadd.s32 $0xFFFFFEF7, lr;
	s5 =	simm.s32 $0xFFFFFFFF;
	p2 =	slt.u32 s8, $0xFFFFF086  }
0x1c: {  	p1 =	slt.u32 s9, $0xF7A;
	s5 =	simm.s32 @!p2 $0x0  }
0x1d: {  	s5 =	simm.s32 @p1 $0x1;
	p0 =	seq.s32 s7, s2  }
0x1e: {  	s7 =	smul.u32 @!p0 $0xF7A, s2;
	p2 =	seq.s32 @!p0 s5, $0x0  }
0x1f: {  	s9 =	smul.u32 $0xF7A, s1;
	s8 =	simm.s32 @!p0 $0x1BF5;
	p2 =	por !p2, p0  }
0x20: {  	[sflag:s8] =	ssyncset.s32 @!p0 $0xFFFFF086;
	s6 =	sadd.s32 @!p0 s3, s7;
	s7 =	simm.s32 @!p0 $0x108  }
0x21: {  	s3 =	sadd.s32 s3, s9;
	s6 =	sadd.s32 @!p0 $0x88, s6;
	s7 =	simm.s32 @p2 $0x1082  }
0x22: {  	[simem:s7], [sflag:s8] =	dma.local @!p0 [hbm:s6], $0xF7A  }
0x23: {  	s9 =	sor.u32 $0xD0000000, s2;
	s6 =	simm.s32 $0x108;
	_ =	swait.ge @!p0 [sflag:s8], $0x0  }
0x24: {  	s3 =	sadd.s32 $0x88, s3;
	s6 =	simm.s32 @!p1 $0x1082;
	[sflag:s4] =	ssyncset.s32 $0xFFFFF086  }
0x25: {  	[simem:s6], [sflag:s4] =	dma.local [hbm:s3], $0xF7A  }
0x26: {  	[smem:$0x3F9F] =	sst s1;
	(tag) =	ssettag s2;
	_ =	strace s9  }
0x27: {  	s1 =	sld [smem:$0x3FAF]  }
0x28: {  	s2 =	sld [smem:$0x3FB0]  }
0x29: {  	s4 =	sld [smem:$0x3FB2]  }
0x2a: {  	p0 =	seq.s32 s5, $0x0;
	s5 =	sld [smem:$0x3FB3]  }
0x2b: {  	s6 =	sld [smem:$0x3FB4]  }
0x2c: {  	s7 =	sld [smem:$0x3FB5]  }
0x2d: {  	s3 =	simm.s32 $0x108;
	s8 =	sld [smem:$0x3FB6]  }
0x2e: {  	s3 =	simm.s32 @!p0 $0x1082;
	s9 =	sld [smem:$0x3FB7]  }
0x2f: {  	lr =	sadd.s32 s0, s3;
	s0 =	sld [smem:$0x3FAE]  }
0x30: {  	s3 =	sld [smem:$0x3FB1]  }
0x31: {  	[smem:$0x3FBA] =	sst s10  }
0x32: {  	s10 =	sld [smem:$0x3FB8];
	_ =	sdelay $0x3  }
0x33: {  	p0 =	seq.s32 s10, $0x1;
	s10 =	sld [smem:$0x3FBA];
	_ =	sdelay $0x3  }
0x34: {  	[smem:$0x3FBA] =	sst s10  }
0x35: {  	s10 =	sld [smem:$0x3FB9];
	_ =	sdelay $0x3  }
0x36: {  	p1 =	seq.s32 s10, $0x1;
	s10 =	sld [smem:$0x3FBA];
	_ =	sdelay $0x3  }
0x37: {  	[smem:$0x3FBA] =	sst s10  }
0x38: {  	s10 =	sld [smem:$0x3FBB]  }
0x39: {  	_ = 	snop;
	(pc) =	sbr.ind lr, $3  }
0x3a: {  	_ = 	snop  }
0x3b: {  	_ = 	snop  }
0x3c: {  	p2 =	seq.s32 s10, $0x1;
	s10 =	sld [smem:$0x3FBA]  }
0x3d: {  	_ =	shalt  }
0x3e: {  	_ =	shalt  }
0x3f: {  	_ =	shalt  }
0x40: {  	_ =	shalt  }
0x41: {  	_ =	shalt  }
0x42: {  	_ =	shalt  }
0x43: {  	_ =	shalt  }
0x44: {  	_ =	shalt  }
0x45: {  	_ =	shalt  }
0x46: {  	_ =	shalt  }
0x47: {  	_ =	shalt  }
0x48: {  	_ =	shalt  }
0x49: {  	_ =	shalt  }
0x4a: {  	_ =	shalt  }
0x4b: {  	_ =	shalt  }
0x4c: {  	_ =	shalt  }
0x4d: {  	_ =	shalt  }
0x4e: {  	_ =	shalt  }
0x4f: {  	_ =	shalt  }
0x50: {  	_ =	shalt  }
0x51: {  	_ =	shalt  }
0x52: {  	_ =	shalt  }
0x53: {  	_ =	shalt  }
0x54: {  	_ =	shalt  }
0x55: {  	_ =	shalt  }
0x56: {  	_ =	shalt  }
0x57: {  	_ =	shalt  }
0x58: {  	_ =	shalt  }
0x59: {  	_ =	shalt  }
0x5a: {  	_ =	shalt  }
0x5b: {  	_ =	shalt  }
0x5c: {  	_ =	shalt  }
0x5d: {  	_ =	shalt  }
0x5e: {  	_ =	shalt  }
0x5f: {  	_ =	shalt  }
0x60: {  	_ =	shalt  }
0x61: {  	_ =	shalt  }
0x62: {  	_ =	shalt  }
0x63: {  	_ =	shalt  }
0x64: {  	_ =	shalt  }
0x65: {  	_ =	shalt  }
0x66: {  	_ =	shalt  }
0x67: {  	_ =	shalt  }
0x68: {  	_ =	shalt  }
0x69: {  	_ =	shalt  }
0x6a: {  	_ =	shalt  }
0x6b: {  	_ =	shalt  }
0x6c: {  	_ =	shalt  }
0x6d: {  	_ =	shalt  }
0x6e: {  	_ =	shalt  }
0x6f: {  	_ =	shalt  }
0x70: {  	_ =	shalt  }
0x71: {  	_ =	shalt  }
0x72: {  	_ =	shalt  }
0x73: {  	_ =	shalt  }
0x74: {  	_ =	shalt  }
0x75: {  	_ =	shalt  }
0x76: {  	_ =	shalt  }
0x77: {  	_ =	shalt  }
0x78: {  	_ =	shalt  }
0x79: {  	_ =	shalt  }
0x7a: {  	_ =	shalt  }
0x7b: {  	_ =	shalt  }
0x7c: {  	_ =	shalt  }
0x7d: {  	_ =	shalt  }
0x7e: {  	_ =	shalt  }
0x7f: {  	_ =	shalt  }
0x80: {  	_ =	shalt  }
0x81: {  	_ =	shalt  }
0x82: {  	_ =	shalt  }
0x83: {  	_ =	shalt  }
0x84: {  	_ =	shalt  }
0x85: {  	_ =	shalt  }
0x86: {  	_ =	shalt  }
0x87: {  	_ =	shalt  }
.Lfunc_end0:
.L_simem_size_0:
called_computation_lowered:
.L_overlay_start_0:
0x88: {  	s2 =	sld [smem:$0x3FD9]  }
0x89: {  	s3 =	sld [smem:$0x3FFE];
	_ =	sdelay $0x1  }
0x8a: {  	s1 =	srdreg.scid  }
0x8b: {  	s0 =	sand.u32 $0x1, s1  }
0x8c: {  	s18 =	sshll.u32 s0, $0xA;
	s2 =	sadd.s32 s3, s2  }
0x8d: {  	s2 =	sadd.s32 s2, s18  }
0x8e: {  	[smem:$0x3FC6] =	sst s2  }
0x8f: {  	_ = 	snop  }
0x90: {  	s2 =	sld [smem:$0x3FC9]  }
0x91: {  	s19 =	sld [smem:$0x3FC8]  }
0x92: {  	s4 =	sld [smem:$0x3FD0];
	(tm) =	ssettm $0x1  }
0x93: {  	s5 =	sld [smem:$0x3FFB];
	_ =	sdelay $0x3  }
0x94: {  	_ =	strace s5  }
0x95: {  	s5 =	sld [smem:$0x3FFC];
	_ =	sdelay $0x3  }
0x96: {  	_ =	strace s5  }
0x97: {  	s5 =	sld [smem:$0x3FFD];
	_ =	sdelay $0x3  }
0x98: {  	_ =	strace s5  }
0x99: {  	_ =	strace $0x8FFFFFFF  }
0x9a: {  	s20 =	sld [smem:$0x3FDB];
	_ =	sdelay $0x1  }
0x9b: {  	s6 =	simm.s32 $_scs_section_size  }
0x9c: {  	s7 =	simm.s32 $_size__tile_overlayer_lowered;
	s8 =	simm.s32 $_tile_overlayer_lowered  }
0x9d: {  	s23 =	simm.s32 $0x1BFF;
	s22 =	sshll.u32 s8, $0x1;
	s5 =	sadd.s32 s6, s20  }
0x9e: {  	s9 =	simm.s32 $0x0;
	s21 =	sshll.u32 s7, $0x1;
	s7 =	sadd.s32 s22, s5  }
0x9f: {  	[timem:s9], [sflag:s23] =	dma.local [hbm:s7], s21  }
0xa0: {  	_ =	swait.ge [sflag:s23], s21  }
0xa1: {  	s6 =	ssub.s32 $0x0, s21;
	[sflag:s23] =	ssyncset.done $0x0  }
0xa2: {  	[sflag:s23] =	ssyncadd.s32 s6;
	_ =	sdelay $0x1  }
0xa3: {  	s24 =	simm.s32 $0x1B8B  }
0xa4: {  	_ =	swait.ge [sflag:s24], $0x1  }
0xa5: {  	[sflag:s24] =	ssyncset.done $0x0  }
0xa6: {  	s25 =	simm.s32 $0x1B8E;
	[sflag:s24] =	ssyncadd.s32 $0xFFFFFFFF  }
0xa7: {  	s26 =	simm.s32 $execute0_lowered;
	[smem:$0x3FD2] =	sst s25  }
0xa8: {  	s6 =	sshll.u32 s26, $0x1;
	_ =	strace $0x80000046;
	[dreg:$0x1] =	wrdreg $0xFFFFFFFF  }
0xa9: {  	s28 =	simm.s32 $_size_execute0_lowered;
	s5 =	sadd.s32 s5, s6;
	[dreg:$0x0] =	wrdreg $0x0  }
0xaa: {  	s6 =	sshll.u32 s28, $0x1;
	[dreg:$0x2] =	wrdreg s5  }
0xab: {  	[dreg:$0x3] =	wrdreg s6  }
0xac: {  	[dreg:$0x4] =	wrdreg $0xC0  }
0xad: {  	_ =	task [dreg:s9], $0x5FFFF  }
0xae: {  	[dreg:$0x1] =	wrdreg $0xFFFFFFFF  }
0xaf: {  	[dreg:$0x0] =	wrdreg $0x60  }
0xb0: {  	[dreg:$0x2] =	wrdreg s2  }
0xb1: {  	[dreg:$0x3] =	wrdreg s19  }
0xb2: {  	[dreg:$0x4] =	wrdreg s4  }
0xb3: {  	[dreg:$0x5] =	wrdreg $0x9  }
0xb4: {  	_ =	task.clear_ibuf [dreg:s9], $0x6FFFF;
	_ =	strace $0x90000046  }
0xb5: {  	s29 =	simm.s32 $0x9;
	_ =	strace $0x80000048  }
0xb6: {  	_ =	swait.ge [sflag:s29], $0x1  }
0xb7: {  	[sflag:s29] =	ssyncadd.s32 $0xFFFFFFFF  }
0xb8: {  	_ =	strace $0x90000048  }
0xb9: {  	_ =	sfence  }
0xba: {  	s30 =	sld [smem:$0x0];
	_ =	sdelay $0x2  }
0xbb: {  	s31 =	sshll.u32 s1, $0xD;
	s1 =	sshrl.u32 s1, $0x2  }
0xbc: {  	s3 =	sand.u32 $0x4000, s31;
	s1 =	sadd.s32 s1, s30  }
0xbd: {  	s0 =	sor.u32 s3, s0;
	s1 =	sshll.u32 s1, $0x11  }
0xbe: {  	s0 =	sor.u32 s1, s0  }
0xbf: {  	s0 =	sadd.s32 $0x8F2B, s0  }
0xc0: {  	[sflag:s0] =	ssyncadd.remote.s32 $0x1  }
0xc1: {  	_ =	sfence.sel $0xFFFF  }
0xc2: {  	[dreg:$0x0] =	wrdreg $0xFFFFFFFF;
	(pc) =	sbr.abs _section_cstart, $3  }
0xc3: {  	[dreg:$0x1] =	wrdreg $0xFFFFFFFF  }
0xc4: {  	_ =	task.clear_ibuf [dreg:s9], $0x2FFFF;
	_ =	strace $0x9FFFFFFF  }
0xc5: {  	(tm) =	ssettm $0x7FFFFFFF  }
tec
execute0_lowered:
.L_overlay_start_1:
0x0: {  	(tag) =	ssettag $0x1  }
0x1: {  	s1 =	rddreg [dreg:$0x0]  }
0x2: {  	s3 =	rddreg [dreg:$0x1]  }
0x3: {  	s4 =	rddreg [dreg:$0x2];
	s0 =	srdreg.scid  }
0x4: {  	s2 =	stileid.u32;
	s6 =	simm.s32 $0x0;
	s17 =	simm.s32 $0x2000  }
0x5: {  	s18 =	simm.s32 $0x800000;
	s28 =	simm.s32 $0x5;
	s0 =	sand.u32 $0x1, s0  }
0x6: {  	s29 =	simm.s32 $0x8;
	s2 =	sshll.u32 s2, $0x9;
	s5 =	sshll.u32 s0, $0x8  }
0x7: {  	[smem:$0x7FF] =	sst s6;
	s0 =	ssub.s32 $0x2, s0;
	s6 =	sor.u32 s5, s2  }
0x8: {  	s30 =	simm.s32 $0x3;
	s20 =	sshrl.u32 s0, $0x1;
	s5 =	sshll.u32 s6, $0x7  }
0x9: {  	_ =	strace $0x80000047;
	s0 =	ssub.s32 s0, s20;
	s21 =	sadd.s32 s1, s5  }
0xa: {  	s22 =	sor.u32 $0x400, s5;
	s7 =	sadd.s32 s3, s5;
	[dreg:$0x4] =	wrdreg s21  }
0xb: {  	s24 =	sor.u32 $0x800, s5;
	s5 =	sadd.s32 s4, s5;
	[dreg:$0x5] =	wrdreg s7  }
0xc: {  	s31 =	simm.s32 $0x6;
	s0 =	smax.u32 s0, $0x1;
	[dreg:$0x8] =	wrdreg s5  }
0xd: {  	s2 =	simm.s32 $0x0;
	s23 =	sadd.s32 s1, s22;
	[dreg:$0xc] =	wrdreg s0  }
.Ltmp0:
0xe: {  	s8 =	sadd.s32 s3, s22;
	[dreg:$0x6] =	wrdreg s23;
	(pc) =	sbr.rel .LBB2_1-.Ltmp0, $4  }
0xf: {  	s15 =	sshrl.u32 s6, $0x3;
	s1 =	sadd.s32 s1, s24;
	[dreg:$0x7] =	wrdreg s8  }
0x10: {  	s25 =	sadd.s32 s3, s24;
	s26 =	sadd.s32 s4, s22;
	[dreg:$0x9] =	wrdreg s1  }
0x11: {  	s22 =	simm.s32 $0x1;
	s0 =	simm.s32 $0x7;
	[dreg:$0xa] =	wrdreg s25  }
0x12: {  	[dreg:$0xb] =	wrdreg s26;
	s23 =	simm.s32 $0x4;
	s26 =	simm.s32 $0x2  }
.LBB2_18:
0x13: {  	_ =	swait.ge [sflag:s30], $0x8000  }
0x14: {  	[sflag:s30] =	ssyncset.done $0x0  }
0x15: {  	[sflag:s30] =	ssyncadd.s32 $0xFFFF8000  }
0x16: {  	_ =	swait.ge [sflag:s31], $0x2000  }
0x17: {  	[sflag:s31] =	ssyncset.done $0x0  }
0x18: {  	[sflag:s31] =	ssyncadd.s32 $0xFFFFE000  }
0x19: {  	_ =	swait.ge [sflag:s0], $0x8000  }
0x1a: {  	[sflag:s0] =	ssyncset.done $0x0  }
0x1b: {  	[sflag:s0] =	ssyncadd.s32 $0xFFFF8000  }
0x1c: {  	_ =	swait.ge [sflag:s29], $0x8000  }
0x1d: {  	s2 =	rddreg [dreg:$0xd]  }
0x1e: {  	s1 =	rddreg [dreg:$0xc];
	s2 =	sadd.s32 $0x1, s2  }
0x1f: {  	p0 =	sne.s32 s2, s1  }
.Ltmp1:
0x20: {  	_ = 	snop;
	(pc) =	sbr.rel @!p0 .LBB2_19-.Ltmp1, $3  }
0x21: {  	_ =	sdelay $0x1  }
0x22: {  	[sflag:s29] =	ssyncset.done $0x0  }
0x23: {  	[sflag:s29] =	ssyncadd.s32 $0xFFFF8000  }
.LBB2_1:
0x24: {  	[dreg:$0xd] =	wrdreg s2  }
0x25: {  	s1 =	simm.s32 $0x0;
	s10 =	rddreg [dreg:$0x4]  }
0x26: {  	[tilespmem:s1], [sflag:$0x1] =	stream.strided.gather [hbm4b:s10+s17], $0x8000, s18, s17, $0x38;
	[tilespmem:$0x1E000] =	vst v63  }
0x27: {  	s11 =	rddreg [dreg:$0x5];
	s3 =	simm.s32 $0x18000  }
0x28: {  	[tilespmem:s3], [sflag:$0x4] =	stream.linear.gather [hbm4b:s11+s1], $0x2000, $0x38;
	[tilespmem:$0x1E000] =	vst v63  }
0x29: {  	s12 =	rddreg [dreg:$0x6];
	s13 =	simm.s32 $0x8000  }
0x2a: {  	[tilespmem:s13], [sflag:$0x2] =	stream.strided.gather [hbm4b:s12+s17], $0x8000, s18, s17, $0x38;
	[tilespmem:$0x1E000] =	vst v63  }
0x2b: {  	s14 =	rddreg [dreg:$0x7];
	s16 =	simm.s32 $0x1A000  }
0x2c: {  	[tilespmem:s16], [sflag:$0x5] =	stream.linear.gather [hbm4b:s14+s1], $0x2000, $0x38;
	[tilespmem:$0x1E000] =	vst v63  }
0x2d: {  	_ =	swait.ge [sflag:s22], $0x8000  }
0x2e: {  	[sflag:s22] =	ssyncset.done $0x0  }
0x2f: {  	[sflag:s22] =	ssyncadd.s32 $0xFFFF8000  }
0x30: {  	s5 =	sand.u32 $0x1C00, s1;
	s7 =	sand.u32 $0x380, s1;
	_ =	swait.ge [sflag:s23], $0x2000  }
0x31: {  	s8 =	sor.u32 s7, s5;
	s11 =	sand.u32 $0x40, s1;
	[sflag:s23] =	ssyncset.done $0x0  }
0x32: {  	s5 =	sor.u32 s11, s8;
	[sflag:s23] =	ssyncadd.s32 $0xFFFFE000  }
0x33: {  	s10 =	sor.u32 $0x2000, s8;
	v0 =	vld [tilespmem:s5+$0x0]  }
0x34: {  	s19 =	sor.u32 s11, s10;
	s13 =	sor.u32 $0x4000, s8;
	v1 =	vld [tilespmem:s5+$0x18000]  }
0x35: {  	s9 =	sor.u32 $0x6000, s8;
	s12 =	sor.u32 s11, s13;
	v2 =	vld [tilespmem:s19+$0x0]  }
0x36: {  	s14 =	sor.u32 s11, s9;
	v3 =	vld [tilespmem:s12+$0x0]  }
0x37: {  	v4 =	vld [tilespmem:s14+$0x0];
	_ =	sdelay $0x1  }
0x38: {  	v0 =	vadd.f32 v0, v1  }
0x39: {  	v2 =	vadd.f32 v2, v1  }
0x3a: {  	[tilespmem:s5+$0x0] =	vst v0;
	v0 =	vadd.f32 v3, v1  }
0x3b: {  	s20 =	sor.u32 $0x10, s11;
	[tilespmem:s19+$0x0] =	vst v2;
	v1 =	vadd.f32 v4, v1  }
0x3c: {  	s21 =	sor.u32 s20, s10;
	[tilespmem:s12+$0x0] =	vst v0  }
0x3d: {  	s24 =	sor.u32 s20, s8;
	v0 =	vld [tilespmem:s21+$0x0];
	[tilespmem:s14+$0x0] =	vst v1  }
0x3e: {  	v1 =	vld [tilespmem:s24+$0x18000]  }
0x3f: {  	s25 =	sor.u32 s20, s9;
	v2 =	vld [tilespmem:s24+$0x0]  }
0x40: {  	s5 =	sor.u32 s20, s13;
	v3 =	vld [tilespmem:s25+$0x0]  }
0x41: {  	v62 =	vld [tilespmem:s5+$0x0];
	_ =	sdelay $0x1  }
0x42: {  	v0 =	vadd.f32 v0, v1  }
0x43: {  	v2 =	vadd.f32 v2, v1  }
0x44: {  	s16 =	sor.u32 $0x20, s11;
	v3 =	vadd.f32 v3, v1;
	[tilespmem:s21+$0x0] =	vst v0  }
0x45: {  	s7 =	sor.u32 s16, s10;
	v0 =	vadd.f32 v62, v1;
	[tilespmem:s24+$0x0] =	vst v2  }
0x46: {  	s24 =	sor.u32 s16, s8;
	[tilespmem:s25+$0x0] =	vst v3;
	v1 =	vld [tilespmem:s7+$0x0]  }
0x47: {  	v2 =	vld [tilespmem:s24+$0x0];
	[tilespmem:s5+$0x0] =	vst v0  }
0x48: {  	s21 =	sor.u32 s16, s13;
	v0 =	vld [tilespmem:s24+$0x18000]  }
0x49: {  	s5 =	sor.u32 s16, s9;
	v63 =	vld [tilespmem:s21+$0x0]  }
0x4a: {  	v3 =	vld [tilespmem:s5+$0x0];
	_ =	sdelay $0x2  }
0x4b: {  	s19 =	sor.u32 $0x30, s11;
	v5 =	vadd.f32 v2, v0  }
0x4c: {  	s11 =	sor.u32 s19, s13;
	s12 =	simm.s32 $0x0;
	v2 =	vadd.f32 v63, v0  }
0x4d: {  	s14 =	simm.s32 $0x0;
	s13 =	simm.s32 $0x8;
	s16 =	simm.s32 $0x0;
	v1 =	vadd.f32 v1, v0;
	v0 =	vadd.f32 v3, v0;
	[tilespmem:s24+$0x0] =	vst v5  }
.LBB2_2:
0x4e: {  	s12 =	sadd.s32 $0x4, s12;
	[tilespmem:s21+$0x0] =	vst v2;
	s14 =	sadd.s32 $0x200, s14;
	s16 =	sadd.s32 $0x40, s16  }
0x4f: {  	s10 =	sor.u32 s19, s10;
	p0 =	slt.u32 s12, $0x1FC;
	[tilespmem:s7+$0x0] =	vst v1;
	v1 =	vld [tilespmem:s11+$0x0]  }
0x50: {  	[tilespmem:s5+$0x0] =	vst v0;
	v0 =	vld [tilespmem:s10+$0x0];
	s5 =	sor.u32 s19, s9  }
0x51: {  	s19 =	sor.u32 s19, s8;
	v2 =	vld [tilespmem:s5+$0x0]  }
0x52: {  	v3 =	vld [tilespmem:s19+$0x18000]  }
0x53: {  	v4 =	vld [tilespmem:s19+$0x0];
	_ =	sdelay $0x3  }
0x54: {  	v0 =	vadd.f32 v0, v3  }
0x55: {  	s8 =	sand.u32 $0x1C00, s14;
	s9 =	sand.u32 $0x380, s13;
	v1 =	vadd.f32 v1, v3;
	v2 =	vadd.f32 v2, v3  }
0x56: {  	s7 =	sand.u32 $0x40, s16;
	s8 =	sor.u32 s9, s8;
	v3 =	vadd.f32 v4, v3;
	[tilespmem:s10+$0x0] =	vst v0  }
0x57: {  	s21 =	sor.u32 $0x4000, s8;
	s9 =	sor.u32 $0x6000, s8;
	s10 =	sor.u32 $0x2000, s8;
	[tilespmem:s11+$0x0] =	vst v1  }
0x58: {  	s24 =	sor.u32 s7, s8;
	s20 =	sor.u32 s7, s21;
	s25 =	sor.u32 s7, s10;
	[tilespmem:s19+$0x0] =	vst v3  }
0x59: {  	s1 =	sor.u32 s7, s9;
	s19 =	sor.u32 $0x30, s7;
	v0 =	vld [tilespmem:s24+$0x0];
	[tilespmem:s5+$0x0] =	vst v2  }
0x5a: {  	s11 =	sor.u32 s19, s21;
	v1 =	vld [tilespmem:s24+$0x18000]  }
0x5b: {  	v2 =	vld [tilespmem:s25+$0x0]  }
0x5c: {  	v3 =	vld [tilespmem:s20+$0x0]  }
0x5d: {  	v4 =	vld [tilespmem:s1+$0x0];
	_ =	sdelay $0x1  }
0x5e: {  	v0 =	vadd.f32 v0, v1  }
0x5f: {  	v2 =	vadd.f32 v2, v1  }
0x60: {  	s5 =	sor.u32 $0x10, s7;
	[tilespmem:s24+$0x0] =	vst v0;
	v0 =	vadd.f32 v3, v1  }
0x61: {  	s24 =	sor.u32 s5, s10;
	[tilespmem:s25+$0x0] =	vst v2;
	v1 =	vadd.f32 v4, v1  }
0x62: {  	[tilespmem:s20+$0x0] =	vst v0;
	s20 =	sor.u32 s5, s8;
	v0 =	vld [tilespmem:s24+$0x0]  }
0x63: {  	[tilespmem:s1+$0x0] =	vst v1;
	v1 =	vld [tilespmem:s20+$0x0]  }
0x64: {  	s1 =	sor.u32 s5, s9;
	v2 =	vld [tilespmem:s20+$0x18000]  }
0x65: {  	s25 =	sor.u32 s5, s21;
	v3 =	vld [tilespmem:s1+$0x0]  }
0x66: {  	v4 =	vld [tilespmem:s25+$0x0];
	_ =	sdelay $0x2  }
0x67: {  	v1 =	vadd.f32 v1, v2;
	v0 =	vadd.f32 v0, v2  }
0x68: {  	s4 =	sor.u32 $0x20, s7;
	v3 =	vadd.f32 v3, v2  }
0x69: {  	s7 =	sor.u32 s4, s10;
	[tilespmem:s24+$0x0] =	vst v0;
	v0 =	vadd.f32 v4, v2  }
0x6a: {  	[tilespmem:s20+$0x0] =	vst v1;
	s20 =	sor.u32 s4, s8;
	v1 =	vld [tilespmem:s7+$0x0]  }
0x6b: {  	s5 =	sor.u32 s4, s9;
	[tilespmem:s1+$0x0] =	vst v3;
	v2 =	vld [tilespmem:s20+$0x0]  }
0x6c: {  	[tilespmem:s25+$0x0] =	vst v0;
	v0 =	vld [tilespmem:s5+$0x0]  }
0x6d: {  	s21 =	sor.u32 s4, s21;
	v3 =	vld [tilespmem:s20+$0x18000]  }
0x6e: {  	v4 =	vld [tilespmem:s21+$0x0];
	_ =	sdelay $0x1  }
.Ltmp2:
0x6f: {  	(pc) =	sbr.rel @p0 .LBB2_2-.Ltmp2, $4  }
0x70: {  	_ = 	snop  }
0x71: {  	v5 =	vadd.f32 v2, v3;
	v1 =	vadd.f32 v1, v3  }
0x72: {  	v0 =	vadd.f32 v0, v3;
	v2 =	vadd.f32 v4, v3  }
0x73: {  	s13 =	sadd.s32 $0x8, s13;
	[tilespmem:s20+$0x0] =	vst v5  }
0x74: {  	[tilespmem:s21+$0x0] =	vst v2  }
0x75: {  	[tilespmem:s7+$0x0] =	vst v1;
	s1 =	sor.u32 s19, s10  }
0x76: {  	[tilespmem:s5+$0x0] =	vst v0;
	s4 =	sor.u32 s19, s8;
	v0 =	vld [tilespmem:s1+$0x0]  }
0x77: {  	v1 =	vld [tilespmem:s4+$0x18000]  }
0x78: {  	v2 =	vld [tilespmem:s11+$0x0]  }
0x79: {  	s8 =	sor.u32 s19, s9;
	v3 =	vld [tilespmem:s4+$0x0]  }
0x7a: {  	v4 =	vld [tilespmem:s8+$0x0];
	_ =	sdelay $0x1  }
0x7b: {  	v0 =	vadd.f32 v0, v1  }
0x7c: {  	v2 =	vadd.f32 v2, v1  }
0x7d: {  	v3 =	vadd.f32 v3, v1;
	[tilespmem:s1+$0x0] =	vst v0  }
0x7e: {  	v0 =	vadd.f32 v4, v1;
	[tilespmem:s11+$0x0] =	vst v2  }
0x7f: {  	[tilespmem:s4+$0x0] =	vst v3  }
0x80: {  	s9 =	rddreg [dreg:$0x8];
	[tilespmem:s8+$0x0] =	vst v0;
	s8 =	simm.s32 $0x0  }
0x81: {  	[hbm4b:s9+s17] =	stream.strided.scatter [tilespmem:s8], [sflag:$0x7], $0x8000, s18, s17, $0x38;
	[tilespmem:$0x1E000] =	vst v63  }
0x82: {  	s10 =	rddreg [dreg:$0x9];
	s2 =	simm.s32 $0x10000  }
0x83: {  	[tilespmem:s2], [sflag:$0x3] =	stream.strided.gather [hbm4b:s10+s17], $0x8000, s18, s17, $0x38;
	[tilespmem:$0x1E000] =	vst v63  }
0x84: {  	s12 =	simm.s32 $0x1C000;
	s11 =	rddreg [dreg:$0xa]  }
0x85: {  	[tilespmem:s12], [sflag:$0x6] =	stream.linear.gather [hbm4b:s11+s8], $0x2000, $0x38;
	[tilespmem:$0x1E000] =	vst v63  }
0x86: {  	_ =	swait.ge [sflag:s26], $0x8000  }
0x87: {  	[sflag:s26] =	ssyncset.done $0x0  }
0x88: {  	[sflag:s26] =	ssyncadd.s32 $0xFFFF8000  }
0x89: {  	s13 =	sand.u32 $0x1C00, s8;
	s14 =	sand.u32 $0x380, s8;
	_ =	swait.ge [sflag:s28], $0x2000  }
0x8a: {  	s9 =	sor.u32 s14, s13;
	s12 =	sand.u32 $0x40, s8;
	[sflag:s28] =	ssyncset.done $0x0  }
0x8b: {  	s1 =	sor.u32 s12, s9;
	[sflag:s28] =	ssyncadd.s32 $0xFFFFE000  }
0x8c: {  	s11 =	sor.u32 $0xA000, s9;
	v0 =	vld [tilespmem:s1+$0x8000]  }
0x8d: {  	s4 =	sor.u32 $0xC000, s9;
	s16 =	sor.u32 s12, s11;
	v1 =	vld [tilespmem:s1+$0x1A000]  }
0x8e: {  	s10 =	sor.u32 $0xE000, s9;
	s19 =	sor.u32 s12, s4;
	v2 =	vld [tilespmem:s16+$0x0]  }
0x8f: {  	s13 =	sor.u32 s12, s10;
	v3 =	vld [tilespmem:s19+$0x0]  }
0x90: {  	v61 =	vld [tilespmem:s13+$0x0];
	_ =	sdelay $0x1  }
0x91: {  	v0 =	vadd.f32 v0, v1  }
0x92: {  	v2 =	vadd.f32 v2, v1  }
0x93: {  	[tilespmem:s1+$0x8000] =	vst v0;
	v0 =	vadd.f32 v3, v1  }
0x94: {  	s20 =	sor.u32 $0x10, s12;
	[tilespmem:s16+$0x0] =	vst v2;
	v1 =	vadd.f32 v61, v1  }
0x95: {  	s21 =	sor.u32 s20, s11;
	[tilespmem:s19+$0x0] =	vst v0  }
0x96: {  	s24 =	sor.u32 s20, s9;
	v0 =	vld [tilespmem:s21+$0x0];
	[tilespmem:s13+$0x0] =	vst v1  }
0x97: {  	v1 =	vld [tilespmem:s24+$0x1A000]  }
0x98: {  	s25 =	sor.u32 s20, s10;
	v2 =	vld [tilespmem:s24+$0x8000]  }
0x99: {  	s1 =	sor.u32 s20, s4;
	v3 =	vld [tilespmem:s25+$0x0]  }
0x9a: {  	v62 =	vld [tilespmem:s1+$0x0];
	_ =	sdelay $0x1  }
0x9b: {  	v0 =	vadd.f32 v0, v1  }
0x9c: {  	v2 =	vadd.f32 v2, v1  }
0x9d: {  	s14 =	sor.u32 $0x20, s12;
	v3 =	vadd.f32 v3, v1;
	[tilespmem:s21+$0x0] =	vst v0  }
0x9e: {  	s5 =	sor.u32 s14, s11;
	v0 =	vadd.f32 v62, v1;
	[tilespmem:s24+$0x8000] =	vst v2  }
0x9f: {  	s16 =	sor.u32 s14, s9;
	[tilespmem:s25+$0x0] =	vst v3;
	v1 =	vld [tilespmem:s5+$0x0]  }
0xa0: {  	v2 =	vld [tilespmem:s16+$0x8000];
	[tilespmem:s1+$0x0] =	vst v0  }
0xa1: {  	s21 =	sor.u32 s14, s4;
	v3 =	vld [tilespmem:s16+$0x1A000]  }
0xa2: {  	s7 =	sor.u32 s14, s10;
	v5 =	vld [tilespmem:s21+$0x0]  }
0xa3: {  	v63 =	vld [tilespmem:s7+$0x0];
	_ =	sdelay $0x2  }
0xa4: {  	v6 =	vadd.f32 v2, v3  }
0xa5: {  	s13 =	simm.s32 $0x0;
	s19 =	sor.u32 $0x30, s12;
	v2 =	vadd.f32 v5, v3  }
0xa6: {  	s12 =	sor.u32 s19, s4;
	s14 =	simm.s32 $0x8;
	v0 =	vadd.f32 v1, v3;
	v1 =	vadd.f32 v63, v3;
	[tilespmem:s16+$0x8000] =	vst v6;
	s16 =	simm.s32 $0x0  }
.LBB2_4:
0xa7: {  	s13 =	sadd.s32 $0x4, s13;
	[tilespmem:s21+$0x0] =	vst v2;
	s8 =	sadd.s32 $0x200, s8;
	s16 =	sadd.s32 $0x40, s16  }
0xa8: {  	s1 =	sor.u32 s19, s11;
	p0 =	slt.u32 s13, $0x1FC;
	[tilespmem:s5+$0x0] =	vst v0;
	v0 =	vld [tilespmem:s12+$0x0]  }
0xa9: {  	s4 =	sor.u32 s19, s10;
	[tilespmem:s7+$0x0] =	vst v1;
	v1 =	vld [tilespmem:s1+$0x0]  }
0xaa: {  	s5 =	sor.u32 s19, s9;
	v2 =	vld [tilespmem:s4+$0x0]  }
0xab: {  	v3 =	vld [tilespmem:s5+$0x1A000]  }
0xac: {  	v4 =	vld [tilespmem:s5+$0x8000];
	_ =	sdelay $0x3  }
0xad: {  	v1 =	vadd.f32 v1, v3  }
0xae: {  	s10 =	sand.u32 $0x380, s14;
	s9 =	sand.u32 $0x1C00, s8;
	v0 =	vadd.f32 v0, v3;
	v2 =	vadd.f32 v2, v3  }
0xaf: {  	s7 =	sand.u32 $0x40, s16;
	s9 =	sor.u32 s10, s9;
	v3 =	vadd.f32 v4, v3;
	[tilespmem:s1+$0x0] =	vst v1  }
0xb0: {  	s11 =	sor.u32 $0xA000, s9;
	s21 =	sor.u32 $0xC000, s9;
	s10 =	sor.u32 $0xE000, s9;
	[tilespmem:s12+$0x0] =	vst v0  }
0xb1: {  	s20 =	sor.u32 s7, s11;
	s24 =	sor.u32 s7, s21;
	s1 =	sor.u32 s7, s9;
	[tilespmem:s5+$0x8000] =	vst v3  }
0xb2: {  	s19 =	sor.u32 $0x30, s7;
	s5 =	sor.u32 s7, s10;
	v0 =	vld [tilespmem:s1+$0x8000];
	[tilespmem:s4+$0x0] =	vst v2  }
0xb3: {  	s12 =	sor.u32 s19, s21;
	v1 =	vld [tilespmem:s1+$0x1A000]  }
0xb4: {  	v2 =	vld [tilespmem:s20+$0x0]  }
0xb5: {  	v3 =	vld [tilespmem:s24+$0x0]  }
0xb6: {  	v4 =	vld [tilespmem:s5+$0x0];
	_ =	sdelay $0x1  }
0xb7: {  	v0 =	vadd.f32 v0, v1  }
0xb8: {  	v2 =	vadd.f32 v2, v1  }
0xb9: {  	[tilespmem:s1+$0x8000] =	vst v0;
	v0 =	vadd.f32 v3, v1;
	s1 =	sor.u32 $0x10, s7  }
0xba: {  	[tilespmem:s20+$0x0] =	vst v2;
	v1 =	vadd.f32 v4, v1;
	s4 =	sor.u32 s1, s11  }
0xbb: {  	s20 =	sor.u32 s1, s9;
	[tilespmem:s24+$0x0] =	vst v0;
	v0 =	vld [tilespmem:s4+$0x0]  }
0xbc: {  	[tilespmem:s5+$0x0] =	vst v1;
	v1 =	vld [tilespmem:s20+$0x8000]  }
0xbd: {  	s24 =	sor.u32 s1, s10;
	v2 =	vld [tilespmem:s20+$0x1A000]  }
0xbe: {  	s1 =	sor.u32 s1, s21;
	v3 =	vld [tilespmem:s24+$0x0]  }
0xbf: {  	v4 =	vld [tilespmem:s1+$0x0];
	_ =	sdelay $0x2  }
0xc0: {  	v1 =	vadd.f32 v1, v2;
	v0 =	vadd.f32 v0, v2  }
0xc1: {  	s25 =	sor.u32 $0x20, s7;
	v3 =	vadd.f32 v3, v2  }
0xc2: {  	s5 =	sor.u32 s25, s11;
	[tilespmem:s4+$0x0] =	vst v0;
	v0 =	vadd.f32 v4, v2  }
0xc3: {  	s4 =	sor.u32 s25, s9;
	[tilespmem:s20+$0x8000] =	vst v1;
	v1 =	vld [tilespmem:s5+$0x0]  }
0xc4: {  	s7 =	sor.u32 s25, s10;
	[tilespmem:s24+$0x0] =	vst v3;
	v2 =	vld [tilespmem:s4+$0x8000]  }
0xc5: {  	[tilespmem:s1+$0x0] =	vst v0;
	v3 =	vld [tilespmem:s7+$0x0]  }
0xc6: {  	s21 =	sor.u32 s25, s21;
	v4 =	vld [tilespmem:s4+$0x1A000]  }
0xc7: {  	v5 =	vld [tilespmem:s21+$0x0];
	_ =	sdelay $0x1  }
.Ltmp3:
0xc8: {  	(pc) =	sbr.rel @p0 .LBB2_4-.Ltmp3, $4  }
0xc9: {  	_ = 	snop  }
0xca: {  	v6 =	vadd.f32 v2, v4;
	v0 =	vadd.f32 v1, v4  }
0xcb: {  	v1 =	vadd.f32 v3, v4;
	v2 =	vadd.f32 v5, v4  }
0xcc: {  	s14 =	sadd.s32 $0x8, s14;
	[tilespmem:s4+$0x8000] =	vst v6  }
0xcd: {  	[tilespmem:s21+$0x0] =	vst v2  }
0xce: {  	[tilespmem:s5+$0x0] =	vst v0;
	s1 =	sor.u32 s19, s11  }
0xcf: {  	[tilespmem:s7+$0x0] =	vst v1;
	s4 =	sor.u32 s19, s9;
	v0 =	vld [tilespmem:s1+$0x0]  }
0xd0: {  	v1 =	vld [tilespmem:s4+$0x1A000]  }
0xd1: {  	v2 =	vld [tilespmem:s12+$0x0]  }
0xd2: {  	s24 =	sor.u32 s19, s10;
	v3 =	vld [tilespmem:s4+$0x8000]  }
0xd3: {  	v4 =	vld [tilespmem:s24+$0x0];
	_ =	sdelay $0x1  }
0xd4: {  	v0 =	vadd.f32 v0, v1  }
0xd5: {  	v2 =	vadd.f32 v2, v1  }
.Ltmp4:
0xd6: {  	v3 =	vadd.f32 v3, v1;
	[tilespmem:s1+$0x0] =	vst v0;
	(pc) =	sbr.rel .LBB2_6-.Ltmp4, $4  }
0xd7: {  	v63 =	vadd.f32 v4, v1;
	[tilespmem:s12+$0x0] =	vst v2  }
0xd8: {  	[tilespmem:s4+$0x8000] =	vst v3  }
0xd9: {  	s25 =	rddreg [dreg:$0xb];
	s2 =	simm.s32 $0x8000;
	s9 =	simm.s32 $0x2;
	[tilespmem:s24+$0x0] =	vst v63  }
0xda: {  	[hbm4b:s25+s17] =	stream.strided.scatter [tilespmem:s2], [sflag:$0x8], $0x8000, s18, s17, $0x38;
	[tilespmem:$0x1E000] =	vst v63  }
.LBB2_17:
0xdb: {  	p0 =	sne.s32 s9, $0x20  }
.Ltmp5:
0xdc: {  	_ = 	snop;
	(pc) =	sbr.rel @!p0 .LBB2_18-.Ltmp5, $1  }
0xdd: {  	_ =	sdelay $0x3  }
.LBB2_6:
0xde: {  	s1 =	smul.u32 $0xAB, s9;
	_ =	sdelay $0x1  }
0xdf: {  	s1 =	sshrl.u32 s1, $0x9  }
0xe0: {  	s1 =	sand.u32 $0x7F, s1  }
0xe1: {  	s1 =	smul.u32 $0x3, s1  }
0xe2: {  	s8 =	smov.u32 s9  }
0xe3: {  	s9 =	sadd.s32 $0x1, s9;
	s1 =	ssub.s32 s8, s1  }
0xe4: {  	p0 =	seq.s32 s9, $0x20;
	s4 =	sshll.u32 s9, $0x3;
	s10 =	sand.u32 $0xFF, s1  }
0xe5: {  	s4 =	simm.s32 @p0 $0x0;
	p0 =	seq.s32 s10, $0x0  }
.Ltmp6:
0xe6: {  	_ = 	snop;
	(pc) =	sbr.rel @p0 .LBB2_14-.Ltmp6, $4  }
0xe7: {  	_ = 	snop  }
0xe8: {  	s2 =	rddreg [dreg:$0x0];
	s24 =	sadd.s32 s6, s4  }
0xe9: {  	s25 =	rddreg [dreg:$0x1];
	s1 =	sshll.u32 s24, $0x7  }
0xea: {  	s7 =	sadd.s32 s2, s1;
	s5 =	sadd.s32 s25, s1  }
0xeb: {  	p0 =	seq.s32 s10, $0x1  }
.Ltmp7:
0xec: {  	_ = 	snop;
	(pc) =	sbr.rel @!p0 .LBB2_8-.Ltmp7, $1  }
0xed: {  	_ =	sdelay $0x3  }
0xee: {  	s1 =	simm.s32 $0x9  }
0xef: {  	_ =	swait.ge [sflag:s1], $0x8000  }
0xf0: {  	[sflag:s1] =	ssyncset.done $0x0  }
0xf1: {  	s19 =	simm.s32 $0x10000;
	[sflag:s1] =	ssyncadd.s32 $0xFFFF8000  }
0xf2: {  	[tilespmem:s19], [sflag:$0x3] =	stream.strided.gather [hbm4b:s7+s17], $0x8000, s18, s17, $0x38;
	[tilespmem:$0x1E000] =	vst v63  }
0xf3: {  	s10 =	simm.s32 $0x0;
	s20 =	simm.s32 $0x1C000  }
0xf4: {  	[tilespmem:s20], [sflag:$0x6] =	stream.linear.gather [hbm4b:s5+s10], $0x2000, $0x38;
	[tilespmem:$0x1E000] =	vst v63  }
0xf5: {  	_ =	swait.ge [sflag:s26], $0x8000  }
0xf6: {  	[sflag:s26] =	ssyncset.done $0x0  }
0xf7: {  	[sflag:s26] =	ssyncadd.s32 $0xFFFF8000  }
0xf8: {  	s21 =	sand.u32 $0x1C00, s10;
	s2 =	sand.u32 $0x380, s10;
	_ =	swait.ge [sflag:s28], $0x2000  }
0xf9: {  	s3 =	sand.u32 $0x40, s10;
	s11 =	sor.u32 s2, s21;
	[sflag:s28] =	ssyncset.done $0x0  }
0xfa: {  	s1 =	sor.u32 s3, s11;
	[sflag:s28] =	ssyncadd.s32 $0xFFFFE000  }
0xfb: {  	s13 =	sor.u32 $0xA000, s11;
	v0 =	vld [tilespmem:s1+$0x8000]  }
0xfc: {  	s2 =	sor.u32 $0xC000, s11;
	s4 =	sor.u32 s3, s13;
	v1 =	vld [tilespmem:s1+$0x1A000]  }
0xfd: {  	s12 =	sor.u32 $0xE000, s11;
	s24 =	sor.u32 s3, s2;
	v2 =	vld [tilespmem:s4+$0x0]  }
0xfe: {  	s25 =	sor.u32 s3, s12;
	v3 =	vld [tilespmem:s24+$0x0]  }
0xff: {  	v4 =	vld [tilespmem:s25+$0x0];
	_ =	sdelay $0x1  }
0x100: {  	v0 =	vadd.f32 v0, v1  }
0x101: {  	v2 =	vadd.f32 v2, v1  }
0x102: {  	[tilespmem:s1+$0x8000] =	vst v0;
	v0 =	vadd.f32 v3, v1  }
0x103: {  	s16 =	sor.u32 $0x10, s3;
	[tilespmem:s4+$0x0] =	vst v2;
	v1 =	vadd.f32 v4, v1  }
0x104: {  	s19 =	sor.u32 s16, s13;
	[tilespmem:s24+$0x0] =	vst v0  }
0x105: {  	s14 =	sor.u32 s16, s11;
	v0 =	vld [tilespmem:s19+$0x0];
	[tilespmem:s25+$0x0] =	vst v1  }
0x106: {  	v1 =	vld [tilespmem:s14+$0x1A000]  }
0x107: {  	s20 =	sor.u32 s16, s12;
	v2 =	vld [tilespmem:s14+$0x8000]  }
0x108: {  	s1 =	sor.u32 s16, s2;
	v3 =	vld [tilespmem:s20+$0x0]  }
0x109: {  	v62 =	vld [tilespmem:s1+$0x0];
	_ =	sdelay $0x1  }
0x10a: {  	v0 =	vadd.f32 v0, v1  }
0x10b: {  	v2 =	vadd.f32 v2, v1  }
0x10c: {  	s16 =	sor.u32 $0x20, s3;
	v3 =	vadd.f32 v3, v1;
	[tilespmem:s19+$0x0] =	vst v0  }
0x10d: {  	s5 =	sor.u32 s16, s13;
	v0 =	vadd.f32 v62, v1;
	[tilespmem:s14+$0x8000] =	vst v2  }
0x10e: {  	s21 =	sor.u32 s16, s11;
	[tilespmem:s20+$0x0] =	vst v3;
	v1 =	vld [tilespmem:s5+$0x0]  }
0x10f: {  	v2 =	vld [tilespmem:s21+$0x8000];
	[tilespmem:s1+$0x0] =	vst v0  }
0x110: {  	s7 =	sor.u32 s16, s2;
	v3 =	vld [tilespmem:s21+$0x1A000]  }
0x111: {  	s24 =	sor.u32 s16, s12;
	v5 =	vld [tilespmem:s7+$0x0]  }
0x112: {  	v63 =	vld [tilespmem:s24+$0x0];
	_ =	sdelay $0x2  }
0x113: {  	v6 =	vadd.f32 v2, v3  }
0x114: {  	s16 =	simm.s32 $0x0;
	s25 =	sor.u32 $0x30, s3;
	v2 =	vadd.f32 v5, v3  }
0x115: {  	s14 =	sor.u32 s25, s2;
	s19 =	simm.s32 $0x8;
	v0 =	vadd.f32 v1, v3;
	v1 =	vadd.f32 v63, v3;
	[tilespmem:s21+$0x8000] =	vst v6;
	s21 =	simm.s32 $0x0  }
.LBB2_12:
0x116: {  	s16 =	sadd.s32 $0x4, s16;
	[tilespmem:s7+$0x0] =	vst v2;
	s10 =	sadd.s32 $0x200, s10;
	s21 =	sadd.s32 $0x40, s21  }
0x117: {  	s1 =	sor.u32 s25, s13;
	p0 =	slt.u32 s16, $0x1FC;
	[tilespmem:s5+$0x0] =	vst v0;
	v0 =	vld [tilespmem:s14+$0x0]  }
0x118: {  	s2 =	sor.u32 s25, s12;
	[tilespmem:s24+$0x0] =	vst v1;
	v1 =	vld [tilespmem:s1+$0x0]  }
0x119: {  	s3 =	sor.u32 s25, s11;
	v2 =	vld [tilespmem:s2+$0x0]  }
0x11a: {  	v3 =	vld [tilespmem:s3+$0x1A000]  }
0x11b: {  	v4 =	vld [tilespmem:s3+$0x8000];
	_ =	sdelay $0x3  }
0x11c: {  	v1 =	vadd.f32 v1, v3  }
0x11d: {  	s7 =	sand.u32 $0x380, s19;
	s4 =	sand.u32 $0x1C00, s10;
	v0 =	vadd.f32 v0, v3;
	v2 =	vadd.f32 v2, v3  }
0x11e: {  	s5 =	sand.u32 $0x40, s21;
	s11 =	sor.u32 s7, s4;
	v3 =	vadd.f32 v4, v3;
	[tilespmem:s1+$0x0] =	vst v1  }
0x11f: {  	s13 =	sor.u32 $0xA000, s11;
	s7 =	sor.u32 $0xC000, s11;
	s12 =	sor.u32 $0xE000, s11;
	[tilespmem:s14+$0x0] =	vst v0  }
0x120: {  	s4 =	sor.u32 s5, s13;
	s20 =	sor.u32 s5, s7;
	s1 =	sor.u32 s5, s11;
	[tilespmem:s3+$0x8000] =	vst v3  }
0x121: {  	s25 =	sor.u32 $0x30, s5;
	s3 =	sor.u32 s5, s12;
	v0 =	vld [tilespmem:s1+$0x8000];
	[tilespmem:s2+$0x0] =	vst v2  }
0x122: {  	s14 =	sor.u32 s25, s7;
	v1 =	vld [tilespmem:s1+$0x1A000]  }
0x123: {  	v2 =	vld [tilespmem:s4+$0x0]  }
0x124: {  	v3 =	vld [tilespmem:s20+$0x0]  }
0x125: {  	v4 =	vld [tilespmem:s3+$0x0];
	_ =	sdelay $0x1  }
0x126: {  	v0 =	vadd.f32 v0, v1  }
0x127: {  	v2 =	vadd.f32 v2, v1  }
0x128: {  	[tilespmem:s1+$0x8000] =	vst v0;
	v0 =	vadd.f32 v3, v1;
	s1 =	sor.u32 $0x10, s5  }
0x129: {  	[tilespmem:s4+$0x0] =	vst v2;
	v1 =	vadd.f32 v4, v1;
	s2 =	sor.u32 s1, s13  }
0x12a: {  	s4 =	sor.u32 s1, s11;
	[tilespmem:s20+$0x0] =	vst v0;
	v0 =	vld [tilespmem:s2+$0x0]  }
0x12b: {  	[tilespmem:s3+$0x0] =	vst v1;
	v1 =	vld [tilespmem:s4+$0x8000]  }
0x12c: {  	s3 =	sor.u32 s1, s12;
	v2 =	vld [tilespmem:s4+$0x1A000]  }
0x12d: {  	s1 =	sor.u32 s1, s7;
	v3 =	vld [tilespmem:s3+$0x0]  }
0x12e: {  	v4 =	vld [tilespmem:s1+$0x0];
	_ =	sdelay $0x2  }
0x12f: {  	v1 =	vadd.f32 v1, v2;
	v0 =	vadd.f32 v0, v2  }
0x130: {  	s20 =	sor.u32 $0x20, s5;
	v3 =	vadd.f32 v3, v2  }
0x131: {  	s5 =	sor.u32 s20, s13;
	[tilespmem:s2+$0x0] =	vst v0;
	v0 =	vadd.f32 v4, v2  }
0x132: {  	s2 =	sor.u32 s20, s11;
	[tilespmem:s4+$0x8000] =	vst v1;
	v1 =	vld [tilespmem:s5+$0x0]  }
0x133: {  	s24 =	sor.u32 s20, s12;
	[tilespmem:s3+$0x0] =	vst v3;
	v2 =	vld [tilespmem:s2+$0x8000]  }
0x134: {  	[tilespmem:s1+$0x0] =	vst v0;
	v3 =	vld [tilespmem:s24+$0x0]  }
0x135: {  	s7 =	sor.u32 s20, s7;
	v4 =	vld [tilespmem:s2+$0x1A000]  }
0x136: {  	v5 =	vld [tilespmem:s7+$0x0];
	_ =	sdelay $0x1  }
.Ltmp8:
0x137: {  	(pc) =	sbr.rel @p0 .LBB2_12-.Ltmp8, $4  }
0x138: {  	_ = 	snop  }
0x139: {  	v6 =	vadd.f32 v2, v4;
	v0 =	vadd.f32 v1, v4  }
0x13a: {  	v1 =	vadd.f32 v3, v4;
	v2 =	vadd.f32 v5, v4  }
0x13b: {  	s19 =	sadd.s32 $0x8, s19;
	[tilespmem:s2+$0x8000] =	vst v6  }
0x13c: {  	[tilespmem:s7+$0x0] =	vst v2  }
0x13d: {  	[tilespmem:s5+$0x0] =	vst v0;
	s1 =	sor.u32 s25, s13  }
0x13e: {  	[tilespmem:s24+$0x0] =	vst v1;
	s2 =	sor.u32 s25, s11;
	v0 =	vld [tilespmem:s1+$0x0]  }
0x13f: {  	v1 =	vld [tilespmem:s2+$0x1A000]  }
0x140: {  	v2 =	vld [tilespmem:s14+$0x0]  }
0x141: {  	s3 =	sor.u32 s25, s12;
	v3 =	vld [tilespmem:s2+$0x8000]  }
0x142: {  	v4 =	vld [tilespmem:s3+$0x0];
	_ =	sdelay $0x1  }
0x143: {  	v0 =	vadd.f32 v0, v1  }
0x144: {  	v2 =	vadd.f32 v2, v1  }
.Ltmp9:
0x145: {  	v3 =	vadd.f32 v3, v1;
	[tilespmem:s1+$0x0] =	vst v0;
	(pc) =	sbr.rel .LBB2_17-.Ltmp9, $4  }
0x146: {  	s21 =	sadd.s32 s15, s8;
	v63 =	vadd.f32 v4, v1;
	[tilespmem:s14+$0x0] =	vst v2  }
0x147: {  	s24 =	rddreg [dreg:$0x2];
	[tilespmem:s2+$0x8000] =	vst v3;
	s1 =	sshll.u32 s21, $0xA  }
0x148: {  	s25 =	simm.s32 $0x8000;
	[tilespmem:s3+$0x0] =	vst v63;
	s1 =	sadd.s32 s24, s1  }
0x149: {  	[hbm4b:s1+s17] =	stream.strided.scatter [tilespmem:s25], [sflag:$0x8], $0x8000, s18, s17, $0x38;
	[tilespmem:$0x1E000] =	vst v63  }
.LBB2_14:
0x14a: {  	_ =	swait.ge [sflag:s29], $0x8000  }
0x14b: {  	[sflag:s29] =	ssyncset.done $0x0  }
0x14c: {  	s1 =	simm.s32 $0x8000;
	[sflag:s29] =	ssyncadd.s32 $0xFFFF8000  }
0x14d: {  	[tilespmem:s1], [sflag:$0x2] =	stream.strided.gather [hbm4b:s7+s17], $0x8000, s18, s17, $0x38;
	[tilespmem:$0x1E000] =	vst v63  }
0x14e: {  	s10 =	simm.s32 $0x0;
	s20 =	simm.s32 $0x1A000  }
0x14f: {  	[tilespmem:s20], [sflag:$0x5] =	stream.linear.gather [hbm4b:s5+s10], $0x2000, $0x38;
	[tilespmem:$0x1E000] =	vst v63  }
0x150: {  	_ =	swait.ge [sflag:s22], $0x8000  }
0x151: {  	[sflag:s22] =	ssyncset.done $0x0  }
0x152: {  	[sflag:s22] =	ssyncadd.s32 $0xFFFF8000  }
0x153: {  	s21 =	sand.u32 $0x1C00, s10;
	s2 =	sand.u32 $0x380, s10;
	_ =	swait.ge [sflag:s23], $0x2000  }
0x154: {  	s3 =	sand.u32 $0x40, s10;
	s11 =	sor.u32 s2, s21;
	[sflag:s23] =	ssyncset.done $0x0  }
0x155: {  	s1 =	sor.u32 s3, s11;
	[sflag:s23] =	ssyncadd.s32 $0xFFFFE000  }
0x156: {  	s13 =	sor.u32 $0x2000, s11;
	v0 =	vld [tilespmem:s1+$0x0]  }
0x157: {  	s2 =	sor.u32 $0x4000, s11;
	s4 =	sor.u32 s3, s13;
	v1 =	vld [tilespmem:s1+$0x18000]  }
0x158: {  	s12 =	sor.u32 $0x6000, s11;
	s24 =	sor.u32 s3, s2;
	v2 =	vld [tilespmem:s4+$0x0]  }
0x159: {  	s25 =	sor.u32 s3, s12;
	v3 =	vld [tilespmem:s24+$0x0]  }
0x15a: {  	v4 =	vld [tilespmem:s25+$0x0];
	_ =	sdelay $0x1  }
0x15b: {  	v0 =	vadd.f32 v0, v1  }
0x15c: {  	v2 =	vadd.f32 v2, v1  }
0x15d: {  	[tilespmem:s1+$0x0] =	vst v0;
	v0 =	vadd.f32 v3, v1  }
0x15e: {  	s16 =	sor.u32 $0x10, s3;
	[tilespmem:s4+$0x0] =	vst v2;
	v1 =	vadd.f32 v4, v1  }
0x15f: {  	s19 =	sor.u32 s16, s13;
	[tilespmem:s24+$0x0] =	vst v0  }
0x160: {  	s14 =	sor.u32 s16, s11;
	v0 =	vld [tilespmem:s19+$0x0];
	[tilespmem:s25+$0x0] =	vst v1  }
0x161: {  	v1 =	vld [tilespmem:s14+$0x18000]  }
0x162: {  	s20 =	sor.u32 s16, s12;
	v2 =	vld [tilespmem:s14+$0x0]  }
0x163: {  	s1 =	sor.u32 s16, s2;
	v3 =	vld [tilespmem:s20+$0x0]  }
0x164: {  	v62 =	vld [tilespmem:s1+$0x0];
	_ =	sdelay $0x1  }
0x165: {  	v0 =	vadd.f32 v0, v1  }
0x166: {  	v2 =	vadd.f32 v2, v1  }
0x167: {  	s16 =	sor.u32 $0x20, s3;
	v3 =	vadd.f32 v3, v1;
	[tilespmem:s19+$0x0] =	vst v0  }
0x168: {  	s5 =	sor.u32 s16, s13;
	v0 =	vadd.f32 v62, v1;
	[tilespmem:s14+$0x0] =	vst v2  }
0x169: {  	s21 =	sor.u32 s16, s11;
	[tilespmem:s20+$0x0] =	vst v3;
	v1 =	vld [tilespmem:s5+$0x0]  }
0x16a: {  	v2 =	vld [tilespmem:s21+$0x0];
	[tilespmem:s1+$0x0] =	vst v0  }
0x16b: {  	s7 =	sor.u32 s16, s2;
	v3 =	vld [tilespmem:s21+$0x18000]  }
0x16c: {  	s24 =	sor.u32 s16, s12;
	v5 =	vld [tilespmem:s7+$0x0]  }
0x16d: {  	v63 =	vld [tilespmem:s24+$0x0];
	_ =	sdelay $0x2  }
0x16e: {  	v6 =	vadd.f32 v2, v3  }
0x16f: {  	s16 =	simm.s32 $0x0;
	s25 =	sor.u32 $0x30, s3;
	v2 =	vadd.f32 v5, v3  }
0x170: {  	s14 =	sor.u32 s25, s2;
	s19 =	simm.s32 $0x8;
	v0 =	vadd.f32 v1, v3;
	v1 =	vadd.f32 v63, v3;
	[tilespmem:s21+$0x0] =	vst v6;
	s21 =	simm.s32 $0x0  }
.LBB2_15:
0x171: {  	s16 =	sadd.s32 $0x4, s16;
	[tilespmem:s7+$0x0] =	vst v2;
	s10 =	sadd.s32 $0x200, s10;
	s21 =	sadd.s32 $0x40, s21  }
0x172: {  	s1 =	sor.u32 s25, s13;
	p0 =	slt.u32 s16, $0x1FC;
	[tilespmem:s5+$0x0] =	vst v0;
	v0 =	vld [tilespmem:s14+$0x0]  }
0x173: {  	s2 =	sor.u32 s25, s12;
	[tilespmem:s24+$0x0] =	vst v1;
	v1 =	vld [tilespmem:s1+$0x0]  }
0x174: {  	s3 =	sor.u32 s25, s11;
	v2 =	vld [tilespmem:s2+$0x0]  }
0x175: {  	v3 =	vld [tilespmem:s3+$0x18000]  }
0x176: {  	v4 =	vld [tilespmem:s3+$0x0];
	_ =	sdelay $0x3  }
0x177: {  	v1 =	vadd.f32 v1, v3  }
0x178: {  	s7 =	sand.u32 $0x380, s19;
	s4 =	sand.u32 $0x1C00, s10;
	v0 =	vadd.f32 v0, v3;
	v2 =	vadd.f32 v2, v3  }
0x179: {  	s5 =	sand.u32 $0x40, s21;
	s11 =	sor.u32 s7, s4;
	v3 =	vadd.f32 v4, v3;
	[tilespmem:s1+$0x0] =	vst v1  }
0x17a: {  	s13 =	sor.u32 $0x2000, s11;
	s7 =	sor.u32 $0x4000, s11;
	s12 =	sor.u32 $0x6000, s11;
	[tilespmem:s14+$0x0] =	vst v0  }
0x17b: {  	s4 =	sor.u32 s5, s13;
	s20 =	sor.u32 s5, s7;
	s1 =	sor.u32 s5, s11;
	[tilespmem:s3+$0x0] =	vst v3  }
0x17c: {  	s25 =	sor.u32 $0x30, s5;
	s3 =	sor.u32 s5, s12;
	v0 =	vld [tilespmem:s1+$0x0];
	[tilespmem:s2+$0x0] =	vst v2  }
0x17d: {  	s14 =	sor.u32 s25, s7;
	v1 =	vld [tilespmem:s1+$0x18000]  }
0x17e: {  	v2 =	vld [tilespmem:s4+$0x0]  }
0x17f: {  	v3 =	vld [tilespmem:s20+$0x0]  }
0x180: {  	v4 =	vld [tilespmem:s3+$0x0];
	_ =	sdelay $0x1  }
0x181: {  	v0 =	vadd.f32 v0, v1  }
0x182: {  	v2 =	vadd.f32 v2, v1  }
0x183: {  	[tilespmem:s1+$0x0] =	vst v0;
	v0 =	vadd.f32 v3, v1;
	s1 =	sor.u32 $0x10, s5  }
0x184: {  	[tilespmem:s4+$0x0] =	vst v2;
	v1 =	vadd.f32 v4, v1;
	s2 =	sor.u32 s1, s13  }
0x185: {  	s4 =	sor.u32 s1, s11;
	[tilespmem:s20+$0x0] =	vst v0;
	v0 =	vld [tilespmem:s2+$0x0]  }
0x186: {  	[tilespmem:s3+$0x0] =	vst v1;
	v1 =	vld [tilespmem:s4+$0x0]  }
0x187: {  	s3 =	sor.u32 s1, s12;
	v2 =	vld [tilespmem:s4+$0x18000]  }
0x188: {  	s1 =	sor.u32 s1, s7;
	v3 =	vld [tilespmem:s3+$0x0]  }
0x189: {  	v4 =	vld [tilespmem:s1+$0x0];
	_ =	sdelay $0x2  }
0x18a: {  	v1 =	vadd.f32 v1, v2;
	v0 =	vadd.f32 v0, v2  }
0x18b: {  	s20 =	sor.u32 $0x20, s5;
	v3 =	vadd.f32 v3, v2  }
0x18c: {  	s5 =	sor.u32 s20, s13;
	[tilespmem:s2+$0x0] =	vst v0;
	v0 =	vadd.f32 v4, v2  }
0x18d: {  	s2 =	sor.u32 s20, s11;
	[tilespmem:s4+$0x0] =	vst v1;
	v1 =	vld [tilespmem:s5+$0x0]  }
0x18e: {  	s24 =	sor.u32 s20, s12;
	[tilespmem:s3+$0x0] =	vst v3;
	v2 =	vld [tilespmem:s2+$0x0]  }
0x18f: {  	[tilespmem:s1+$0x0] =	vst v0;
	v3 =	vld [tilespmem:s24+$0x0]  }
0x190: {  	s7 =	sor.u32 s20, s7;
	v4 =	vld [tilespmem:s2+$0x18000]  }
0x191: {  	v5 =	vld [tilespmem:s7+$0x0];
	_ =	sdelay $0x1  }
.Ltmp10:
0x192: {  	(pc) =	sbr.rel @p0 .LBB2_15-.Ltmp10, $4  }
0x193: {  	_ = 	snop  }
0x194: {  	v6 =	vadd.f32 v2, v4;
	v0 =	vadd.f32 v1, v4  }
0x195: {  	v1 =	vadd.f32 v3, v4;
	v2 =	vadd.f32 v5, v4  }
0x196: {  	s19 =	sadd.s32 $0x8, s19;
	[tilespmem:s2+$0x0] =	vst v6  }
0x197: {  	[tilespmem:s7+$0x0] =	vst v2  }
0x198: {  	[tilespmem:s5+$0x0] =	vst v0;
	s1 =	sor.u32 s25, s13  }
0x199: {  	[tilespmem:s24+$0x0] =	vst v1;
	s2 =	sor.u32 s25, s11;
	v0 =	vld [tilespmem:s1+$0x0]  }
0x19a: {  	v1 =	vld [tilespmem:s2+$0x18000]  }
0x19b: {  	v2 =	vld [tilespmem:s14+$0x0]  }
0x19c: {  	s3 =	sor.u32 s25, s12;
	v3 =	vld [tilespmem:s2+$0x0]  }
0x19d: {  	v4 =	vld [tilespmem:s3+$0x0];
	_ =	sdelay $0x1  }
0x19e: {  	v0 =	vadd.f32 v0, v1  }
0x19f: {  	v2 =	vadd.f32 v2, v1  }
.Ltmp11:
0x1a0: {  	v3 =	vadd.f32 v3, v1;
	[tilespmem:s1+$0x0] =	vst v0;
	(pc) =	sbr.rel .LBB2_17-.Ltmp11, $4  }
0x1a1: {  	s21 =	sadd.s32 s15, s8;
	v63 =	vadd.f32 v4, v1;
	[tilespmem:s14+$0x0] =	vst v2  }
0x1a2: {  	s24 =	rddreg [dreg:$0x2];
	[tilespmem:s2+$0x0] =	vst v3;
	s1 =	sshll.u32 s21, $0xA  }
0x1a3: {  	s25 =	simm.s32 $0x0;
	[tilespmem:s3+$0x0] =	vst v63;
	s1 =	sadd.s32 s24, s1  }
0x1a4: {  	[hbm4b:s1+s17] =	stream.strided.scatter [tilespmem:s25], [sflag:$0x7], $0x8000, s18, s17, $0x38;
	[tilespmem:$0x1E000] =	vst v63  }
.LBB2_8:
0x1a5: {  	_ =	swait.ge [sflag:s0], $0x8000  }
0x1a6: {  	[sflag:s0] =	ssyncset.done $0x0  }
0x1a7: {  	s10 =	simm.s32 $0x0;
	[sflag:s0] =	ssyncadd.s32 $0xFFFF8000  }
0x1a8: {  	[tilespmem:s10], [sflag:$0x1] =	stream.strided.gather [hbm4b:s7+s17], $0x8000, s18, s17, $0x38;
	[tilespmem:$0x1E000] =	vst v63  }
0x1a9: {  	s1 =	simm.s32 $0x18000  }
0x1aa: {  	[tilespmem:s1], [sflag:$0x4] =	stream.linear.gather [hbm4b:s5+s10], $0x2000, $0x38;
	[tilespmem:$0x1E000] =	vst v63  }
0x1ab: {  	_ =	swait.ge [sflag:s30], $0x8000  }
0x1ac: {  	[sflag:s30] =	ssyncset.done $0x0  }
0x1ad: {  	[sflag:s30] =	ssyncadd.s32 $0xFFFF8000  }
0x1ae: {  	s4 =	sand.u32 $0x380, s10;
	s5 =	sand.u32 $0x1C00, s10;
	_ =	swait.ge [sflag:s31], $0x2000  }
0x1af: {  	s14 =	sand.u32 $0x40, s10;
	s11 =	sor.u32 s4, s5;
	[sflag:s31] =	ssyncset.done $0x0  }
0x1b0: {  	s1 =	sor.u32 s14, s11;
	[sflag:s31] =	ssyncadd.s32 $0xFFFFE000  }
0x1b1: {  	s13 =	sor.u32 $0x12000, s11;
	v0 =	vld [tilespmem:s1+$0x10000]  }
0x1b2: {  	s4 =	sor.u32 $0x14000, s11;
	s7 =	sor.u32 s14, s13;
	v1 =	vld [tilespmem:s1+$0x1C000]  }
0x1b3: {  	s12 =	sor.u32 $0x16000, s11;
	s19 =	sor.u32 s14, s4;
	v2 =	vld [tilespmem:s7+$0x0]  }
0x1b4: {  	s16 =	sor.u32 s14, s12;
	v3 =	vld [tilespmem:s19+$0x0]  }
0x1b5: {  	v4 =	vld [tilespmem:s16+$0x0];
	_ =	sdelay $0x1  }
0x1b6: {  	v0 =	vadd.f32 v0, v1  }
0x1b7: {  	v2 =	vadd.f32 v2, v1  }
0x1b8: {  	[tilespmem:s1+$0x10000] =	vst v0;
	v0 =	vadd.f32 v3, v1  }
0x1b9: {  	s20 =	sor.u32 $0x10, s14;
	[tilespmem:s7+$0x0] =	vst v2;
	v1 =	vadd.f32 v4, v1  }
0x1ba: {  	s21 =	sor.u32 s20, s13;
	[tilespmem:s19+$0x0] =	vst v0  }
0x1bb: {  	s24 =	sor.u32 s20, s11;
	v0 =	vld [tilespmem:s21+$0x0];
	[tilespmem:s16+$0x0] =	vst v1  }
0x1bc: {  	v1 =	vld [tilespmem:s24+$0x1C000]  }
0x1bd: {  	s25 =	sor.u32 s20, s12;
	v2 =	vld [tilespmem:s24+$0x10000]  }
0x1be: {  	s1 =	sor.u32 s20, s4;
	v3 =	vld [tilespmem:s25+$0x0]  }
0x1bf: {  	v62 =	vld [tilespmem:s1+$0x0];
	_ =	sdelay $0x1  }
0x1c0: {  	v0 =	vadd.f32 v0, v1  }
0x1c1: {  	v2 =	vadd.f32 v2, v1  }
0x1c2: {  	s19 =	sor.u32 $0x20, s14;
	v3 =	vadd.f32 v3, v1;
	[tilespmem:s21+$0x0] =	vst v0  }
0x1c3: {  	s5 =	sor.u32 s19, s13;
	v0 =	vadd.f32 v62, v1;
	[tilespmem:s24+$0x10000] =	vst v2  }
0x1c4: {  	s20 =	sor.u32 s19, s11;
	[tilespmem:s25+$0x0] =	vst v3;
	v1 =	vld [tilespmem:s5+$0x0]  }
0x1c5: {  	v2 =	vld [tilespmem:s20+$0x10000];
	[tilespmem:s1+$0x0] =	vst v0  }
0x1c6: {  	s7 =	sor.u32 s19, s4;
	v3 =	vld [tilespmem:s20+$0x1C000]  }
0x1c7: {  	s24 =	sor.u32 s19, s12;
	v5 =	vld [tilespmem:s7+$0x0]  }
0x1c8: {  	v63 =	vld [tilespmem:s24+$0x0];
	_ =	sdelay $0x2  }
0x1c9: {  	v6 =	vadd.f32 v2, v3  }
0x1ca: {  	s16 =	simm.s32 $0x0;
	s25 =	sor.u32 $0x30, s14;
	v2 =	vadd.f32 v5, v3  }
0x1cb: {  	s19 =	simm.s32 $0x8;
	s21 =	simm.s32 $0x0;
	s14 =	sor.u32 s25, s4;
	v0 =	vadd.f32 v1, v3;
	v1 =	vadd.f32 v63, v3;
	[tilespmem:s20+$0x10000] =	vst v6  }
.LBB2_9:
0x1cc: {  	s16 =	sadd.s32 $0x4, s16;
	[tilespmem:s7+$0x0] =	vst v2;
	s10 =	sadd.s32 $0x200, s10;
	s21 =	sadd.s32 $0x40, s21  }
0x1cd: {  	s1 =	sor.u32 s25, s13;
	p0 =	slt.u32 s16, $0x1FC;
	[tilespmem:s5+$0x0] =	vst v0;
	v0 =	vld [tilespmem:s14+$0x0]  }
0x1ce: {  	s4 =	sor.u32 s25, s12;
	[tilespmem:s24+$0x0] =	vst v1;
	v1 =	vld [tilespmem:s1+$0x0]  }
0x1cf: {  	s20 =	sor.u32 s25, s11;
	v2 =	vld [tilespmem:s4+$0x0]  }
0x1d0: {  	v3 =	vld [tilespmem:s20+$0x1C000]  }
0x1d1: {  	v4 =	vld [tilespmem:s20+$0x10000];
	_ =	sdelay $0x3  }
0x1d2: {  	v1 =	vadd.f32 v1, v3  }
0x1d3: {  	s11 =	sand.u32 $0x380, s19;
	s7 =	sand.u32 $0x1C00, s10;
	v0 =	vadd.f32 v0, v3;
	v2 =	vadd.f32 v2, v3  }
0x1d4: {  	s5 =	sand.u32 $0x40, s21;
	s11 =	sor.u32 s11, s7;
	v3 =	vadd.f32 v4, v3;
	[tilespmem:s1+$0x0] =	vst v1  }
0x1d5: {  	s13 =	sor.u32 $0x12000, s11;
	s7 =	sor.u32 $0x14000, s11;
	s12 =	sor.u32 $0x16000, s11;
	[tilespmem:s14+$0x0] =	vst v0  }
0x1d6: {  	s24 =	sor.u32 s5, s13;
	s3 =	sor.u32 s5, s7;
	s1 =	sor.u32 s5, s11;
	[tilespmem:s20+$0x10000] =	vst v3  }
0x1d7: {  	s25 =	sor.u32 $0x30, s5;
	s20 =	sor.u32 s5, s12;
	v0 =	vld [tilespmem:s1+$0x10000];
	[tilespmem:s4+$0x0] =	vst v2  }
0x1d8: {  	s14 =	sor.u32 s25, s7;
	v1 =	vld [tilespmem:s1+$0x1C000]  }
0x1d9: {  	v2 =	vld [tilespmem:s24+$0x0]  }
0x1da: {  	v3 =	vld [tilespmem:s3+$0x0]  }
0x1db: {  	v4 =	vld [tilespmem:s20+$0x0];
	_ =	sdelay $0x1  }
0x1dc: {  	v0 =	vadd.f32 v0, v1  }
0x1dd: {  	v2 =	vadd.f32 v2, v1  }
0x1de: {  	[tilespmem:s1+$0x10000] =	vst v0;
	v0 =	vadd.f32 v3, v1;
	s1 =	sor.u32 $0x10, s5  }
0x1df: {  	[tilespmem:s24+$0x0] =	vst v2;
	v1 =	vadd.f32 v4, v1;
	s4 =	sor.u32 s1, s13  }
0x1e0: {  	[tilespmem:s3+$0x0] =	vst v0;
	s3 =	sor.u32 s1, s11;
	v0 =	vld [tilespmem:s4+$0x0]  }
0x1e1: {  	[tilespmem:s20+$0x0] =	vst v1;
	v1 =	vld [tilespmem:s3+$0x10000]  }
0x1e2: {  	s20 =	sor.u32 s1, s12;
	v2 =	vld [tilespmem:s3+$0x1C000]  }
0x1e3: {  	s1 =	sor.u32 s1, s7;
	v3 =	vld [tilespmem:s20+$0x0]  }
0x1e4: {  	v4 =	vld [tilespmem:s1+$0x0];
	_ =	sdelay $0x2  }
0x1e5: {  	v1 =	vadd.f32 v1, v2;
	v0 =	vadd.f32 v0, v2  }
0x1e6: {  	s2 =	sor.u32 $0x20, s5;
	v3 =	vadd.f32 v3, v2  }
0x1e7: {  	s5 =	sor.u32 s2, s13;
	[tilespmem:s4+$0x0] =	vst v0;
	v0 =	vadd.f32 v4, v2  }
0x1e8: {  	[tilespmem:s3+$0x10000] =	vst v1;
	s3 =	sor.u32 s2, s11;
	v1 =	vld [tilespmem:s5+$0x0]  }
0x1e9: {  	s24 =	sor.u32 s2, s12;
	[tilespmem:s20+$0x0] =	vst v3;
	v2 =	vld [tilespmem:s3+$0x10000]  }
0x1ea: {  	[tilespmem:s1+$0x0] =	vst v0;
	v3 =	vld [tilespmem:s24+$0x0]  }
0x1eb: {  	s7 =	sor.u32 s2, s7;
	v4 =	vld [tilespmem:s3+$0x1C000]  }
0x1ec: {  	v5 =	vld [tilespmem:s7+$0x0];
	_ =	sdelay $0x1  }
.Ltmp12:
0x1ed: {  	(pc) =	sbr.rel @p0 .LBB2_9-.Ltmp12, $4  }
0x1ee: {  	_ = 	snop  }
0x1ef: {  	v6 =	vadd.f32 v2, v4;
	v0 =	vadd.f32 v1, v4  }
0x1f0: {  	v1 =	vadd.f32 v3, v4;
	v2 =	vadd.f32 v5, v4  }
0x1f1: {  	s19 =	sadd.s32 $0x8, s19;
	[tilespmem:s3+$0x10000] =	vst v6  }
0x1f2: {  	[tilespmem:s7+$0x0] =	vst v2  }
0x1f3: {  	[tilespmem:s5+$0x0] =	vst v0;
	s1 =	sor.u32 s25, s13  }
0x1f4: {  	[tilespmem:s24+$0x0] =	vst v1;
	s2 =	sor.u32 s25, s11;
	v0 =	vld [tilespmem:s1+$0x0]  }
0x1f5: {  	v1 =	vld [tilespmem:s2+$0x1C000]  }
0x1f6: {  	v2 =	vld [tilespmem:s14+$0x0]  }
0x1f7: {  	s3 =	sor.u32 s25, s12;
	v3 =	vld [tilespmem:s2+$0x10000]  }
0x1f8: {  	v4 =	vld [tilespmem:s3+$0x0];
	_ =	sdelay $0x1  }
0x1f9: {  	v0 =	vadd.f32 v0, v1  }
0x1fa: {  	v2 =	vadd.f32 v2, v1  }
.Ltmp13:
0x1fb: {  	v3 =	vadd.f32 v3, v1;
	[tilespmem:s1+$0x0] =	vst v0;
	(pc) =	sbr.rel .LBB2_17-.Ltmp13, $4  }
0x1fc: {  	s21 =	sadd.s32 s15, s8;
	v63 =	vadd.f32 v4, v1;
	[tilespmem:s14+$0x0] =	vst v2  }
0x1fd: {  	s24 =	rddreg [dreg:$0x2];
	[tilespmem:s2+$0x10000] =	vst v3;
	s1 =	sshll.u32 s21, $0xA  }
0x1fe: {  	s25 =	simm.s32 $0x10000;
	[tilespmem:s3+$0x0] =	vst v63;
	s1 =	sadd.s32 s24, s1  }
0x1ff: {  	[hbm4b:s1+s17] =	stream.strided.scatter [tilespmem:s25], [sflag:$0x9], $0x8000, s18, s17, $0x38;
	[tilespmem:$0x1E000] =	vst v63  }
.LBB2_19:
0x200: {  	_ =	sfence.sel $0x180000  }
0x201: {  	[bflag:$0x0] =	sbarrier.arrive $0xFFFF  }
0x202: {  	_ =	strace $0x90000047  }
0x203: {  	s0 =	stileid.u32;
	[bflag:$0x2] =	sbarrier.arrive $0xFFFF  }
0x204: {  	p0 =	sne.s32 s0, $0x0;
	s0 =	rddreg [dreg:$0x3]  }
0x205: {  	s0 =	sadd.s32 @!p0 $0x100000, s0  }
0x206: {  	[sflag:s0] =	ssyncadd.tile.s32 @!p0 $0x1;
	_ =	shalt  }
.Lfunc_end2:
_tile_overlayer_lowered:
.L_overlay_start_2:
0x207: {  	(tag) =	ssettag $0x2  }
0x208: {  	s0 =	rddreg [dreg:$0x0];
	s2 =	stileid.u32  }
0x209: {  	s1 =	rddreg [dreg:$0x1];
	p0 =	sne.s32 s2, $0x0  }
0x20a: {  	s3 =	rddreg [dreg:$0x2];
	[bflag:$0x3] =	sbarrier.arrive $0xFFFF;
	s2 =	simm.s32 @!p0 $0x1C0A  }
0x20b: {  	[timem:s3], [sflag:s2] =	dma.local @!p0 [hbm:s0], s1  }
0x20c: {  	s0 =	simm.s32 @!p0 $0xA  }
0x20d: {  	_ =	swait.ge @!p0 [sflag:s0], s1  }
0x20e: {  	s1 =	ssub.s32 @!p0 $0x0, s1;
	[sflag:s0] =	ssyncset.done @!p0 $0x0  }
0x20f: {  	[sflag:s0] =	ssyncadd.s32 @!p0 s1  }
0x210: {  	[bflag:$0x3] =	sbarrier.arrive $0xFFFF  }
0x211: {  	_ =	shalt  }

</sc_bundles>
